<compile_context>
chip_gen: v7x
topology: tpu7x:2x2x1
jax: 0.10.2.dev20260603
libtpu: 0.0.44.dev20260713+nightly
codegen_flags: <defaults>
</compile_context>

<pallas_src>
import functools

import jax
import jax.numpy as jnp
from jax import lax
from jax.experimental import pallas as pl
from jax.experimental.pallas import tpu as pltpu
from jax.experimental.pallas import tpu_sc as plsc

N_NODES = 10000
N_EDGES = 320000
D_X = 120
IN_CH = 128
HID = 128
N_GRAPHS = 64

NC = 2
NS = 16
NW = NC * NS
CHUNK = 128
K = 80
E_PAD = NW * K * CHUNK
SW = 40
ACC_ROWS = 10112
RPS = ACC_ROWS // NS
DEG_ROWS = 10240
DRPS = DEG_ROWS // NS
RBLK = 2000
GRID = N_NODES // RBLK

_mesh = plsc.VectorSubcoreMesh(core_axis_name="c", subcore_axis_name="s")



def _sc_degree(dst2d, z128, o128):

    @functools.partial(
        pl.kernel, mesh=_mesh,
        out_type=jax.ShapeDtypeStruct((NC, DEG_ROWS, HID), jnp.float32),
        scratch_types=[
            pltpu.VMEM((K, CHUNK), jnp.int32),
            pltpu.VMEM((CHUNK, HID), jnp.float32),
            pltpu.VMEM_SHARED((DEG_ROWS, HID), jnp.float32),
        ],
    )
    def k(dst_hbm, z_hbm, o_hbm, out_hbm, didx, ones_v, acc):
        cid = lax.axis_index("c")
        sid = lax.axis_index("s")
        wid = cid * NS + sid
        pltpu.sync_copy(z_hbm, acc.at[pl.ds(sid * DRPS, DRPS), :])
        pltpu.sync_copy(dst_hbm.at[pl.ds(wid * K, K), :], didx)
        pltpu.sync_copy(o_hbm, ones_v)
        plsc.subcore_barrier()

        @pl.loop(0, K)
        def _(j):
            pltpu.sync_copy(ones_v, acc.at[didx.at[j]], add=True)

        plsc.subcore_barrier()
        pltpu.sync_copy(acc.at[pl.ds(sid * DRPS, DRPS), :],
                        out_hbm.at[cid, pl.ds(sid * DRPS, DRPS), :])

    return k(dst2d, z128, o128)


def _sc_propagate(g, src2d, dst2d, z128):

    @functools.partial(
        pl.kernel, mesh=_mesh,
        out_type=jax.ShapeDtypeStruct((NC, ACC_ROWS, HID), jnp.float32),
        scratch_types=[
            pltpu.VMEM((SW, CHUNK), jnp.int32),
            pltpu.VMEM((SW, CHUNK), jnp.int32),
            pltpu.VMEM((CHUNK, HID), jnp.float32),
            pltpu.VMEM((CHUNK, HID), jnp.float32),
            pltpu.VMEM_SHARED((ACC_ROWS, HID), jnp.float32),
            pltpu.SemaphoreType.DMA,
            pltpu.SemaphoreType.DMA,
        ],
    )
    def k(g_hbm, src_hbm, dst_hbm, z_hbm, out_hbm,
          sidx, didx, rows_a, rows_b, acc, sem_a, sem_b):
        cid = lax.axis_index("c")
        sid = lax.axis_index("s")
        wid = cid * NS + sid
        pltpu.sync_copy(z_hbm, acc.at[pl.ds(sid * RPS, RPS), :])
        plsc.subcore_barrier()

        def gstart(j, buf, sem):
            pltpu.make_async_copy(g_hbm.at[sidx.at[j]], buf, sem).start()

        def gwait(buf, sem):
            pltpu.make_async_copy(g_hbm.at[sidx.at[0]], buf, sem).wait()

        def scat(j, buf):
            pltpu.sync_copy(buf, acc.at[didx.at[j]], add=True)

        def sweep(cbase, n):
            pltpu.sync_copy(src_hbm.at[pl.ds(cbase, n), :],
                            sidx.at[pl.ds(0, n), :])
            pltpu.sync_copy(dst_hbm.at[pl.ds(cbase, n), :],
                            didx.at[pl.ds(0, n), :])
            gstart(0, rows_a, sem_a)

            @pl.loop(0, n - 2, step=2)
            def _(j):
                gstart(j + 1, rows_b, sem_b)
                gwait(rows_a, sem_a)
                scat(j, rows_a)
                gstart(j + 2, rows_a, sem_a)
                gwait(rows_b, sem_b)
                scat(j + 1, rows_b)

            gstart(n - 1, rows_b, sem_b)
            gwait(rows_a, sem_a)
            scat(n - 2, rows_a)
            gwait(rows_b, sem_b)
            scat(n - 1, rows_b)

        sweep(wid * K, SW)
        sweep(wid * K + SW, SW)

        plsc.subcore_barrier()
        pltpu.sync_copy(acc.at[pl.ds(sid * RPS, RPS), :],
                        out_hbm.at[cid, pl.ds(sid * RPS, RPS), :])

    return k(g, src2d, dst2d, z128)



def _tc_u1(x, batch2d, drone_feat, w1a, w1b):

    def body(x_ref, b_ref, df_ref, wa_ref, wb_ref, o_ref):
        dfw = jnp.dot(df_ref[...], wb_ref[...],
                      preferred_element_type=jnp.float32)
        gid = lax.broadcasted_iota(jnp.int32, (RBLK, N_GRAPHS), 1)
        oh = (b_ref[...] == gid).astype(jnp.float32)
        o_ref[...] = (
            jnp.dot(x_ref[...], wa_ref[...], preferred_element_type=jnp.float32)
            + jnp.dot(oh, dfw, preferred_element_type=jnp.float32))

    return pl.pallas_call(
        body,
        grid=(GRID,),
        in_specs=[
            pl.BlockSpec((RBLK, D_X), lambda i: (i, 0)),
            pl.BlockSpec((RBLK, 1), lambda i: (i, 0)),
            pl.BlockSpec((N_GRAPHS, 8), lambda i: (0, 0)),
            pl.BlockSpec((D_X, HID), lambda i: (0, 0)),
            pl.BlockSpec((8, HID), lambda i: (0, 0)),
        ],
        out_specs=pl.BlockSpec((RBLK, HID), lambda i: (i, 0)),
        out_shape=jax.ShapeDtypeStruct((N_NODES, HID), jnp.float32),
    )(x, batch2d, drone_feat, w1a, w1b)


def _dis_block(d0_ref, d1_ref):
    deg = 1.0 + d0_ref[...][:, 0:1] + d1_ref[...][:, 0:1]
    return lax.rsqrt(deg)


def _tc_scale(u, d0, d1):

    def body(u_ref, d0_ref, d1_ref, o_ref):
        o_ref[...] = u_ref[...] * _dis_block(d0_ref, d1_ref)

    return pl.pallas_call(
        body,
        grid=(GRID,),
        in_specs=[
            pl.BlockSpec((RBLK, HID), lambda i: (i, 0)),
            pl.BlockSpec((RBLK, HID), lambda i: (i, 0)),
            pl.BlockSpec((RBLK, HID), lambda i: (i, 0)),
        ],
        out_specs=pl.BlockSpec((RBLK, HID), lambda i: (i, 0)),
        out_shape=jax.ShapeDtypeStruct((N_NODES, HID), jnp.float32),
    )(u, d0, d1)


def _tc_mid(p0, p1, g, w_next, b_prev, d0, d1):

    def body(p0_ref, p1_ref, g_ref, w_ref, b_ref, d0_ref, d1_ref, o_ref):
        dis = _dis_block(d0_ref, d1_ref)
        h = jnp.maximum(
            dis * (p0_ref[...] + p1_ref[...] + g_ref[...]) + b_ref[...], 0.0)
        o_ref[...] = dis * jnp.dot(h, w_ref[...],
                                   preferred_element_type=jnp.float32)

    return pl.pallas_call(
        body,
        grid=(GRID,),
        in_specs=[
            pl.BlockSpec((RBLK, HID), lambda i: (i, 0)),
            pl.BlockSpec((RBLK, HID), lambda i: (i, 0)),
            pl.BlockSpec((RBLK, HID), lambda i: (i, 0)),
            pl.BlockSpec((HID, HID), lambda i: (0, 0)),
            pl.BlockSpec((1, HID), lambda i: (0, 0)),
            pl.BlockSpec((RBLK, HID), lambda i: (i, 0)),
            pl.BlockSpec((RBLK, HID), lambda i: (i, 0)),
        ],
        out_specs=pl.BlockSpec((RBLK, HID), lambda i: (i, 0)),
        out_shape=jax.ShapeDtypeStruct((N_NODES, HID), jnp.float32),
    )(p0, p1, g, w_next, b_prev, d0, d1)


def _tc_final(p0, p1, g, b, d0, d1):

    def body(p0_ref, p1_ref, g_ref, b_ref, d0_ref, d1_ref, o_ref):
        dis = _dis_block(d0_ref, d1_ref)
        o_ref[...] = dis * (p0_ref[...] + p1_ref[...] + g_ref[...]) + b_ref[...]

    return pl.pallas_call(
        body,
        grid=(GRID,),
        in_specs=[
            pl.BlockSpec((RBLK, HID), lambda i: (i, 0)),
            pl.BlockSpec((RBLK, HID), lambda i: (i, 0)),
            pl.BlockSpec((RBLK, HID), lambda i: (i, 0)),
            pl.BlockSpec((1, HID), lambda i: (0, 0)),
            pl.BlockSpec((RBLK, HID), lambda i: (i, 0)),
            pl.BlockSpec((RBLK, HID), lambda i: (i, 0)),
        ],
        out_specs=pl.BlockSpec((RBLK, HID), lambda i: (i, 0)),
        out_shape=jax.ShapeDtypeStruct((N_NODES, HID), jnp.float32),
    )(p0, p1, g, b, d0, d1)



def kernel(x, edge_index, drone_feat, batch, W1, b1, W2, b2, W3, b3):
    src = edge_index[0].astype(jnp.int32)
    dst = edge_index[1].astype(jnp.int32)
    pad = E_PAD - N_EDGES
    src2d = jnp.concatenate(
        [src, jnp.arange(pad, dtype=jnp.int32) % N_NODES]
    ).reshape(E_PAD // CHUNK, CHUNK)
    dst2d = jnp.concatenate(
        [dst, jnp.full((pad,), N_NODES, jnp.int32)]).reshape(E_PAD // CHUNK, CHUNK)
    z128 = jnp.zeros((RPS, HID), jnp.float32)
    zdeg = jnp.zeros((DRPS, HID), jnp.float32)
    odeg = jnp.ones((CHUNK, HID), jnp.float32)

    degp = _sc_degree(dst2d, zdeg, odeg)
    d0, d1 = degp[0], degp[1]

    u1 = _tc_u1(x, batch[:, None].astype(jnp.int32), drone_feat,
                W1[:D_X], W1[D_X:])
    g1 = _tc_scale(u1, d0, d1)

    p = _sc_propagate(g1, src2d, dst2d, z128)
    g2 = _tc_mid(p[0], p[1], g1, W2, b1[None, :], d0, d1)

    p = _sc_propagate(g2, src2d, dst2d, z128)
    g3 = _tc_mid(p[0], p[1], g2, W3, b2[None, :], d0, d1)

    p = _sc_propagate(g3, src2d, dst2d, z128)
    return _tc_final(p[0], p[1], g3, b3[None, :], d0, d1)

# --- scband reference (transcript-rebuilt; emitter-appended) ---
"""Pipeline reference for scband-gcn-48687749268053 (READ-ONLY COPY).

The authoritative reference and input builder live on the scoring server;
editing this copy changes nothing except your own understanding.
"""

import jax, jax.numpy as jnp
import numpy as np

N_NODES = 10000
N_EDGES = 320000
D_X = 120
D_DRONE = 8
IN_CH = 128
HID = 128
OUT = 128
N_GRAPHS = 64


def glorot(key, shape):
    fan_in, fan_out = shape
    lim = jnp.sqrt(6.0 / (fan_in + fan_out))
    return jax.random.uniform(key, shape, dtype=jnp.float32, minval=-lim, maxval=lim)


def setup_inputs(seed: int = 0) -> dict:
    key = jax.random.key(seed)
    ks = jax.random.split(key, 12)
    x = jax.random.normal(ks[0], (N_NODES, D_X), dtype=jnp.float32)
    edge_index = jax.random.randint(ks[1], (2, N_EDGES), 0, N_NODES, dtype=jnp.int64 if jax.config.read('jax_enable_x64') else jnp.int32).astype(jnp.int32)
    drone_feat = jax.random.normal(ks[2], (N_GRAPHS, D_DRONE), dtype=jnp.float32)
    batch = jnp.sort(jax.random.randint(ks[3], (N_NODES,), 0, N_GRAPHS, dtype=jnp.int32))
    W1 = glorot(ks[4], (IN_CH, HID))
    b1 = jnp.zeros((HID,), dtype=jnp.float32)
    W2 = glorot(ks[5], (HID, HID))
    b2 = jnp.zeros((HID,), dtype=jnp.float32)
    W3 = glorot(ks[6], (HID, OUT))
    b3 = jnp.zeros((OUT,), dtype=jnp.float32)
    return {"x": x, "edge_index": edge_index, "drone_feat": drone_feat, "batch": batch,
            "W1": W1, "b1": b1, "W2": W2, "b2": b2, "W3": W3, "b3": b3}


def gcn_conv(x, src, dst, W, b, n_nodes):
    # PyG GCNConv semantics: add self-loops, symmetric normalization, scatter-add
    loop = jnp.arange(n_nodes, dtype=src.dtype)
    s = jnp.concatenate([src, loop])
    d = jnp.concatenate([dst, loop])
    deg = jnp.zeros((n_nodes,), dtype=jnp.float32).at[d].add(1.0)
    dis = jnp.where(deg > 0, jax.lax.rsqrt(deg), 0.0)
    norm = dis[s] * dis[d]
    h = x @ W
    msg = h[s] * norm[:, None]
    out = jnp.zeros((n_nodes, W.shape[1]), dtype=jnp.float32).at[d].add(msg)
    return out + b


def reference(x, edge_index, drone_feat, batch, W1, b1, W2, b2, W3, b3):
    src = edge_index[0]
    dst = edge_index[1]
    n = x.shape[0]
    # x = torch.cat([x, drone_feat[batch]], dim=-1)
    h = jnp.concatenate([x, drone_feat[batch]], axis=-1)
    h = jax.nn.relu(gcn_conv(h, src, dst, W1, b1, n))
    # dropout is identity in eval mode
    h = jax.nn.relu(gcn_conv(h, src, dst, W2, b2, n))
    return gcn_conv(h, src, dst, W3, b3, n)

if __name__ == "__main__":
    import jax
    _d = setup_inputs()
    print(jax.jit(kernel)(*tuple(_d.values())))

</pallas_src>

<mosaic_0001>
#map = affine_map<(d0, d1) -> (0, 0)>
#map1 = affine_map<(d0, d1) -> (0, 0, 0)>
module attributes {stable_mosaic.version = 14 : i64} {
  func.func @k(%arg0: i32, %arg1: i32, %arg2: memref<10000x128xf32, #tpu.memory_space<hbm>>, %arg3: memref<2560x128xi32, #tpu.memory_space<hbm>>, %arg4: memref<2560x128xi32, #tpu.memory_space<hbm>>, %arg5: memref<632x128xf32, #tpu.memory_space<hbm>>, %arg6: memref<2x10112x128xf32, #tpu.memory_space<hbm>>, %arg7: memref<40x128xi32, #tpu.memory_space<vmem>>, %arg8: memref<40x128xi32, #tpu.memory_space<vmem>>, %arg9: memref<128x128xf32, #tpu.memory_space<vmem>>, %arg10: memref<128x128xf32, #tpu.memory_space<vmem>>, %arg11: memref<10112x128xf32, #tpu.memory_space<vmem_shared>>, %arg12: memref<!tpu.dma_semaphore, #tpu.memory_space<semaphore_mem>>, %arg13: memref<!tpu.dma_semaphore, #tpu.memory_space<semaphore_mem>>) attributes {dimension_semantics = [#tpu.dimension_semantics<core_parallel>, #tpu.dimension_semantics<subcore_parallel>], iteration_bounds = array<i64: 2, 16>, scalar_prefetch = 0 : i64, scratch_operands = 7 : i64, tpu.core_type = #tpu.core_type<sc_vector_subcore>, window_params = [{transform_indices = #map}, {transform_indices = #map}, {transform_indices = #map}, {transform_indices = #map}, {transform_indices = #map1}]} {
    %mul3A = arith.constant 16 : i32
    %mul3A_0 = arith.muli %arg0, %mul3A : i32
    %add3A = arith.addi %mul3A_0, %arg1 : i32
    %mul3A_1 = arith.constant 632 : i32
    %mul3A_2 = arith.muli %arg1, %mul3A_1 : i32
    "tpu.region"() ({
      %run_scoped3A_80 = tpu.sem_alloc : memref<!tpu.dma_semaphore, #tpu.memory_space<semaphore_mem>>
      %dma_start3A_81 = arith.constant 0 : i32
      %dma_start3A_82 = tpu.memref_slice %arg11[%mul3A_2, %dma_start3A_81] : memref<10112x128xf32, #tpu.memory_space<vmem_shared>> -> memref<632x128xf32, #tpu.memory_space<vmem_shared>>
      tpu.enqueue_dma source(%arg5 : memref<632x128xf32, #tpu.memory_space<hbm>>) target(%dma_start3A_82 : memref<632x128xf32, #tpu.memory_space<vmem_shared>>) target_semaphore(%run_scoped3A_80 : memref<!tpu.dma_semaphore, #tpu.memory_space<semaphore_mem>>)
      %dma_wait3A_83 = arith.constant 0 : i32
      %dma_wait3A_84 = tpu.memref_slice %arg11[%mul3A_2, %dma_wait3A_83] : memref<10112x128xf32, #tpu.memory_space<vmem_shared>> -> memref<632x128xf32, #tpu.memory_space<vmem_shared>>
      tpu.wait_dma2 semaphore(%run_scoped3A_80 : memref<!tpu.dma_semaphore, #tpu.memory_space<semaphore_mem>>) src(%arg5 : memref<632x128xf32, #tpu.memory_space<hbm>>) dst(%dma_wait3A_84 : memref<632x128xf32, #tpu.memory_space<vmem_shared>>)
      tpu.yield
    }) : () -> ()
    %barrier3A = arith.constant 0 : index
    tpu.barrier barrier_id(%barrier3A)
    %mul3A_3 = arith.constant 80 : i32
    %mul3A_4 = arith.muli %add3A, %mul3A_3 : i32
    "tpu.region"() ({
      %run_scoped3A_80 = tpu.sem_alloc : memref<!tpu.dma_semaphore, #tpu.memory_space<semaphore_mem>>
      %dma_start3A_81 = arith.constant 0 : i32
      %dma_start3A_82 = arith.constant 0 : i32
      %dma_start3A_83 = tpu.memref_slice %arg7[%dma_start3A_81, %dma_start3A_82] : memref<40x128xi32, #tpu.memory_space<vmem>> -> memref<40x128xi32, #tpu.memory_space<vmem>>
      %dma_start3A_84 = arith.constant 0 : i32
      %dma_start3A_85 = tpu.memref_slice %arg3[%mul3A_4, %dma_start3A_84] : memref<2560x128xi32, #tpu.memory_space<hbm>> -> memref<40x128xi32, #tpu.memory_space<hbm>>
      %dma_start3A_86 = arith.constant 0 : i32
      %dma_start3A_87 = arith.constant 0 : i32
      %dma_start3A_88 = tpu.memref_slice %arg7[%dma_start3A_86, %dma_start3A_87] : memref<40x128xi32, #tpu.memory_space<vmem>> -> memref<40x128xi32, #tpu.memory_space<vmem>>
      %dma_start3A_89 = arith.constant 0 : i32
      %dma_start3A_90 = tpu.memref_slice %arg3[%mul3A_4, %dma_start3A_89] : memref<2560x128xi32, #tpu.memory_space<hbm>> -> memref<40x128xi32, #tpu.memory_space<hbm>>
      tpu.enqueue_dma source(%dma_start3A_90 : memref<40x128xi32, #tpu.memory_space<hbm>>) target(%dma_start3A_88 : memref<40x128xi32, #tpu.memory_space<vmem>>) target_semaphore(%run_scoped3A_80 : memref<!tpu.dma_semaphore, #tpu.memory_space<semaphore_mem>>)
      %dma_wait3A_91 = arith.constant 0 : i32
      %dma_wait3A_92 = arith.constant 0 : i32
      %dma_wait3A_93 = tpu.memref_slice %arg7[%dma_wait3A_91, %dma_wait3A_92] : memref<40x128xi32, #tpu.memory_space<vmem>> -> memref<40x128xi32, #tpu.memory_space<vmem>>
      %dma_wait3A_94 = arith.constant 0 : i32
      %dma_wait3A_95 = tpu.memref_slice %arg3[%mul3A_4, %dma_wait3A_94] : memref<2560x128xi32, #tpu.memory_space<hbm>> -> memref<40x128xi32, #tpu.memory_space<hbm>>
      %dma_wait3A_96 = arith.constant 0 : i32
      %dma_wait3A_97 = arith.constant 0 : i32
      %dma_wait3A_98 = tpu.memref_slice %arg7[%dma_wait3A_96, %dma_wait3A_97] : memref<40x128xi32, #tpu.memory_space<vmem>> -> memref<40x128xi32, #tpu.memory_space<vmem>>
      %dma_wait3A_99 = arith.constant 0 : i32
      %dma_wait3A_100 = tpu.memref_slice %arg3[%mul3A_4, %dma_wait3A_99] : memref<2560x128xi32, #tpu.memory_space<hbm>> -> memref<40x128xi32, #tpu.memory_space<hbm>>
      tpu.wait_dma2 semaphore(%run_scoped3A_80 : memref<!tpu.dma_semaphore, #tpu.memory_space<semaphore_mem>>) src(%dma_wait3A_100 : memref<40x128xi32, #tpu.memory_space<hbm>>) dst(%dma_wait3A_98 : memref<40x128xi32, #tpu.memory_space<vmem>>)
      tpu.yield
    }) : () -> ()
    "tpu.region"() ({
      %run_scoped3A_80 = tpu.sem_alloc : memref<!tpu.dma_semaphore, #tpu.memory_space<semaphore_mem>>
      %dma_start3A_81 = arith.constant 0 : i32
      %dma_start3A_82 = arith.constant 0 : i32
      %dma_start3A_83 = tpu.memref_slice %arg8[%dma_start3A_81, %dma_start3A_82] : memref<40x128xi32, #tpu.memory_space<vmem>> -> memref<40x128xi32, #tpu.memory_space<vmem>>
      %dma_start3A_84 = arith.constant 0 : i32
      %dma_start3A_85 = tpu.memref_slice %arg4[%mul3A_4, %dma_start3A_84] : memref<2560x128xi32, #tpu.memory_space<hbm>> -> memref<40x128xi32, #tpu.memory_space<hbm>>
      %dma_start3A_86 = arith.constant 0 : i32
      %dma_start3A_87 = arith.constant 0 : i32
      %dma_start3A_88 = tpu.memref_slice %arg8[%dma_start3A_86, %dma_start3A_87] : memref<40x128xi32, #tpu.memory_space<vmem>> -> memref<40x128xi32, #tpu.memory_space<vmem>>
      %dma_start3A_89 = arith.constant 0 : i32
      %dma_start3A_90 = tpu.memref_slice %arg4[%mul3A_4, %dma_start3A_89] : memref<2560x128xi32, #tpu.memory_space<hbm>> -> memref<40x128xi32, #tpu.memory_space<hbm>>
      tpu.enqueue_dma source(%dma_start3A_90 : memref<40x128xi32, #tpu.memory_space<hbm>>) target(%dma_start3A_88 : memref<40x128xi32, #tpu.memory_space<vmem>>) target_semaphore(%run_scoped3A_80 : memref<!tpu.dma_semaphore, #tpu.memory_space<semaphore_mem>>)
      %dma_wait3A_91 = arith.constant 0 : i32
      %dma_wait3A_92 = arith.constant 0 : i32
      %dma_wait3A_93 = tpu.memref_slice %arg8[%dma_wait3A_91, %dma_wait3A_92] : memref<40x128xi32, #tpu.memory_space<vmem>> -> memref<40x128xi32, #tpu.memory_space<vmem>>
      %dma_wait3A_94 = arith.constant 0 : i32
      %dma_wait3A_95 = tpu.memref_slice %arg4[%mul3A_4, %dma_wait3A_94] : memref<2560x128xi32, #tpu.memory_space<hbm>> -> memref<40x128xi32, #tpu.memory_space<hbm>>
      %dma_wait3A_96 = arith.constant 0 : i32
      %dma_wait3A_97 = arith.constant 0 : i32
      %dma_wait3A_98 = tpu.memref_slice %arg8[%dma_wait3A_96, %dma_wait3A_97] : memref<40x128xi32, #tpu.memory_space<vmem>> -> memref<40x128xi32, #tpu.memory_space<vmem>>
      %dma_wait3A_99 = arith.constant 0 : i32
      %dma_wait3A_100 = tpu.memref_slice %arg4[%mul3A_4, %dma_wait3A_99] : memref<2560x128xi32, #tpu.memory_space<hbm>> -> memref<40x128xi32, #tpu.memory_space<hbm>>
      tpu.wait_dma2 semaphore(%run_scoped3A_80 : memref<!tpu.dma_semaphore, #tpu.memory_space<semaphore_mem>>) src(%dma_wait3A_100 : memref<40x128xi32, #tpu.memory_space<hbm>>) dst(%dma_wait3A_98 : memref<40x128xi32, #tpu.memory_space<vmem>>)
      tpu.yield
    }) : () -> ()
    %dma_start3A = arith.constant 0 : i32
    %dma_start3A_5 = arith.constant 0 : i32
    %dma_start3A_6 = tpu.memref_slice %arg7[%dma_start3A, %dma_start3A_5] : memref<40x128xi32, #tpu.memory_space<vmem>> -> memref<1x128xi32, #tpu.memory_space<vmem>>
    %dma_start3A_7 = tpu.memref_squeeze %dma_start3A_6 : memref<1x128xi32, #tpu.memory_space<vmem>> -> memref<128xi32, #tpu.memory_space<vmem>>
    %dma_start3A_8 = arith.constant 0 : i32
    %dma_start3A_9 = arith.constant 0 : i32
    %dma_start3A_10 = tpu.memref_slice %arg2[%dma_start3A_8, %dma_start3A_9] : memref<10000x128xf32, #tpu.memory_space<hbm>> -> memref<10000x128xf32, #tpu.memory_space<hbm>>
    tpu.enqueue_indirect_dma source(%dma_start3A_10 : memref<10000x128xf32, #tpu.memory_space<hbm>>) target(%arg9 : memref<128x128xf32, #tpu.memory_space<vmem>>) offsets(%dma_start3A_7 : memref<128xi32, #tpu.memory_space<vmem>>) semaphore(%arg12 : memref<!tpu.dma_semaphore, #tpu.memory_space<semaphore_mem>>)
    %scan3A = arith.constant 0 : i32
    %scan3A_11 = arith.constant 19 : i32
    %scan3A_12 = arith.addi %scan3A, %scan3A_11 : i32
    %scan3A_13 = arith.constant 1 : i32
    scf.for %scan3A_80 = %scan3A to %scan3A_12 step %scan3A_13  : i32 {
      %mul3A_81 = arith.constant 2 : i32
      %mul3A_82 = arith.muli %scan3A_80, %mul3A_81 : i32
      %add3A_83 = arith.constant 0 : i32
      %add3A_84 = arith.addi %add3A_83, %mul3A_82 : i32
      %add3A_85 = arith.constant 1 : i32
      %add3A_86 = arith.addi %add3A_84, %add3A_85 : i32
      %dma_start3A_87 = arith.constant 0 : i32
      %dma_start3A_88 = tpu.memref_slice %arg7[%add3A_86, %dma_start3A_87] : memref<40x128xi32, #tpu.memory_space<vmem>> -> memref<1x128xi32, #tpu.memory_space<vmem>>
      %dma_start3A_89 = tpu.memref_squeeze %dma_start3A_88 : memref<1x128xi32, #tpu.memory_space<vmem>> -> memref<128xi32, #tpu.memory_space<vmem>>
      %dma_start3A_90 = arith.constant 0 : i32
      %dma_start3A_91 = arith.constant 0 : i32
      %dma_start3A_92 = tpu.memref_slice %arg2[%dma_start3A_90, %dma_start3A_91] : memref<10000x128xf32, #tpu.memory_space<hbm>> -> memref<10000x128xf32, #tpu.memory_space<hbm>>
      tpu.enqueue_indirect_dma source(%dma_start3A_92 : memref<10000x128xf32, #tpu.memory_space<hbm>>) target(%arg10 : memref<128x128xf32, #tpu.memory_space<vmem>>) offsets(%dma_start3A_89 : memref<128xi32, #tpu.memory_space<vmem>>) semaphore(%arg13 : memref<!tpu.dma_semaphore, #tpu.memory_space<semaphore_mem>>)
      %dma_wait3A_93 = arith.constant 0 : i32
      %dma_wait3A_94 = arith.constant 0 : i32
      %dma_wait3A_95 = tpu.memref_slice %arg7[%dma_wait3A_93, %dma_wait3A_94] : memref<40x128xi32, #tpu.memory_space<vmem>> -> memref<1x128xi32, #tpu.memory_space<vmem>>
      %dma_wait3A_96 = tpu.memref_squeeze %dma_wait3A_95 : memref<1x128xi32, #tpu.memory_space<vmem>> -> memref<128xi32, #tpu.memory_space<vmem>>
      %dma_wait3A_97 = arith.constant 0 : i32
      %dma_wait3A_98 = arith.constant 0 : i32
      %dma_wait3A_99 = tpu.memref_slice %arg2[%dma_wait3A_97, %dma_wait3A_98] : memref<10000x128xf32, #tpu.memory_space<hbm>> -> memref<10000x128xf32, #tpu.memory_space<hbm>>
      tpu.wait_indirect_dma semaphore(%arg12 : memref<!tpu.dma_semaphore, #tpu.memory_space<semaphore_mem>>) src(%dma_wait3A_99 : memref<10000x128xf32, #tpu.memory_space<hbm>>) dst(%arg9 : memref<128x128xf32, #tpu.memory_space<vmem>>)
      "tpu.region"() ({
        %run_scoped3A_117 = tpu.sem_alloc : memref<!tpu.dma_semaphore, #tpu.memory_space<semaphore_mem>>
        %dma_start3A_118 = arith.constant 0 : i32
        %dma_start3A_119 = tpu.memref_slice %arg8[%add3A_84, %dma_start3A_118] : memref<40x128xi32, #tpu.memory_space<vmem>> -> memref<1x128xi32, #tpu.memory_space<vmem>>
        %dma_start3A_120 = tpu.memref_squeeze %dma_start3A_119 : memref<1x128xi32, #tpu.memory_space<vmem>> -> memref<128xi32, #tpu.memory_space<vmem>>
        %dma_start3A_121 = arith.constant 0 : i32
        %dma_start3A_122 = arith.constant 0 : i32
        %dma_start3A_123 = tpu.memref_slice %arg11[%dma_start3A_121, %dma_start3A_122] : memref<10112x128xf32, #tpu.memory_space<vmem_shared>> -> memref<10112x128xf32, #tpu.memory_space<vmem_shared>>
        tpu.enqueue_indirect_dma source(%arg9 : memref<128x128xf32, #tpu.memory_space<vmem>>) target(%dma_start3A_123 : memref<10112x128xf32, #tpu.memory_space<vmem_shared>>) offsets(%dma_start3A_120 : memref<128xi32, #tpu.memory_space<vmem>>) semaphore(%run_scoped3A_117 : memref<!tpu.dma_semaphore, #tpu.memory_space<semaphore_mem>>) {add = true}
        %dma_wait3A_124 = arith.constant 0 : i32
        %dma_wait3A_125 = tpu.memref_slice %arg8[%add3A_84, %dma_wait3A_124] : memref<40x128xi32, #tpu.memory_space<vmem>> -> memref<1x128xi32, #tpu.memory_space<vmem>>
        %dma_wait3A_126 = tpu.memref_squeeze %dma_wait3A_125 : memref<1x128xi32, #tpu.memory_space<vmem>> -> memref<128xi32, #tpu.memory_space<vmem>>
        %dma_wait3A_127 = arith.constant 0 : i32
        %dma_wait3A_128 = arith.constant 0 : i32
        %dma_wait3A_129 = tpu.memref_slice %arg11[%dma_wait3A_127, %dma_wait3A_128] : memref<10112x128xf32, #tpu.memory_space<vmem_shared>> -> memref<10112x128xf32, #tpu.memory_space<vmem_shared>>
        tpu.wait_indirect_dma semaphore(%run_scoped3A_117 : memref<!tpu.dma_semaphore, #tpu.memory_space<semaphore_mem>>) src(%arg9 : memref<128x128xf32, #tpu.memory_space<vmem>>) dst(%dma_wait3A_129 : memref<10112x128xf32, #tpu.memory_space<vmem_shared>>)
        tpu.yield
      }) : () -> ()
      %add3A_100 = arith.constant 2 : i32
      %add3A_101 = arith.addi %add3A_84, %add3A_100 : i32
      %dma_start3A_102 = arith.constant 0 : i32
      %dma_start3A_103 = tpu.memref_slice %arg7[%add3A_101, %dma_start3A_102] : memref<40x128xi32, #tpu.memory_space<vmem>> -> memref<1x128xi32, #tpu.memory_space<vmem>>
      %dma_start3A_104 = tpu.memref_squeeze %dma_start3A_103 : memref<1x128xi32, #tpu.memory_space<vmem>> -> memref<128xi32, #tpu.memory_space<vmem>>
      %dma_start3A_105 = arith.constant 0 : i32
      %dma_start3A_106 = arith.constant 0 : i32
      %dma_start3A_107 = tpu.memref_slice %arg2[%dma_start3A_105, %dma_start3A_106] : memref<10000x128xf32, #tpu.memory_space<hbm>> -> memref<10000x128xf32, #tpu.memory_space<hbm>>
      tpu.enqueue_indirect_dma source(%dma_start3A_107 : memref<10000x128xf32, #tpu.memory_space<hbm>>) target(%arg9 : memref<128x128xf32, #tpu.memory_space<vmem>>) offsets(%dma_start3A_104 : memref<128xi32, #tpu.memory_space<vmem>>) semaphore(%arg12 : memref<!tpu.dma_semaphore, #tpu.memory_space<semaphore_mem>>)
      %dma_wait3A_108 = arith.constant 0 : i32
      %dma_wait3A_109 = arith.constant 0 : i32
      %dma_wait3A_110 = tpu.memref_slice %arg7[%dma_wait3A_108, %dma_wait3A_109] : memref<40x128xi32, #tpu.memory_space<vmem>> -> memref<1x128xi32, #tpu.memory_space<vmem>>
      %dma_wait3A_111 = tpu.memref_squeeze %dma_wait3A_110 : memref<1x128xi32, #tpu.memory_space<vmem>> -> memref<128xi32, #tpu.memory_space<vmem>>
      %dma_wait3A_112 = arith.constant 0 : i32
      %dma_wait3A_113 = arith.constant 0 : i32
      %dma_wait3A_114 = tpu.memref_slice %arg2[%dma_wait3A_112, %dma_wait3A_113] : memref<10000x128xf32, #tpu.memory_space<hbm>> -> memref<10000x128xf32, #tpu.memory_space<hbm>>
      tpu.wait_indirect_dma semaphore(%arg13 : memref<!tpu.dma_semaphore, #tpu.memory_space<semaphore_mem>>) src(%dma_wait3A_114 : memref<10000x128xf32, #tpu.memory_space<hbm>>) dst(%arg10 : memref<128x128xf32, #tpu.memory_space<vmem>>)
      %add3A_115 = arith.constant 1 : i32
      %add3A_116 = arith.addi %add3A_84, %add3A_115 : i32
      "tpu.region"() ({
        %run_scoped3A_117 = tpu.sem_alloc : memref<!tpu.dma_semaphore, #tpu.memory_space<semaphore_mem>>
        %dma_start3A_118 = arith.constant 0 : i32
        %dma_start3A_119 = tpu.memref_slice %arg8[%add3A_116, %dma_start3A_118] : memref<40x128xi32, #tpu.memory_space<vmem>> -> memref<1x128xi32, #tpu.memory_space<vmem>>
        %dma_start3A_120 = tpu.memref_squeeze %dma_start3A_119 : memref<1x128xi32, #tpu.memory_space<vmem>> -> memref<128xi32, #tpu.memory_space<vmem>>
        %dma_start3A_121 = arith.constant 0 : i32
        %dma_start3A_122 = arith.constant 0 : i32
        %dma_start3A_123 = tpu.memref_slice %arg11[%dma_start3A_121, %dma_start3A_122] : memref<10112x128xf32, #tpu.memory_space<vmem_shared>> -> memref<10112x128xf32, #tpu.memory_space<vmem_shared>>
        tpu.enqueue_indirect_dma source(%arg10 : memref<128x128xf32, #tpu.memory_space<vmem>>) target(%dma_start3A_123 : memref<10112x128xf32, #tpu.memory_space<vmem_shared>>) offsets(%dma_start3A_120 : memref<128xi32, #tpu.memory_space<vmem>>) semaphore(%run_scoped3A_117 : memref<!tpu.dma_semaphore, #tpu.memory_space<semaphore_mem>>) {add = true}
        %dma_wait3A_124 = arith.constant 0 : i32
        %dma_wait3A_125 = tpu.memref_slice %arg8[%add3A_116, %dma_wait3A_124] : memref<40x128xi32, #tpu.memory_space<vmem>> -> memref<1x128xi32, #tpu.memory_space<vmem>>
        %dma_wait3A_126 = tpu.memref_squeeze %dma_wait3A_125 : memref<1x128xi32, #tpu.memory_space<vmem>> -> memref<128xi32, #tpu.memory_space<vmem>>
        %dma_wait3A_127 = arith.constant 0 : i32
        %dma_wait3A_128 = arith.constant 0 : i32
        %dma_wait3A_129 = tpu.memref_slice %arg11[%dma_wait3A_127, %dma_wait3A_128] : memref<10112x128xf32, #tpu.memory_space<vmem_shared>> -> memref<10112x128xf32, #tpu.memory_space<vmem_shared>>
        tpu.wait_indirect_dma semaphore(%run_scoped3A_117 : memref<!tpu.dma_semaphore, #tpu.memory_space<semaphore_mem>>) src(%arg10 : memref<128x128xf32, #tpu.memory_space<vmem>>) dst(%dma_wait3A_129 : memref<10112x128xf32, #tpu.memory_space<vmem_shared>>)
        tpu.yield
      }) : () -> ()
    }
    %scan3A_14 = arith.constant 19 : i32
    %dma_start3A_15 = arith.constant 39 : i32
    %dma_start3A_16 = arith.constant 0 : i32
    %dma_start3A_17 = tpu.memref_slice %arg7[%dma_start3A_15, %dma_start3A_16] : memref<40x128xi32, #tpu.memory_space<vmem>> -> memref<1x128xi32, #tpu.memory_space<vmem>>
    %dma_start3A_18 = tpu.memref_squeeze %dma_start3A_17 : memref<1x128xi32, #tpu.memory_space<vmem>> -> memref<128xi32, #tpu.memory_space<vmem>>
    %dma_start3A_19 = arith.constant 0 : i32
    %dma_start3A_20 = arith.constant 0 : i32
    %dma_start3A_21 = tpu.memref_slice %arg2[%dma_start3A_19, %dma_start3A_20] : memref<10000x128xf32, #tpu.memory_space<hbm>> -> memref<10000x128xf32, #tpu.memory_space<hbm>>
    tpu.enqueue_indirect_dma source(%dma_start3A_21 : memref<10000x128xf32, #tpu.memory_space<hbm>>) target(%arg10 : memref<128x128xf32, #tpu.memory_space<vmem>>) offsets(%dma_start3A_18 : memref<128xi32, #tpu.memory_space<vmem>>) semaphore(%arg13 : memref<!tpu.dma_semaphore, #tpu.memory_space<semaphore_mem>>)
    %dma_wait3A = arith.constant 0 : i32
    %dma_wait3A_22 = arith.constant 0 : i32
    %dma_wait3A_23 = tpu.memref_slice %arg7[%dma_wait3A, %dma_wait3A_22] : memref<40x128xi32, #tpu.memory_space<vmem>> -> memref<1x128xi32, #tpu.memory_space<vmem>>
    %dma_wait3A_24 = tpu.memref_squeeze %dma_wait3A_23 : memref<1x128xi32, #tpu.memory_space<vmem>> -> memref<128xi32, #tpu.memory_space<vmem>>
    %dma_wait3A_25 = arith.constant 0 : i32
    %dma_wait3A_26 = arith.constant 0 : i32
    %dma_wait3A_27 = tpu.memref_slice %arg2[%dma_wait3A_25, %dma_wait3A_26] : memref<10000x128xf32, #tpu.memory_space<hbm>> -> memref<10000x128xf32, #tpu.memory_space<hbm>>
    tpu.wait_indirect_dma semaphore(%arg12 : memref<!tpu.dma_semaphore, #tpu.memory_space<semaphore_mem>>) src(%dma_wait3A_27 : memref<10000x128xf32, #tpu.memory_space<hbm>>) dst(%arg9 : memref<128x128xf32, #tpu.memory_space<vmem>>)
    %run_scoped3A = arith.constant 38 : i32
    "tpu.region"() ({
      %run_scoped3A_80 = tpu.sem_alloc : memref<!tpu.dma_semaphore, #tpu.memory_space<semaphore_mem>>
      %dma_start3A_81 = arith.constant 0 : i32
      %dma_start3A_82 = tpu.memref_slice %arg8[%run_scoped3A, %dma_start3A_81] : memref<40x128xi32, #tpu.memory_space<vmem>> -> memref<1x128xi32, #tpu.memory_space<vmem>>
      %dma_start3A_83 = tpu.memref_squeeze %dma_start3A_82 : memref<1x128xi32, #tpu.memory_space<vmem>> -> memref<128xi32, #tpu.memory_space<vmem>>
      %dma_start3A_84 = arith.constant 0 : i32
      %dma_start3A_85 = arith.constant 0 : i32
      %dma_start3A_86 = tpu.memref_slice %arg11[%dma_start3A_84, %dma_start3A_85] : memref<10112x128xf32, #tpu.memory_space<vmem_shared>> -> memref<10112x128xf32, #tpu.memory_space<vmem_shared>>
      tpu.enqueue_indirect_dma source(%arg9 : memref<128x128xf32, #tpu.memory_space<vmem>>) target(%dma_start3A_86 : memref<10112x128xf32, #tpu.memory_space<vmem_shared>>) offsets(%dma_start3A_83 : memref<128xi32, #tpu.memory_space<vmem>>) semaphore(%run_scoped3A_80 : memref<!tpu.dma_semaphore, #tpu.memory_space<semaphore_mem>>) {add = true}
      %dma_wait3A_87 = arith.constant 0 : i32
      %dma_wait3A_88 = tpu.memref_slice %arg8[%run_scoped3A, %dma_wait3A_87] : memref<40x128xi32, #tpu.memory_space<vmem>> -> memref<1x128xi32, #tpu.memory_space<vmem>>
      %dma_wait3A_89 = tpu.memref_squeeze %dma_wait3A_88 : memref<1x128xi32, #tpu.memory_space<vmem>> -> memref<128xi32, #tpu.memory_space<vmem>>
      %dma_wait3A_90 = arith.constant 0 : i32
      %dma_wait3A_91 = arith.constant 0 : i32
      %dma_wait3A_92 = tpu.memref_slice %arg11[%dma_wait3A_90, %dma_wait3A_91] : memref<10112x128xf32, #tpu.memory_space<vmem_shared>> -> memref<10112x128xf32, #tpu.memory_space<vmem_shared>>
      tpu.wait_indirect_dma semaphore(%run_scoped3A_80 : memref<!tpu.dma_semaphore, #tpu.memory_space<semaphore_mem>>) src(%arg9 : memref<128x128xf32, #tpu.memory_space<vmem>>) dst(%dma_wait3A_92 : memref<10112x128xf32, #tpu.memory_space<vmem_shared>>)
      tpu.yield
    }) : () -> ()
    %dma_wait3A_28 = arith.constant 0 : i32
    %dma_wait3A_29 = arith.constant 0 : i32
    %dma_wait3A_30 = tpu.memref_slice %arg7[%dma_wait3A_28, %dma_wait3A_29] : memref<40x128xi32, #tpu.memory_space<vmem>> -> memref<1x128xi32, #tpu.memory_space<vmem>>
    %dma_wait3A_31 = tpu.memref_squeeze %dma_wait3A_30 : memref<1x128xi32, #tpu.memory_space<vmem>> -> memref<128xi32, #tpu.memory_space<vmem>>
    %dma_wait3A_32 = arith.constant 0 : i32
    %dma_wait3A_33 = arith.constant 0 : i32
    %dma_wait3A_34 = tpu.memref_slice %arg2[%dma_wait3A_32, %dma_wait3A_33] : memref<10000x128xf32, #tpu.memory_space<hbm>> -> memref<10000x128xf32, #tpu.memory_space<hbm>>
    tpu.wait_indirect_dma semaphore(%arg13 : memref<!tpu.dma_semaphore, #tpu.memory_space<semaphore_mem>>) src(%dma_wait3A_34 : memref<10000x128xf32, #tpu.memory_space<hbm>>) dst(%arg10 : memref<128x128xf32, #tpu.memory_space<vmem>>)
    %run_scoped3A_35 = arith.constant 39 : i32
    "tpu.region"() ({
      %run_scoped3A_80 = tpu.sem_alloc : memref<!tpu.dma_semaphore, #tpu.memory_space<semaphore_mem>>
      %dma_start3A_81 = arith.constant 0 : i32
      %dma_start3A_82 = tpu.memref_slice %arg8[%run_scoped3A_35, %dma_start3A_81] : memref<40x128xi32, #tpu.memory_space<vmem>> -> memref<1x128xi32, #tpu.memory_space<vmem>>
      %dma_start3A_83 = tpu.memref_squeeze %dma_start3A_82 : memref<1x128xi32, #tpu.memory_space<vmem>> -> memref<128xi32, #tpu.memory_space<vmem>>
      %dma_start3A_84 = arith.constant 0 : i32
      %dma_start3A_85 = arith.constant 0 : i32
      %dma_start3A_86 = tpu.memref_slice %arg11[%dma_start3A_84, %dma_start3A_85] : memref<10112x128xf32, #tpu.memory_space<vmem_shared>> -> memref<10112x128xf32, #tpu.memory_space<vmem_shared>>
      tpu.enqueue_indirect_dma source(%arg10 : memref<128x128xf32, #tpu.memory_space<vmem>>) target(%dma_start3A_86 : memref<10112x128xf32, #tpu.memory_space<vmem_shared>>) offsets(%dma_start3A_83 : memref<128xi32, #tpu.memory_space<vmem>>) semaphore(%run_scoped3A_80 : memref<!tpu.dma_semaphore, #tpu.memory_space<semaphore_mem>>) {add = true}
      %dma_wait3A_87 = arith.constant 0 : i32
      %dma_wait3A_88 = tpu.memref_slice %arg8[%run_scoped3A_35, %dma_wait3A_87] : memref<40x128xi32, #tpu.memory_space<vmem>> -> memref<1x128xi32, #tpu.memory_space<vmem>>
      %dma_wait3A_89 = tpu.memref_squeeze %dma_wait3A_88 : memref<1x128xi32, #tpu.memory_space<vmem>> -> memref<128xi32, #tpu.memory_space<vmem>>
      %dma_wait3A_90 = arith.constant 0 : i32
      %dma_wait3A_91 = arith.constant 0 : i32
      %dma_wait3A_92 = tpu.memref_slice %arg11[%dma_wait3A_90, %dma_wait3A_91] : memref<10112x128xf32, #tpu.memory_space<vmem_shared>> -> memref<10112x128xf32, #tpu.memory_space<vmem_shared>>
      tpu.wait_indirect_dma semaphore(%run_scoped3A_80 : memref<!tpu.dma_semaphore, #tpu.memory_space<semaphore_mem>>) src(%arg10 : memref<128x128xf32, #tpu.memory_space<vmem>>) dst(%dma_wait3A_92 : memref<10112x128xf32, #tpu.memory_space<vmem_shared>>)
      tpu.yield
    }) : () -> ()
    %mul3A_36 = arith.constant 80 : i32
    %mul3A_37 = arith.muli %add3A, %mul3A_36 : i32
    %add3A_38 = arith.constant 40 : i32
    %add3A_39 = arith.addi %mul3A_37, %add3A_38 : i32
    "tpu.region"() ({
      %run_scoped3A_80 = tpu.sem_alloc : memref<!tpu.dma_semaphore, #tpu.memory_space<semaphore_mem>>
      %dma_start3A_81 = arith.constant 0 : i32
      %dma_start3A_82 = arith.constant 0 : i32
      %dma_start3A_83 = tpu.memref_slice %arg7[%dma_start3A_81, %dma_start3A_82] : memref<40x128xi32, #tpu.memory_space<vmem>> -> memref<40x128xi32, #tpu.memory_space<vmem>>
      %dma_start3A_84 = arith.constant 0 : i32
      %dma_start3A_85 = tpu.memref_slice %arg3[%add3A_39, %dma_start3A_84] : memref<2560x128xi32, #tpu.memory_space<hbm>> -> memref<40x128xi32, #tpu.memory_space<hbm>>
      %dma_start3A_86 = arith.constant 0 : i32
      %dma_start3A_87 = arith.constant 0 : i32
      %dma_start3A_88 = tpu.memref_slice %arg7[%dma_start3A_86, %dma_start3A_87] : memref<40x128xi32, #tpu.memory_space<vmem>> -> memref<40x128xi32, #tpu.memory_space<vmem>>
      %dma_start3A_89 = arith.constant 0 : i32
      %dma_start3A_90 = tpu.memref_slice %arg3[%add3A_39, %dma_start3A_89] : memref<2560x128xi32, #tpu.memory_space<hbm>> -> memref<40x128xi32, #tpu.memory_space<hbm>>
      tpu.enqueue_dma source(%dma_start3A_90 : memref<40x128xi32, #tpu.memory_space<hbm>>) target(%dma_start3A_88 : memref<40x128xi32, #tpu.memory_space<vmem>>) target_semaphore(%run_scoped3A_80 : memref<!tpu.dma_semaphore, #tpu.memory_space<semaphore_mem>>)
      %dma_wait3A_91 = arith.constant 0 : i32
      %dma_wait3A_92 = arith.constant 0 : i32
      %dma_wait3A_93 = tpu.memref_slice %arg7[%dma_wait3A_91, %dma_wait3A_92] : memref<40x128xi32, #tpu.memory_space<vmem>> -> memref<40x128xi32, #tpu.memory_space<vmem>>
      %dma_wait3A_94 = arith.constant 0 : i32
      %dma_wait3A_95 = tpu.memref_slice %arg3[%add3A_39, %dma_wait3A_94] : memref<2560x128xi32, #tpu.memory_space<hbm>> -> memref<40x128xi32, #tpu.memory_space<hbm>>
      %dma_wait3A_96 = arith.constant 0 : i32
      %dma_wait3A_97 = arith.constant 0 : i32
      %dma_wait3A_98 = tpu.memref_slice %arg7[%dma_wait3A_96, %dma_wait3A_97] : memref<40x128xi32, #tpu.memory_space<vmem>> -> memref<40x128xi32, #tpu.memory_space<vmem>>
      %dma_wait3A_99 = arith.constant 0 : i32
      %dma_wait3A_100 = tpu.memref_slice %arg3[%add3A_39, %dma_wait3A_99] : memref<2560x128xi32, #tpu.memory_space<hbm>> -> memref<40x128xi32, #tpu.memory_space<hbm>>
      tpu.wait_dma2 semaphore(%run_scoped3A_80 : memref<!tpu.dma_semaphore, #tpu.memory_space<semaphore_mem>>) src(%dma_wait3A_100 : memref<40x128xi32, #tpu.memory_space<hbm>>) dst(%dma_wait3A_98 : memref<40x128xi32, #tpu.memory_space<vmem>>)
      tpu.yield
    }) : () -> ()
    "tpu.region"() ({
      %run_scoped3A_80 = tpu.sem_alloc : memref<!tpu.dma_semaphore, #tpu.memory_space<semaphore_mem>>
      %dma_start3A_81 = arith.constant 0 : i32
      %dma_start3A_82 = arith.constant 0 : i32
      %dma_start3A_83 = tpu.memref_slice %arg8[%dma_start3A_81, %dma_start3A_82] : memref<40x128xi32, #tpu.memory_space<vmem>> -> memref<40x128xi32, #tpu.memory_space<vmem>>
      %dma_start3A_84 = arith.constant 0 : i32
      %dma_start3A_85 = tpu.memref_slice %arg4[%add3A_39, %dma_start3A_84] : memref<2560x128xi32, #tpu.memory_space<hbm>> -> memref<40x128xi32, #tpu.memory_space<hbm>>
      %dma_start3A_86 = arith.constant 0 : i32
      %dma_start3A_87 = arith.constant 0 : i32
      %dma_start3A_88 = tpu.memref_slice %arg8[%dma_start3A_86, %dma_start3A_87] : memref<40x128xi32, #tpu.memory_space<vmem>> -> memref<40x128xi32, #tpu.memory_space<vmem>>
      %dma_start3A_89 = arith.constant 0 : i32
      %dma_start3A_90 = tpu.memref_slice %arg4[%add3A_39, %dma_start3A_89] : memref<2560x128xi32, #tpu.memory_space<hbm>> -> memref<40x128xi32, #tpu.memory_space<hbm>>
      tpu.enqueue_dma source(%dma_start3A_90 : memref<40x128xi32, #tpu.memory_space<hbm>>) target(%dma_start3A_88 : memref<40x128xi32, #tpu.memory_space<vmem>>) target_semaphore(%run_scoped3A_80 : memref<!tpu.dma_semaphore, #tpu.memory_space<semaphore_mem>>)
      %dma_wait3A_91 = arith.constant 0 : i32
      %dma_wait3A_92 = arith.constant 0 : i32
      %dma_wait3A_93 = tpu.memref_slice %arg8[%dma_wait3A_91, %dma_wait3A_92] : memref<40x128xi32, #tpu.memory_space<vmem>> -> memref<40x128xi32, #tpu.memory_space<vmem>>
      %dma_wait3A_94 = arith.constant 0 : i32
      %dma_wait3A_95 = tpu.memref_slice %arg4[%add3A_39, %dma_wait3A_94] : memref<2560x128xi32, #tpu.memory_space<hbm>> -> memref<40x128xi32, #tpu.memory_space<hbm>>
      %dma_wait3A_96 = arith.constant 0 : i32
      %dma_wait3A_97 = arith.constant 0 : i32
      %dma_wait3A_98 = tpu.memref_slice %arg8[%dma_wait3A_96, %dma_wait3A_97] : memref<40x128xi32, #tpu.memory_space<vmem>> -> memref<40x128xi32, #tpu.memory_space<vmem>>
      %dma_wait3A_99 = arith.constant 0 : i32
      %dma_wait3A_100 = tpu.memref_slice %arg4[%add3A_39, %dma_wait3A_99] : memref<2560x128xi32, #tpu.memory_space<hbm>> -> memref<40x128xi32, #tpu.memory_space<hbm>>
      tpu.wait_dma2 semaphore(%run_scoped3A_80 : memref<!tpu.dma_semaphore, #tpu.memory_space<semaphore_mem>>) src(%dma_wait3A_100 : memref<40x128xi32, #tpu.memory_space<hbm>>) dst(%dma_wait3A_98 : memref<40x128xi32, #tpu.memory_space<vmem>>)
      tpu.yield
    }) : () -> ()
    %dma_start3A_40 = arith.constant 0 : i32
    %dma_start3A_41 = arith.constant 0 : i32
    %dma_start3A_42 = tpu.memref_slice %arg7[%dma_start3A_40, %dma_start3A_41] : memref<40x128xi32, #tpu.memory_space<vmem>> -> memref<1x128xi32, #tpu.memory_space<vmem>>
    %dma_start3A_43 = tpu.memref_squeeze %dma_start3A_42 : memref<1x128xi32, #tpu.memory_space<vmem>> -> memref<128xi32, #tpu.memory_space<vmem>>
    %dma_start3A_44 = arith.constant 0 : i32
    %dma_start3A_45 = arith.constant 0 : i32
    %dma_start3A_46 = tpu.memref_slice %arg2[%dma_start3A_44, %dma_start3A_45] : memref<10000x128xf32, #tpu.memory_space<hbm>> -> memref<10000x128xf32, #tpu.memory_space<hbm>>
    tpu.enqueue_indirect_dma source(%dma_start3A_46 : memref<10000x128xf32, #tpu.memory_space<hbm>>) target(%arg9 : memref<128x128xf32, #tpu.memory_space<vmem>>) offsets(%dma_start3A_43 : memref<128xi32, #tpu.memory_space<vmem>>) semaphore(%arg12 : memref<!tpu.dma_semaphore, #tpu.memory_space<semaphore_mem>>)
    %scan3A_47 = arith.constant 0 : i32
    %scan3A_48 = arith.constant 19 : i32
    %scan3A_49 = arith.addi %scan3A_47, %scan3A_48 : i32
    %scan3A_50 = arith.constant 1 : i32
    scf.for %scan3A_80 = %scan3A_47 to %scan3A_49 step %scan3A_50  : i32 {
      %mul3A_81 = arith.constant 2 : i32
      %mul3A_82 = arith.muli %scan3A_80, %mul3A_81 : i32
      %add3A_83 = arith.constant 0 : i32
      %add3A_84 = arith.addi %add3A_83, %mul3A_82 : i32
      %add3A_85 = arith.constant 1 : i32
      %add3A_86 = arith.addi %add3A_84, %add3A_85 : i32
      %dma_start3A_87 = arith.constant 0 : i32
      %dma_start3A_88 = tpu.memref_slice %arg7[%add3A_86, %dma_start3A_87] : memref<40x128xi32, #tpu.memory_space<vmem>> -> memref<1x128xi32, #tpu.memory_space<vmem>>
      %dma_start3A_89 = tpu.memref_squeeze %dma_start3A_88 : memref<1x128xi32, #tpu.memory_space<vmem>> -> memref<128xi32, #tpu.memory_space<vmem>>
      %dma_start3A_90 = arith.constant 0 : i32
      %dma_start3A_91 = arith.constant 0 : i32
      %dma_start3A_92 = tpu.memref_slice %arg2[%dma_start3A_90, %dma_start3A_91] : memref<10000x128xf32, #tpu.memory_space<hbm>> -> memref<10000x128xf32, #tpu.memory_space<hbm>>
      tpu.enqueue_indirect_dma source(%dma_start3A_92 : memref<10000x128xf32, #tpu.memory_space<hbm>>) target(%arg10 : memref<128x128xf32, #tpu.memory_space<vmem>>) offsets(%dma_start3A_89 : memref<128xi32, #tpu.memory_space<vmem>>) semaphore(%arg13 : memref<!tpu.dma_semaphore, #tpu.memory_space<semaphore_mem>>)
      %dma_wait3A_93 = arith.constant 0 : i32
      %dma_wait3A_94 = arith.constant 0 : i32
      %dma_wait3A_95 = tpu.memref_slice %arg7[%dma_wait3A_93, %dma_wait3A_94] : memref<40x128xi32, #tpu.memory_space<vmem>> -> memref<1x128xi32, #tpu.memory_space<vmem>>
      %dma_wait3A_96 = tpu.memref_squeeze %dma_wait3A_95 : memref<1x128xi32, #tpu.memory_space<vmem>> -> memref<128xi32, #tpu.memory_space<vmem>>
      %dma_wait3A_97 = arith.constant 0 : i32
      %dma_wait3A_98 = arith.constant 0 : i32
      %dma_wait3A_99 = tpu.memref_slice %arg2[%dma_wait3A_97, %dma_wait3A_98] : memref<10000x128xf32, #tpu.memory_space<hbm>> -> memref<10000x128xf32, #tpu.memory_space<hbm>>
      tpu.wait_indirect_dma semaphore(%arg12 : memref<!tpu.dma_semaphore, #tpu.memory_space<semaphore_mem>>) src(%dma_wait3A_99 : memref<10000x128xf32, #tpu.memory_space<hbm>>) dst(%arg9 : memref<128x128xf32, #tpu.memory_space<vmem>>)
      "tpu.region"() ({
        %run_scoped3A_117 = tpu.sem_alloc : memref<!tpu.dma_semaphore, #tpu.memory_space<semaphore_mem>>
        %dma_start3A_118 = arith.constant 0 : i32
        %dma_start3A_119 = tpu.memref_slice %arg8[%add3A_84, %dma_start3A_118] : memref<40x128xi32, #tpu.memory_space<vmem>> -> memref<1x128xi32, #tpu.memory_space<vmem>>
        %dma_start3A_120 = tpu.memref_squeeze %dma_start3A_119 : memref<1x128xi32, #tpu.memory_space<vmem>> -> memref<128xi32, #tpu.memory_space<vmem>>
        %dma_start3A_121 = arith.constant 0 : i32
        %dma_start3A_122 = arith.constant 0 : i32
        %dma_start3A_123 = tpu.memref_slice %arg11[%dma_start3A_121, %dma_start3A_122] : memref<10112x128xf32, #tpu.memory_space<vmem_shared>> -> memref<10112x128xf32, #tpu.memory_space<vmem_shared>>
        tpu.enqueue_indirect_dma source(%arg9 : memref<128x128xf32, #tpu.memory_space<vmem>>) target(%dma_start3A_123 : memref<10112x128xf32, #tpu.memory_space<vmem_shared>>) offsets(%dma_start3A_120 : memref<128xi32, #tpu.memory_space<vmem>>) semaphore(%run_scoped3A_117 : memref<!tpu.dma_semaphore, #tpu.memory_space<semaphore_mem>>) {add = true}
        %dma_wait3A_124 = arith.constant 0 : i32
        %dma_wait3A_125 = tpu.memref_slice %arg8[%add3A_84, %dma_wait3A_124] : memref<40x128xi32, #tpu.memory_space<vmem>> -> memref<1x128xi32, #tpu.memory_space<vmem>>
        %dma_wait3A_126 = tpu.memref_squeeze %dma_wait3A_125 : memref<1x128xi32, #tpu.memory_space<vmem>> -> memref<128xi32, #tpu.memory_space<vmem>>
        %dma_wait3A_127 = arith.constant 0 : i32
        %dma_wait3A_128 = arith.constant 0 : i32
        %dma_wait3A_129 = tpu.memref_slice %arg11[%dma_wait3A_127, %dma_wait3A_128] : memref<10112x128xf32, #tpu.memory_space<vmem_shared>> -> memref<10112x128xf32, #tpu.memory_space<vmem_shared>>
        tpu.wait_indirect_dma semaphore(%run_scoped3A_117 : memref<!tpu.dma_semaphore, #tpu.memory_space<semaphore_mem>>) src(%arg9 : memref<128x128xf32, #tpu.memory_space<vmem>>) dst(%dma_wait3A_129 : memref<10112x128xf32, #tpu.memory_space<vmem_shared>>)
        tpu.yield
      }) : () -> ()
      %add3A_100 = arith.constant 2 : i32
      %add3A_101 = arith.addi %add3A_84, %add3A_100 : i32
      %dma_start3A_102 = arith.constant 0 : i32
      %dma_start3A_103 = tpu.memref_slice %arg7[%add3A_101, %dma_start3A_102] : memref<40x128xi32, #tpu.memory_space<vmem>> -> memref<1x128xi32, #tpu.memory_space<vmem>>
      %dma_start3A_104 = tpu.memref_squeeze %dma_start3A_103 : memref<1x128xi32, #tpu.memory_space<vmem>> -> memref<128xi32, #tpu.memory_space<vmem>>
      %dma_start3A_105 = arith.constant 0 : i32
      %dma_start3A_106 = arith.constant 0 : i32
      %dma_start3A_107 = tpu.memref_slice %arg2[%dma_start3A_105, %dma_start3A_106] : memref<10000x128xf32, #tpu.memory_space<hbm>> -> memref<10000x128xf32, #tpu.memory_space<hbm>>
      tpu.enqueue_indirect_dma source(%dma_start3A_107 : memref<10000x128xf32, #tpu.memory_space<hbm>>) target(%arg9 : memref<128x128xf32, #tpu.memory_space<vmem>>) offsets(%dma_start3A_104 : memref<128xi32, #tpu.memory_space<vmem>>) semaphore(%arg12 : memref<!tpu.dma_semaphore, #tpu.memory_space<semaphore_mem>>)
      %dma_wait3A_108 = arith.constant 0 : i32
      %dma_wait3A_109 = arith.constant 0 : i32
      %dma_wait3A_110 = tpu.memref_slice %arg7[%dma_wait3A_108, %dma_wait3A_109] : memref<40x128xi32, #tpu.memory_space<vmem>> -> memref<1x128xi32, #tpu.memory_space<vmem>>
      %dma_wait3A_111 = tpu.memref_squeeze %dma_wait3A_110 : memref<1x128xi32, #tpu.memory_space<vmem>> -> memref<128xi32, #tpu.memory_space<vmem>>
      %dma_wait3A_112 = arith.constant 0 : i32
      %dma_wait3A_113 = arith.constant 0 : i32
      %dma_wait3A_114 = tpu.memref_slice %arg2[%dma_wait3A_112, %dma_wait3A_113] : memref<10000x128xf32, #tpu.memory_space<hbm>> -> memref<10000x128xf32, #tpu.memory_space<hbm>>
      tpu.wait_indirect_dma semaphore(%arg13 : memref<!tpu.dma_semaphore, #tpu.memory_space<semaphore_mem>>) src(%dma_wait3A_114 : memref<10000x128xf32, #tpu.memory_space<hbm>>) dst(%arg10 : memref<128x128xf32, #tpu.memory_space<vmem>>)
      %add3A_115 = arith.constant 1 : i32
      %add3A_116 = arith.addi %add3A_84, %add3A_115 : i32
      "tpu.region"() ({
        %run_scoped3A_117 = tpu.sem_alloc : memref<!tpu.dma_semaphore, #tpu.memory_space<semaphore_mem>>
        %dma_start3A_118 = arith.constant 0 : i32
        %dma_start3A_119 = tpu.memref_slice %arg8[%add3A_116, %dma_start3A_118] : memref<40x128xi32, #tpu.memory_space<vmem>> -> memref<1x128xi32, #tpu.memory_space<vmem>>
        %dma_start3A_120 = tpu.memref_squeeze %dma_start3A_119 : memref<1x128xi32, #tpu.memory_space<vmem>> -> memref<128xi32, #tpu.memory_space<vmem>>
        %dma_start3A_121 = arith.constant 0 : i32
        %dma_start3A_122 = arith.constant 0 : i32
        %dma_start3A_123 = tpu.memref_slice %arg11[%dma_start3A_121, %dma_start3A_122] : memref<10112x128xf32, #tpu.memory_space<vmem_shared>> -> memref<10112x128xf32, #tpu.memory_space<vmem_shared>>
        tpu.enqueue_indirect_dma source(%arg10 : memref<128x128xf32, #tpu.memory_space<vmem>>) target(%dma_start3A_123 : memref<10112x128xf32, #tpu.memory_space<vmem_shared>>) offsets(%dma_start3A_120 : memref<128xi32, #tpu.memory_space<vmem>>) semaphore(%run_scoped3A_117 : memref<!tpu.dma_semaphore, #tpu.memory_space<semaphore_mem>>) {add = true}
        %dma_wait3A_124 = arith.constant 0 : i32
        %dma_wait3A_125 = tpu.memref_slice %arg8[%add3A_116, %dma_wait3A_124] : memref<40x128xi32, #tpu.memory_space<vmem>> -> memref<1x128xi32, #tpu.memory_space<vmem>>
        %dma_wait3A_126 = tpu.memref_squeeze %dma_wait3A_125 : memref<1x128xi32, #tpu.memory_space<vmem>> -> memref<128xi32, #tpu.memory_space<vmem>>
        %dma_wait3A_127 = arith.constant 0 : i32
        %dma_wait3A_128 = arith.constant 0 : i32
        %dma_wait3A_129 = tpu.memref_slice %arg11[%dma_wait3A_127, %dma_wait3A_128] : memref<10112x128xf32, #tpu.memory_space<vmem_shared>> -> memref<10112x128xf32, #tpu.memory_space<vmem_shared>>
        tpu.wait_indirect_dma semaphore(%run_scoped3A_117 : memref<!tpu.dma_semaphore, #tpu.memory_space<semaphore_mem>>) src(%arg10 : memref<128x128xf32, #tpu.memory_space<vmem>>) dst(%dma_wait3A_129 : memref<10112x128xf32, #tpu.memory_space<vmem_shared>>)
        tpu.yield
      }) : () -> ()
    }
    %scan3A_51 = arith.constant 19 : i32
    %dma_start3A_52 = arith.constant 39 : i32
    %dma_start3A_53 = arith.constant 0 : i32
    %dma_start3A_54 = tpu.memref_slice %arg7[%dma_start3A_52, %dma_start3A_53] : memref<40x128xi32, #tpu.memory_space<vmem>> -> memref<1x128xi32, #tpu.memory_space<vmem>>
    %dma_start3A_55 = tpu.memref_squeeze %dma_start3A_54 : memref<1x128xi32, #tpu.memory_space<vmem>> -> memref<128xi32, #tpu.memory_space<vmem>>
    %dma_start3A_56 = arith.constant 0 : i32
    %dma_start3A_57 = arith.constant 0 : i32
    %dma_start3A_58 = tpu.memref_slice %arg2[%dma_start3A_56, %dma_start3A_57] : memref<10000x128xf32, #tpu.memory_space<hbm>> -> memref<10000x128xf32, #tpu.memory_space<hbm>>
    tpu.enqueue_indirect_dma source(%dma_start3A_58 : memref<10000x128xf32, #tpu.memory_space<hbm>>) target(%arg10 : memref<128x128xf32, #tpu.memory_space<vmem>>) offsets(%dma_start3A_55 : memref<128xi32, #tpu.memory_space<vmem>>) semaphore(%arg13 : memref<!tpu.dma_semaphore, #tpu.memory_space<semaphore_mem>>)
    %dma_wait3A_59 = arith.constant 0 : i32
    %dma_wait3A_60 = arith.constant 0 : i32
    %dma_wait3A_61 = tpu.memref_slice %arg7[%dma_wait3A_59, %dma_wait3A_60] : memref<40x128xi32, #tpu.memory_space<vmem>> -> memref<1x128xi32, #tpu.memory_space<vmem>>
    %dma_wait3A_62 = tpu.memref_squeeze %dma_wait3A_61 : memref<1x128xi32, #tpu.memory_space<vmem>> -> memref<128xi32, #tpu.memory_space<vmem>>
    %dma_wait3A_63 = arith.constant 0 : i32
    %dma_wait3A_64 = arith.constant 0 : i32
    %dma_wait3A_65 = tpu.memref_slice %arg2[%dma_wait3A_63, %dma_wait3A_64] : memref<10000x128xf32, #tpu.memory_space<hbm>> -> memref<10000x128xf32, #tpu.memory_space<hbm>>
    tpu.wait_indirect_dma semaphore(%arg12 : memref<!tpu.dma_semaphore, #tpu.memory_space<semaphore_mem>>) src(%dma_wait3A_65 : memref<10000x128xf32, #tpu.memory_space<hbm>>) dst(%arg9 : memref<128x128xf32, #tpu.memory_space<vmem>>)
    %run_scoped3A_66 = arith.constant 38 : i32
    "tpu.region"() ({
      %run_scoped3A_80 = tpu.sem_alloc : memref<!tpu.dma_semaphore, #tpu.memory_space<semaphore_mem>>
      %dma_start3A_81 = arith.constant 0 : i32
      %dma_start3A_82 = tpu.memref_slice %arg8[%run_scoped3A_66, %dma_start3A_81] : memref<40x128xi32, #tpu.memory_space<vmem>> -> memref<1x128xi32, #tpu.memory_space<vmem>>
      %dma_start3A_83 = tpu.memref_squeeze %dma_start3A_82 : memref<1x128xi32, #tpu.memory_space<vmem>> -> memref<128xi32, #tpu.memory_space<vmem>>
      %dma_start3A_84 = arith.constant 0 : i32
      %dma_start3A_85 = arith.constant 0 : i32
      %dma_start3A_86 = tpu.memref_slice %arg11[%dma_start3A_84, %dma_start3A_85] : memref<10112x128xf32, #tpu.memory_space<vmem_shared>> -> memref<10112x128xf32, #tpu.memory_space<vmem_shared>>
      tpu.enqueue_indirect_dma source(%arg9 : memref<128x128xf32, #tpu.memory_space<vmem>>) target(%dma_start3A_86 : memref<10112x128xf32, #tpu.memory_space<vmem_shared>>) offsets(%dma_start3A_83 : memref<128xi32, #tpu.memory_space<vmem>>) semaphore(%run_scoped3A_80 : memref<!tpu.dma_semaphore, #tpu.memory_space<semaphore_mem>>) {add = true}
      %dma_wait3A_87 = arith.constant 0 : i32
      %dma_wait3A_88 = tpu.memref_slice %arg8[%run_scoped3A_66, %dma_wait3A_87] : memref<40x128xi32, #tpu.memory_space<vmem>> -> memref<1x128xi32, #tpu.memory_space<vmem>>
      %dma_wait3A_89 = tpu.memref_squeeze %dma_wait3A_88 : memref<1x128xi32, #tpu.memory_space<vmem>> -> memref<128xi32, #tpu.memory_space<vmem>>
      %dma_wait3A_90 = arith.constant 0 : i32
      %dma_wait3A_91 = arith.constant 0 : i32
      %dma_wait3A_92 = tpu.memref_slice %arg11[%dma_wait3A_90, %dma_wait3A_91] : memref<10112x128xf32, #tpu.memory_space<vmem_shared>> -> memref<10112x128xf32, #tpu.memory_space<vmem_shared>>
      tpu.wait_indirect_dma semaphore(%run_scoped3A_80 : memref<!tpu.dma_semaphore, #tpu.memory_space<semaphore_mem>>) src(%arg9 : memref<128x128xf32, #tpu.memory_space<vmem>>) dst(%dma_wait3A_92 : memref<10112x128xf32, #tpu.memory_space<vmem_shared>>)
      tpu.yield
    }) : () -> ()
    %dma_wait3A_67 = arith.constant 0 : i32
    %dma_wait3A_68 = arith.constant 0 : i32
    %dma_wait3A_69 = tpu.memref_slice %arg7[%dma_wait3A_67, %dma_wait3A_68] : memref<40x128xi32, #tpu.memory_space<vmem>> -> memref<1x128xi32, #tpu.memory_space<vmem>>
    %dma_wait3A_70 = tpu.memref_squeeze %dma_wait3A_69 : memref<1x128xi32, #tpu.memory_space<vmem>> -> memref<128xi32, #tpu.memory_space<vmem>>
    %dma_wait3A_71 = arith.constant 0 : i32
    %dma_wait3A_72 = arith.constant 0 : i32
    %dma_wait3A_73 = tpu.memref_slice %arg2[%dma_wait3A_71, %dma_wait3A_72] : memref<10000x128xf32, #tpu.memory_space<hbm>> -> memref<10000x128xf32, #tpu.memory_space<hbm>>
    tpu.wait_indirect_dma semaphore(%arg13 : memref<!tpu.dma_semaphore, #tpu.memory_space<semaphore_mem>>) src(%dma_wait3A_73 : memref<10000x128xf32, #tpu.memory_space<hbm>>) dst(%arg10 : memref<128x128xf32, #tpu.memory_space<vmem>>)
    %run_scoped3A_74 = arith.constant 39 : i32
    "tpu.region"() ({
      %run_scoped3A_80 = tpu.sem_alloc : memref<!tpu.dma_semaphore, #tpu.memory_space<semaphore_mem>>
      %dma_start3A_81 = arith.constant 0 : i32
      %dma_start3A_82 = tpu.memref_slice %arg8[%run_scoped3A_74, %dma_start3A_81] : memref<40x128xi32, #tpu.memory_space<vmem>> -> memref<1x128xi32, #tpu.memory_space<vmem>>
      %dma_start3A_83 = tpu.memref_squeeze %dma_start3A_82 : memref<1x128xi32, #tpu.memory_space<vmem>> -> memref<128xi32, #tpu.memory_space<vmem>>
      %dma_start3A_84 = arith.constant 0 : i32
      %dma_start3A_85 = arith.constant 0 : i32
      %dma_start3A_86 = tpu.memref_slice %arg11[%dma_start3A_84, %dma_start3A_85] : memref<10112x128xf32, #tpu.memory_space<vmem_shared>> -> memref<10112x128xf32, #tpu.memory_space<vmem_shared>>
      tpu.enqueue_indirect_dma source(%arg10 : memref<128x128xf32, #tpu.memory_space<vmem>>) target(%dma_start3A_86 : memref<10112x128xf32, #tpu.memory_space<vmem_shared>>) offsets(%dma_start3A_83 : memref<128xi32, #tpu.memory_space<vmem>>) semaphore(%run_scoped3A_80 : memref<!tpu.dma_semaphore, #tpu.memory_space<semaphore_mem>>) {add = true}
      %dma_wait3A_87 = arith.constant 0 : i32
      %dma_wait3A_88 = tpu.memref_slice %arg8[%run_scoped3A_74, %dma_wait3A_87] : memref<40x128xi32, #tpu.memory_space<vmem>> -> memref<1x128xi32, #tpu.memory_space<vmem>>
      %dma_wait3A_89 = tpu.memref_squeeze %dma_wait3A_88 : memref<1x128xi32, #tpu.memory_space<vmem>> -> memref<128xi32, #tpu.memory_space<vmem>>
      %dma_wait3A_90 = arith.constant 0 : i32
      %dma_wait3A_91 = arith.constant 0 : i32
      %dma_wait3A_92 = tpu.memref_slice %arg11[%dma_wait3A_90, %dma_wait3A_91] : memref<10112x128xf32, #tpu.memory_space<vmem_shared>> -> memref<10112x128xf32, #tpu.memory_space<vmem_shared>>
      tpu.wait_indirect_dma semaphore(%run_scoped3A_80 : memref<!tpu.dma_semaphore, #tpu.memory_space<semaphore_mem>>) src(%arg10 : memref<128x128xf32, #tpu.memory_space<vmem>>) dst(%dma_wait3A_92 : memref<10112x128xf32, #tpu.memory_space<vmem_shared>>)
      tpu.yield
    }) : () -> ()
    %barrier3A_75 = arith.constant 0 : index
    tpu.barrier barrier_id(%barrier3A_75)
    %mul3A_76 = arith.constant 632 : i32
    %mul3A_77 = arith.muli %arg1, %mul3A_76 : i32
    %mul3A_78 = arith.constant 632 : i32
    %mul3A_79 = arith.muli %arg1, %mul3A_78 : i32
    "tpu.region"() ({
      %run_scoped3A_80 = tpu.sem_alloc : memref<!tpu.dma_semaphore, #tpu.memory_space<semaphore_mem>>
      %dma_start3A_81 = arith.constant 0 : i32
      %dma_start3A_82 = tpu.memref_slice %arg6[%arg0, %mul3A_79, %dma_start3A_81] : memref<2x10112x128xf32, #tpu.memory_space<hbm>> -> memref<1x632x128xf32, #tpu.memory_space<hbm>>
      %dma_start3A_83 = tpu.memref_squeeze %dma_start3A_82 : memref<1x632x128xf32, #tpu.memory_space<hbm>> -> memref<632x128xf32, #tpu.memory_space<hbm>>
      %dma_start3A_84 = arith.constant 0 : i32
      %dma_start3A_85 = tpu.memref_slice %arg11[%mul3A_77, %dma_start3A_84] : memref<10112x128xf32, #tpu.memory_space<vmem_shared>> -> memref<632x128xf32, #tpu.memory_space<vmem_shared>>
      tpu.enqueue_dma source(%dma_start3A_85 : memref<632x128xf32, #tpu.memory_space<vmem_shared>>) target(%dma_start3A_83 : memref<632x128xf32, #tpu.memory_space<hbm>>) target_semaphore(%run_scoped3A_80 : memref<!tpu.dma_semaphore, #tpu.memory_space<semaphore_mem>>)
      %dma_wait3A_86 = arith.constant 0 : i32
      %dma_wait3A_87 = tpu.memref_slice %arg6[%arg0, %mul3A_79, %dma_wait3A_86] : memref<2x10112x128xf32, #tpu.memory_space<hbm>> -> memref<1x632x128xf32, #tpu.memory_space<hbm>>
      %dma_wait3A_88 = tpu.memref_squeeze %dma_wait3A_87 : memref<1x632x128xf32, #tpu.memory_space<hbm>> -> memref<632x128xf32, #tpu.memory_space<hbm>>
      %dma_wait3A_89 = arith.constant 0 : i32
      %dma_wait3A_90 = tpu.memref_slice %arg11[%mul3A_77, %dma_wait3A_89] : memref<10112x128xf32, #tpu.memory_space<vmem_shared>> -> memref<632x128xf32, #tpu.memory_space<vmem_shared>>
      tpu.wait_dma2 semaphore(%run_scoped3A_80 : memref<!tpu.dma_semaphore, #tpu.memory_space<semaphore_mem>>) src(%dma_wait3A_90 : memref<632x128xf32, #tpu.memory_space<vmem_shared>>) dst(%dma_wait3A_88 : memref<632x128xf32, #tpu.memory_space<hbm>>)
      tpu.yield
    }) : () -> ()
    return
  }
}

#map = affine_map<(d0, d1) -> (0, 0)>
#map1 = affine_map<(d0, d1) -> (0, 0, 0)>
module attributes {stable_mosaic.version = 14 : i64} {
  func.func @k(%arg0: i32, %arg1: i32, %arg2: memref<10000x128xf32, #tpu.memory_space<hbm>>, %arg3: memref<2560x128xi32, #tpu.memory_space<hbm>>, %arg4: memref<2560x128xi32, #tpu.memory_space<hbm>>, %arg5: memref<632x128xf32, #tpu.memory_space<hbm>>, %arg6: memref<2x10112x128xf32, #tpu.memory_space<hbm>>, %arg7: memref<40x128xi32, #tpu.memory_space<vmem>>, %arg8: memref<40x128xi32, #tpu.memory_space<vmem>>, %arg9: memref<128x128xf32, #tpu.memory_space<vmem>>, %arg10: memref<128x128xf32, #tpu.memory_space<vmem>>, %arg11: memref<10112x128xf32, #tpu.memory_space<vmem_shared>>, %arg12: memref<!tpu.dma_semaphore, #tpu.memory_space<semaphore_mem>>, %arg13: memref<!tpu.dma_semaphore, #tpu.memory_space<semaphore_mem>>) attributes {dimension_semantics = [#tpu.dimension_semantics<core_parallel>, #tpu.dimension_semantics<subcore_parallel>], iteration_bounds = array<i64: 2, 16>, scalar_prefetch = 0 : i64, scratch_operands = 7 : i64, tpu.core_type = #tpu.core_type<sc_vector_subcore>, window_params = [{transform_indices = #map}, {transform_indices = #map}, {transform_indices = #map}, {transform_indices = #map}, {transform_indices = #map1}]} {
    %mul3A = arith.constant 16 : i32
    %mul3A_0 = arith.muli %arg0, %mul3A : i32
    %add3A = arith.addi %mul3A_0, %arg1 : i32
    %mul3A_1 = arith.constant 632 : i32
    %mul3A_2 = arith.muli %arg1, %mul3A_1 : i32
    "tpu.region"() ({
      %run_scoped3A_80 = tpu.sem_alloc : memref<!tpu.dma_semaphore, #tpu.memory_space<semaphore_mem>>
      %dma_start3A_81 = arith.constant 0 : i32
      %dma_start3A_82 = tpu.memref_slice %arg11[%mul3A_2, %dma_start3A_81] : memref<10112x128xf32, #tpu.memory_space<vmem_shared>> -> memref<632x128xf32, #tpu.memory_space<vmem_shared>>
      tpu.enqueue_dma source(%arg5 : memref<632x128xf32, #tpu.memory_space<hbm>>) target(%dma_start3A_82 : memref<632x128xf32, #tpu.memory_space<vmem_shared>>) target_semaphore(%run_scoped3A_80 : memref<!tpu.dma_semaphore, #tpu.memory_space<semaphore_mem>>)
      %dma_wait3A_83 = arith.constant 0 : i32
      %dma_wait3A_84 = tpu.memref_slice %arg11[%mul3A_2, %dma_wait3A_83] : memref<10112x128xf32, #tpu.memory_space<vmem_shared>> -> memref<632x128xf32, #tpu.memory_space<vmem_shared>>
      tpu.wait_dma2 semaphore(%run_scoped3A_80 : memref<!tpu.dma_semaphore, #tpu.memory_space<semaphore_mem>>) src(%arg5 : memref<632x128xf32, #tpu.memory_space<hbm>>) dst(%dma_wait3A_84 : memref<632x128xf32, #tpu.memory_space<vmem_shared>>)
      tpu.yield
    }) : () -> ()
    %barrier3A = arith.constant 0 : index
    tpu.barrier barrier_id(%barrier3A)
    %mul3A_3 = arith.constant 80 : i32
    %mul3A_4 = arith.muli %add3A, %mul3A_3 : i32
    "tpu.region"() ({
      %run_scoped3A_80 = tpu.sem_alloc : memref<!tpu.dma_semaphore, #tpu.memory_space<semaphore_mem>>
      %dma_start3A_81 = arith.constant 0 : i32
      %dma_start3A_82 = arith.constant 0 : i32
      %dma_start3A_83 = tpu.memref_slice %arg7[%dma_start3A_81, %dma_start3A_82] : memref<40x128xi32, #tpu.memory_space<vmem>> -> memref<40x128xi32, #tpu.memory_space<vmem>>
      %dma_start3A_84 = arith.constant 0 : i32
      %dma_start3A_85 = tpu.memref_slice %arg3[%mul3A_4, %dma_start3A_84] : memref<2560x128xi32, #tpu.memory_space<hbm>> -> memref<40x128xi32, #tpu.memory_space<hbm>>
      %dma_start3A_86 = arith.constant 0 : i32
      %dma_start3A_87 = arith.constant 0 : i32
      %dma_start3A_88 = tpu.memref_slice %arg7[%dma_start3A_86, %dma_start3A_87] : memref<40x128xi32, #tpu.memory_space<vmem>> -> memref<40x128xi32, #tpu.memory_space<vmem>>
      %dma_start3A_89 = arith.constant 0 : i32
      %dma_start3A_90 = tpu.memref_slice %arg3[%mul3A_4, %dma_start3A_89] : memref<2560x128xi32, #tpu.memory_space<hbm>> -> memref<40x128xi32, #tpu.memory_space<hbm>>
      tpu.enqueue_dma source(%dma_start3A_90 : memref<40x128xi32, #tpu.memory_space<hbm>>) target(%dma_start3A_88 : memref<40x128xi32, #tpu.memory_space<vmem>>) target_semaphore(%run_scoped3A_80 : memref<!tpu.dma_semaphore, #tpu.memory_space<semaphore_mem>>)
      %dma_wait3A_91 = arith.constant 0 : i32
      %dma_wait3A_92 = arith.constant 0 : i32
      %dma_wait3A_93 = tpu.memref_slice %arg7[%dma_wait3A_91, %dma_wait3A_92] : memref<40x128xi32, #tpu.memory_space<vmem>> -> memref<40x128xi32, #tpu.memory_space<vmem>>
      %dma_wait3A_94 = arith.constant 0 : i32
      %dma_wait3A_95 = tpu.memref_slice %arg3[%mul3A_4, %dma_wait3A_94] : memref<2560x128xi32, #tpu.memory_space<hbm>> -> memref<40x128xi32, #tpu.memory_space<hbm>>
      %dma_wait3A_96 = arith.constant 0 : i32
      %dma_wait3A_97 = arith.constant 0 : i32
      %dma_wait3A_98 = tpu.memref_slice %arg7[%dma_wait3A_96, %dma_wait3A_97] : memref<40x128xi32, #tpu.memory_space<vmem>> -> memref<40x128xi32, #tpu.memory_space<vmem>>
      %dma_wait3A_99 = arith.constant 0 : i32
      %dma_wait3A_100 = tpu.memref_slice %arg3[%mul3A_4, %dma_wait3A_99] : memref<2560x128xi32, #tpu.memory_space<hbm>> -> memref<40x128xi32, #tpu.memory_space<hbm>>
      tpu.wait_dma2 semaphore(%run_scoped3A_80 : memref<!tpu.dma_semaphore, #tpu.memory_space<semaphore_mem>>) src(%dma_wait3A_100 : memref<40x128xi32, #tpu.memory_space<hbm>>) dst(%dma_wait3A_98 : memref<40x128xi32, #tpu.memory_space<vmem>>)
      tpu.yield
    }) : () -> ()
    "tpu.region"() ({
      %run_scoped3A_80 = tpu.sem_alloc : memref<!tpu.dma_semaphore, #tpu.memory_space<semaphore_mem>>
      %dma_start3A_81 = arith.constant 0 : i32
      %dma_start3A_82 = arith.constant 0 : i32
      %dma_start3A_83 = tpu.memref_slice %arg8[%dma_start3A_81, %dma_start3A_82] : memref<40x128xi32, #tpu.memory_space<vmem>> -> memref<40x128xi32, #tpu.memory_space<vmem>>
      %dma_start3A_84 = arith.constant 0 : i32
      %dma_start3A_85 = tpu.memref_slice %arg4[%mul3A_4, %dma_start3A_84] : memref<2560x128xi32, #tpu.memory_space<hbm>> -> memref<40x128xi32, #tpu.memory_space<hbm>>
      %dma_start3A_86 = arith.constant 0 : i32
      %dma_start3A_87 = arith.constant 0 : i32
      %dma_start3A_88 = tpu.memref_slice %arg8[%dma_start3A_86, %dma_start3A_87] : memref<40x128xi32, #tpu.memory_space<vmem>> -> memref<40x128xi32, #tpu.memory_space<vmem>>
      %dma_start3A_89 = arith.constant 0 : i32
      %dma_start3A_90 = tpu.memref_slice %arg4[%mul3A_4, %dma_start3A_89] : memref<2560x128xi32, #tpu.memory_space<hbm>> -> memref<40x128xi32, #tpu.memory_space<hbm>>
      tpu.enqueue_dma source(%dma_start3A_90 : memref<40x128xi32, #tpu.memory_space<hbm>>) target(%dma_start3A_88 : memref<40x128xi32, #tpu.memory_space<vmem>>) target_semaphore(%run_scoped3A_80 : memref<!tpu.dma_semaphore, #tpu.memory_space<semaphore_mem>>)
      %dma_wait3A_91 = arith.constant 0 : i32
      %dma_wait3A_92 = arith.constant 0 : i32
      %dma_wait3A_93 = tpu.memref_slice %arg8[%dma_wait3A_91, %dma_wait3A_92] : memref<40x128xi32, #tpu.memory_space<vmem>> -> memref<40x128xi32, #tpu.memory_space<vmem>>
      %dma_wait3A_94 = arith.constant 0 : i32
      %dma_wait3A_95 = tpu.memref_slice %arg4[%mul3A_4, %dma_wait3A_94] : memref<2560x128xi32, #tpu.memory_space<hbm>> -> memref<40x128xi32, #tpu.memory_space<hbm>>
      %dma_wait3A_96 = arith.constant 0 : i32
      %dma_wait3A_97 = arith.constant 0 : i32
      %dma_wait3A_98 = tpu.memref_slice %arg8[%dma_wait3A_96, %dma_wait3A_97] : memref<40x128xi32, #tpu.memory_space<vmem>> -> memref<40x128xi32, #tpu.memory_space<vmem>>
      %dma_wait3A_99 = arith.constant 0 : i32
      %dma_wait3A_100 = tpu.memref_slice %arg4[%mul3A_4, %dma_wait3A_99] : memref<2560x128xi32, #tpu.memory_space<hbm>> -> memref<40x128xi32, #tpu.memory_space<hbm>>
      tpu.wait_dma2 semaphore(%run_scoped3A_80 : memref<!tpu.dma_semaphore, #tpu.memory_space<semaphore_mem>>) src(%dma_wait3A_100 : memref<40x128xi32, #tpu.memory_space<hbm>>) dst(%dma_wait3A_98 : memref<40x128xi32, #tpu.memory_space<vmem>>)
      tpu.yield
    }) : () -> ()
    %dma_start3A = arith.constant 0 : i32
    %dma_start3A_5 = arith.constant 0 : i32
    %dma_start3A_6 = tpu.memref_slice %arg7[%dma_start3A, %dma_start3A_5] : memref<40x128xi32, #tpu.memory_space<vmem>> -> memref<1x128xi32, #tpu.memory_space<vmem>>
    %dma_start3A_7 = tpu.memref_squeeze %dma_start3A_6 : memref<1x128xi32, #tpu.memory_space<vmem>> -> memref<128xi32, #tpu.memory_space<vmem>>
    %dma_start3A_8 = arith.constant 0 : i32
    %dma_start3A_9 = arith.constant 0 : i32
    %dma_start3A_10 = tpu.memref_slice %arg2[%dma_start3A_8, %dma_start3A_9] : memref<10000x128xf32, #tpu.memory_space<hbm>> -> memref<10000x128xf32, #tpu.memory_space<hbm>>
    tpu.enqueue_indirect_dma source(%dma_start3A_10 : memref<10000x128xf32, #tpu.memory_space<hbm>>) target(%arg9 : memref<128x128xf32, #tpu.memory_space<vmem>>) offsets(%dma_start3A_7 : memref<128xi32, #tpu.memory_space<vmem>>) semaphore(%arg12 : memref<!tpu.dma_semaphore, #tpu.memory_space<semaphore_mem>>)
    %scan3A = arith.constant 0 : i32
    %scan3A_11 = arith.constant 19 : i32
    %scan3A_12 = arith.addi %scan3A, %scan3A_11 : i32
    %scan3A_13 = arith.constant 1 : i32
    scf.for %scan3A_80 = %scan3A to %scan3A_12 step %scan3A_13  : i32 {
      %mul3A_81 = arith.constant 2 : i32
      %mul3A_82 = arith.muli %scan3A_80, %mul3A_81 : i32
      %add3A_83 = arith.constant 0 : i32
      %add3A_84 = arith.addi %add3A_83, %mul3A_82 : i32
      %add3A_85 = arith.constant 1 : i32
      %add3A_86 = arith.addi %add3A_84, %add3A_85 : i32
      %dma_start3A_87 = arith.constant 0 : i32
      %dma_start3A_88 = tpu.memref_slice %arg7[%add3A_86, %dma_start3A_87] : memref<40x128xi32, #tpu.memory_space<vmem>> -> memref<1x128xi32, #tpu.memory_space<vmem>>
      %dma_start3A_89 = tpu.memref_squeeze %dma_start3A_88 : memref<1x128xi32, #tpu.memory_space<vmem>> -> memref<128xi32, #tpu.memory_space<vmem>>
      %dma_start3A_90 = arith.constant 0 : i32
      %dma_start3A_91 = arith.constant 0 : i32
      %dma_start3A_92 = tpu.memref_slice %arg2[%dma_start3A_90, %dma_start3A_91] : memref<10000x128xf32, #tpu.memory_space<hbm>> -> memref<10000x128xf32, #tpu.memory_space<hbm>>
      tpu.enqueue_indirect_dma source(%dma_start3A_92 : memref<10000x128xf32, #tpu.memory_space<hbm>>) target(%arg10 : memref<128x128xf32, #tpu.memory_space<vmem>>) offsets(%dma_start3A_89 : memref<128xi32, #tpu.memory_space<vmem>>) semaphore(%arg13 : memref<!tpu.dma_semaphore, #tpu.memory_space<semaphore_mem>>)
      %dma_wait3A_93 = arith.constant 0 : i32
      %dma_wait3A_94 = arith.constant 0 : i32
      %dma_wait3A_95 = tpu.memref_slice %arg7[%dma_wait3A_93, %dma_wait3A_94] : memref<40x128xi32, #tpu.memory_space<vmem>> -> memref<1x128xi32, #tpu.memory_space<vmem>>
      %dma_wait3A_96 = tpu.memref_squeeze %dma_wait3A_95 : memref<1x128xi32, #tpu.memory_space<vmem>> -> memref<128xi32, #tpu.memory_space<vmem>>
      %dma_wait3A_97 = arith.constant 0 : i32
      %dma_wait3A_98 = arith.constant 0 : i32
      %dma_wait3A_99 = tpu.memref_slice %arg2[%dma_wait3A_97, %dma_wait3A_98] : memref<10000x128xf32, #tpu.memory_space<hbm>> -> memref<10000x128xf32, #tpu.memory_space<hbm>>
      tpu.wait_indirect_dma semaphore(%arg12 : memref<!tpu.dma_semaphore, #tpu.memory_space<semaphore_mem>>) src(%dma_wait3A_99 : memref<10000x128xf32, #tpu.memory_space<hbm>>) dst(%arg9 : memref<128x128xf32, #tpu.memory_space<vmem>>)
      "tpu.region"() ({
        %run_scoped3A_117 = tpu.sem_alloc : memref<!tpu.dma_semaphore, #tpu.memory_space<semaphore_mem>>
        %dma_start3A_118 = arith.constant 0 : i32
        %dma_start3A_119 = tpu.memref_slice %arg8[%add3A_84, %dma_start3A_118] : memref<40x128xi32, #tpu.memory_space<vmem>> -> memref<1x128xi32, #tpu.memory_space<vmem>>
        %dma_start3A_120 = tpu.memref_squeeze %dma_start3A_119 : memref<1x128xi32, #tpu.memory_space<vmem>> -> memref<128xi32, #tpu.memory_space<vmem>>
        %dma_start3A_121 = arith.constant 0 : i32
        %dma_start3A_122 = arith.constant 0 : i32
        %dma_start3A_123 = tpu.memref_slice %arg11[%dma_start3A_121, %dma_start3A_122] : memref<10112x128xf32, #tpu.memory_space<vmem_shared>> -> memref<10112x128xf32, #tpu.memory_space<vmem_shared>>
        tpu.enqueue_indirect_dma source(%arg9 : memref<128x128xf32, #tpu.memory_space<vmem>>) target(%dma_start3A_123 : memref<10112x128xf32, #tpu.memory_space<vmem_shared>>) offsets(%dma_start3A_120 : memref<128xi32, #tpu.memory_space<vmem>>) semaphore(%run_scoped3A_117 : memref<!tpu.dma_semaphore, #tpu.memory_space<semaphore_mem>>) {add = true}
        %dma_wait3A_124 = arith.constant 0 : i32
        %dma_wait3A_125 = tpu.memref_slice %arg8[%add3A_84, %dma_wait3A_124] : memref<40x128xi32, #tpu.memory_space<vmem>> -> memref<1x128xi32, #tpu.memory_space<vmem>>
        %dma_wait3A_126 = tpu.memref_squeeze %dma_wait3A_125 : memref<1x128xi32, #tpu.memory_space<vmem>> -> memref<128xi32, #tpu.memory_space<vmem>>
        %dma_wait3A_127 = arith.constant 0 : i32
        %dma_wait3A_128 = arith.constant 0 : i32
        %dma_wait3A_129 = tpu.memref_slice %arg11[%dma_wait3A_127, %dma_wait3A_128] : memref<10112x128xf32, #tpu.memory_space<vmem_shared>> -> memref<10112x128xf32, #tpu.memory_space<vmem_shared>>
        tpu.wait_indirect_dma semaphore(%run_scoped3A_117 : memref<!tpu.dma_semaphore, #tpu.memory_space<semaphore_mem>>) src(%arg9 : memref<128x128xf32, #tpu.memory_space<vmem>>) dst(%dma_wait3A_129 : memref<10112x128xf32, #tpu.memory_space<vmem_shared>>)
        tpu.yield
      }) : () -> ()
      %add3A_100 = arith.constant 2 : i32
      %add3A_101 = arith.addi %add3A_84, %add3A_100 : i32
      %dma_start3A_102 = arith.constant 0 : i32
      %dma_start3A_103 = tpu.memref_slice %arg7[%add3A_101, %dma_start3A_102] : memref<40x128xi32, #tpu.memory_space<vmem>> -> memref<1x128xi32, #tpu.memory_space<vmem>>
      %dma_start3A_104 = tpu.memref_squeeze %dma_start3A_103 : memref<1x128xi32, #tpu.memory_space<vmem>> -> memref<128xi32, #tpu.memory_space<vmem>>
      %dma_start3A_105 = arith.constant 0 : i32
      %dma_start3A_106 = arith.constant 0 : i32
      %dma_start3A_107 = tpu.memref_slice %arg2[%dma_start3A_105, %dma_start3A_106] : memref<10000x128xf32, #tpu.memory_space<hbm>> -> memref<10000x128xf32, #tpu.memory_space<hbm>>
      tpu.enqueue_indirect_dma source(%dma_start3A_107 : memref<10000x128xf32, #tpu.memory_space<hbm>>) target(%arg9 : memref<128x128xf32, #tpu.memory_space<vmem>>) offsets(%dma_start3A_104 : memref<128xi32, #tpu.memory_space<vmem>>) semaphore(%arg12 : memref<!tpu.dma_semaphore, #tpu.memory_space<semaphore_mem>>)
      %dma_wait3A_108 = arith.constant 0 : i32
      %dma_wait3A_109 = arith.constant 0 : i32
      %dma_wait3A_110 = tpu.memref_slice %arg7[%dma_wait3A_108, %dma_wait3A_109] : memref<40x128xi32, #tpu.memory_space<vmem>> -> memref<1x128xi32, #tpu.memory_space<vmem>>
      %dma_wait3A_111 = tpu.memref_squeeze %dma_wait3A_110 : memref<1x128xi32, #tpu.memory_space<vmem>> -> memref<128xi32, #tpu.memory_space<vmem>>
      %dma_wait3A_112 = arith.constant 0 : i32
      %dma_wait3A_113 = arith.constant 0 : i32
      %dma_wait3A_114 = tpu.memref_slice %arg2[%dma_wait3A_112, %dma_wait3A_113] : memref<10000x128xf32, #tpu.memory_space<hbm>> -> memref<10000x128xf32, #tpu.memory_space<hbm>>
      tpu.wait_indirect_dma semaphore(%arg13 : memref<!tpu.dma_semaphore, #tpu.memory_space<semaphore_mem>>) src(%dma_wait3A_114 : memref<10000x128xf32, #tpu.memory_space<hbm>>) dst(%arg10 : memref<128x128xf32, #tpu.memory_space<vmem>>)
      %add3A_115 = arith.constant 1 : i32
      %add3A_116 = arith.addi %add3A_84, %add3A_115 : i32
      "tpu.region"() ({
        %run_scoped3A_117 = tpu.sem_alloc : memref<!tpu.dma_semaphore, #tpu.memory_space<semaphore_mem>>
        %dma_start3A_118 = arith.constant 0 : i32
        %dma_start3A_119 = tpu.memref_slice %arg8[%add3A_116, %dma_start3A_118] : memref<40x128xi32, #tpu.memory_space<vmem>> -> memref<1x128xi32, #tpu.memory_space<vmem>>
        %dma_start3A_120 = tpu.memref_squeeze %dma_start3A_119 : memref<1x128xi32, #tpu.memory_space<vmem>> -> memref<128xi32, #tpu.memory_space<vmem>>
        %dma_start3A_121 = arith.constant 0 : i32
        %dma_start3A_122 = arith.constant 0 : i32
        %dma_start3A_123 = tpu.memref_slice %arg11[%dma_start3A_121, %dma_start3A_122] : memref<10112x128xf32, #tpu.memory_space<vmem_shared>> -> memref<10112x128xf32, #tpu.memory_space<vmem_shared>>
        tpu.enqueue_indirect_dma source(%arg10 : memref<128x128xf32, #tpu.memory_space<vmem>>) target(%dma_start3A_123 : memref<10112x128xf32, #tpu.memory_space<vmem_shared>>) offsets(%dma_start3A_120 : memref<128xi32, #tpu.memory_space<vmem>>) semaphore(%run_scoped3A_117 : memref<!tpu.dma_semaphore, #tpu.memory_space<semaphore_mem>>) {add = true}
        %dma_wait3A_124 = arith.constant 0 : i32
        %dma_wait3A_125 = tpu.memref_slice %arg8[%add3A_116, %dma_wait3A_124] : memref<40x128xi32, #tpu.memory_space<vmem>> -> memref<1x128xi32, #tpu.memory_space<vmem>>
        %dma_wait3A_126 = tpu.memref_squeeze %dma_wait3A_125 : memref<1x128xi32, #tpu.memory_space<vmem>> -> memref<128xi32, #tpu.memory_space<vmem>>
        %dma_wait3A_127 = arith.constant 0 : i32
        %dma_wait3A_128 = arith.constant 0 : i32
        %dma_wait3A_129 = tpu.memref_slice %arg11[%dma_wait3A_127, %dma_wait3A_128] : memref<10112x128xf32, #tpu.memory_space<vmem_shared>> -> memref<10112x128xf32, #tpu.memory_space<vmem_shared>>
        tpu.wait_indirect_dma semaphore(%run_scoped3A_117 : memref<!tpu.dma_semaphore, #tpu.memory_space<semaphore_mem>>) src(%arg10 : memref<128x128xf32, #tpu.memory_space<vmem>>) dst(%dma_wait3A_129 : memref<10112x128xf32, #tpu.memory_space<vmem_shared>>)
        tpu.yield
      }) : () -> ()
    }
    %scan3A_14 = arith.constant 19 : i32
    %dma_start3A_15 = arith.constant 39 : i32
    %dma_start3A_16 = arith.constant 0 : i32
    %dma_start3A_17 = tpu.memref_slice %arg7[%dma_start3A_15, %dma_start3A_16] : memref<40x128xi32, #tpu.memory_space<vmem>> -> memref<1x128xi32, #tpu.memory_space<vmem>>
    %dma_start3A_18 = tpu.memref_squeeze %dma_start3A_17 : memref<1x128xi32, #tpu.memory_space<vmem>> -> memref<128xi32, #tpu.memory_space<vmem>>
    %dma_start3A_19 = arith.constant 0 : i32
    %dma_start3A_20 = arith.constant 0 : i32
    %dma_start3A_21 = tpu.memref_slice %arg2[%dma_start3A_19, %dma_start3A_20] : memref<10000x128xf32, #tpu.memory_space<hbm>> -> memref<10000x128xf32, #tpu.memory_space<hbm>>
    tpu.enqueue_indirect_dma source(%dma_start3A_21 : memref<10000x128xf32, #tpu.memory_space<hbm>>) target(%arg10 : memref<128x128xf32, #tpu.memory_space<vmem>>) offsets(%dma_start3A_18 : memref<128xi32, #tpu.memory_space<vmem>>) semaphore(%arg13 : memref<!tpu.dma_semaphore, #tpu.memory_space<semaphore_mem>>)
    %dma_wait3A = arith.constant 0 : i32
    %dma_wait3A_22 = arith.constant 0 : i32
    %dma_wait3A_23 = tpu.memref_slice %arg7[%dma_wait3A, %dma_wait3A_22] : memref<40x128xi32, #tpu.memory_space<vmem>> -> memref<1x128xi32, #tpu.memory_space<vmem>>
    %dma_wait3A_24 = tpu.memref_squeeze %dma_wait3A_23 : memref<1x128xi32, #tpu.memory_space<vmem>> -> memref<128xi32, #tpu.memory_space<vmem>>
    %dma_wait3A_25 = arith.constant 0 : i32
    %dma_wait3A_26 = arith.constant 0 : i32
    %dma_wait3A_27 = tpu.memref_slice %arg2[%dma_wait3A_25, %dma_wait3A_26] : memref<10000x128xf32, #tpu.memory_space<hbm>> -> memref<10000x128xf32, #tpu.memory_space<hbm>>
    tpu.wait_indirect_dma semaphore(%arg12 : memref<!tpu.dma_semaphore, #tpu.memory_space<semaphore_mem>>) src(%dma_wait3A_27 : memref<10000x128xf32, #tpu.memory_space<hbm>>) dst(%arg9 : memref<128x128xf32, #tpu.memory_space<vmem>>)
    %run_scoped3A = arith.constant 38 : i32
    "tpu.region"() ({
      %run_scoped3A_80 = tpu.sem_alloc : memref<!tpu.dma_semaphore, #tpu.memory_space<semaphore_mem>>
      %dma_start3A_81 = arith.constant 0 : i32
      %dma_start3A_82 = tpu.memref_slice %arg8[%run_scoped3A, %dma_start3A_81] : memref<40x128xi32, #tpu.memory_space<vmem>> -> memref<1x128xi32, #tpu.memory_space<vmem>>
      %dma_start3A_83 = tpu.memref_squeeze %dma_start3A_82 : memref<1x128xi32, #tpu.memory_space<vmem>> -> memref<128xi32, #tpu.memory_space<vmem>>
      %dma_start3A_84 = arith.constant 0 : i32
      %dma_start3A_85 = arith.constant 0 : i32
      %dma_start3A_86 = tpu.memref_slice %arg11[%dma_start3A_84, %dma_start3A_85] : memref<10112x128xf32, #tpu.memory_space<vmem_shared>> -> memref<10112x128xf32, #tpu.memory_space<vmem_shared>>
      tpu.enqueue_indirect_dma source(%arg9 : memref<128x128xf32, #tpu.memory_space<vmem>>) target(%dma_start3A_86 : memref<10112x128xf32, #tpu.memory_space<vmem_shared>>) offsets(%dma_start3A_83 : memref<128xi32, #tpu.memory_space<vmem>>) semaphore(%run_scoped3A_80 : memref<!tpu.dma_semaphore, #tpu.memory_space<semaphore_mem>>) {add = true}
      %dma_wait3A_87 = arith.constant 0 : i32
      %dma_wait3A_88 = tpu.memref_slice %arg8[%run_scoped3A, %dma_wait3A_87] : memref<40x128xi32, #tpu.memory_space<vmem>> -> memref<1x128xi32, #tpu.memory_space<vmem>>
      %dma_wait3A_89 = tpu.memref_squeeze %dma_wait3A_88 : memref<1x128xi32, #tpu.memory_space<vmem>> -> memref<128xi32, #tpu.memory_space<vmem>>
      %dma_wait3A_90 = arith.constant 0 : i32
      %dma_wait3A_91 = arith.constant 0 : i32
      %dma_wait3A_92 = tpu.memref_slice %arg11[%dma_wait3A_90, %dma_wait3A_91] : memref<10112x128xf32, #tpu.memory_space<vmem_shared>> -> memref<10112x128xf32, #tpu.memory_space<vmem_shared>>
      tpu.wait_indirect_dma semaphore(%run_scoped3A_80 : memref<!tpu.dma_semaphore, #tpu.memory_space<semaphore_mem>>) src(%arg9 : memref<128x128xf32, #tpu.memory_space<vmem>>) dst(%dma_wait3A_92 : memref<10112x128xf32, #tpu.memory_space<vmem_shared>>)
      tpu.yield
    }) : () -> ()
    %dma_wait3A_28 = arith.constant 0 : i32
    %dma_wait3A_29 = arith.constant 0 : i32
    %dma_wait3A_30 = tpu.memref_slice %arg7[%dma_wait3A_28, %dma_wait3A_29] : memref<40x128xi32, #tpu.memory_space<vmem>> -> memref<1x128xi32, #tpu.memory_space<vmem>>
    %dma_wait3A_31 = tpu.memref_squeeze %dma_wait3A_30 : memref<1x128xi32, #tpu.memory_space<vmem>> -> memref<128xi32, #tpu.memory_space<vmem>>
    %dma_wait3A_32 = arith.constant 0 : i32
    %dma_wait3A_33 = arith.constant 0 : i32
    %dma_wait3A_34 = tpu.memref_slice %arg2[%dma_wait3A_32, %dma_wait3A_33] : memref<10000x128xf32, #tpu.memory_space<hbm>> -> memref<10000x128xf32, #tpu.memory_space<hbm>>
    tpu.wait_indirect_dma semaphore(%arg13 : memref<!tpu.dma_semaphore, #tpu.memory_space<semaphore_mem>>) src(%dma_wait3A_34 : memref<10000x128xf32, #tpu.memory_space<hbm>>) dst(%arg10 : memref<128x128xf32, #tpu.memory_space<vmem>>)
    %run_scoped3A_35 = arith.constant 39 : i32
    "tpu.region"() ({
      %run_scoped3A_80 = tpu.sem_alloc : memref<!tpu.dma_semaphore, #tpu.memory_space<semaphore_mem>>
      %dma_start3A_81 = arith.constant 0 : i32
      %dma_start3A_82 = tpu.memref_slice %arg8[%run_scoped3A_35, %dma_start3A_81] : memref<40x128xi32, #tpu.memory_space<vmem>> -> memref<1x128xi32, #tpu.memory_space<vmem>>
      %dma_start3A_83 = tpu.memref_squeeze %dma_start3A_82 : memref<1x128xi32, #tpu.memory_space<vmem>> -> memref<128xi32, #tpu.memory_space<vmem>>
      %dma_start3A_84 = arith.constant 0 : i32
      %dma_start3A_85 = arith.constant 0 : i32
      %dma_start3A_86 = tpu.memref_slice %arg11[%dma_start3A_84, %dma_start3A_85] : memref<10112x128xf32, #tpu.memory_space<vmem_shared>> -> memref<10112x128xf32, #tpu.memory_space<vmem_shared>>
      tpu.enqueue_indirect_dma source(%arg10 : memref<128x128xf32, #tpu.memory_space<vmem>>) target(%dma_start3A_86 : memref<10112x128xf32, #tpu.memory_space<vmem_shared>>) offsets(%dma_start3A_83 : memref<128xi32, #tpu.memory_space<vmem>>) semaphore(%run_scoped3A_80 : memref<!tpu.dma_semaphore, #tpu.memory_space<semaphore_mem>>) {add = true}
      %dma_wait3A_87 = arith.constant 0 : i32
      %dma_wait3A_88 = tpu.memref_slice %arg8[%run_scoped3A_35, %dma_wait3A_87] : memref<40x128xi32, #tpu.memory_space<vmem>> -> memref<1x128xi32, #tpu.memory_space<vmem>>
      %dma_wait3A_89 = tpu.memref_squeeze %dma_wait3A_88 : memref<1x128xi32, #tpu.memory_space<vmem>> -> memref<128xi32, #tpu.memory_space<vmem>>
      %dma_wait3A_90 = arith.constant 0 : i32
      %dma_wait3A_91 = arith.constant 0 : i32
      %dma_wait3A_92 = tpu.memref_slice %arg11[%dma_wait3A_90, %dma_wait3A_91] : memref<10112x128xf32, #tpu.memory_space<vmem_shared>> -> memref<10112x128xf32, #tpu.memory_space<vmem_shared>>
      tpu.wait_indirect_dma semaphore(%run_scoped3A_80 : memref<!tpu.dma_semaphore, #tpu.memory_space<semaphore_mem>>) src(%arg10 : memref<128x128xf32, #tpu.memory_space<vmem>>) dst(%dma_wait3A_92 : memref<10112x128xf32, #tpu.memory_space<vmem_shared>>)
      tpu.yield
    }) : () -> ()
    %mul3A_36 = arith.constant 80 : i32
    %mul3A_37 = arith.muli %add3A, %mul3A_36 : i32
    %add3A_38 = arith.constant 40 : i32
    %add3A_39 = arith.addi %mul3A_37, %add3A_38 : i32
    "tpu.region"() ({
      %run_scoped3A_80 = tpu.sem_alloc : memref<!tpu.dma_semaphore, #tpu.memory_space<semaphore_mem>>
      %dma_start3A_81 = arith.constant 0 : i32
      %dma_start3A_82 = arith.constant 0 : i32
      %dma_start3A_83 = tpu.memref_slice %arg7[%dma_start3A_81, %dma_start3A_82] : memref<40x128xi32, #tpu.memory_space<vmem>> -> memref<40x128xi32, #tpu.memory_space<vmem>>
      %dma_start3A_84 = arith.constant 0 : i32
      %dma_start3A_85 = tpu.memref_slice %arg3[%add3A_39, %dma_start3A_84] : memref<2560x128xi32, #tpu.memory_space<hbm>> -> memref<40x128xi32, #tpu.memory_space<hbm>>
      %dma_start3A_86 = arith.constant 0 : i32
      %dma_start3A_87 = arith.constant 0 : i32
      %dma_start3A_88 = tpu.memref_slice %arg7[%dma_start3A_86, %dma_start3A_87] : memref<40x128xi32, #tpu.memory_space<vmem>> -> memref<40x128xi32, #tpu.memory_space<vmem>>
      %dma_start3A_89 = arith.constant 0 : i32
      %dma_start3A_90 = tpu.memref_slice %arg3[%add3A_39, %dma_start3A_89] : memref<2560x128xi32, #tpu.memory_space<hbm>> -> memref<40x128xi32, #tpu.memory_space<hbm>>
      tpu.enqueue_dma source(%dma_start3A_90 : memref<40x128xi32, #tpu.memory_space<hbm>>) target(%dma_start3A_88 : memref<40x128xi32, #tpu.memory_space<vmem>>) target_semaphore(%run_scoped3A_80 : memref<!tpu.dma_semaphore, #tpu.memory_space<semaphore_mem>>)
      %dma_wait3A_91 = arith.constant 0 : i32
      %dma_wait3A_92 = arith.constant 0 : i32
      %dma_wait3A_93 = tpu.memref_slice %arg7[%dma_wait3A_91, %dma_wait3A_92] : memref<40x128xi32, #tpu.memory_space<vmem>> -> memref<40x128xi32, #tpu.memory_space<vmem>>
      %dma_wait3A_94 = arith.constant 0 : i32
      %dma_wait3A_95 = tpu.memref_slice %arg3[%add3A_39, %dma_wait3A_94] : memref<2560x128xi32, #tpu.memory_space<hbm>> -> memref<40x128xi32, #tpu.memory_space<hbm>>
      %dma_wait3A_96 = arith.constant 0 : i32
      %dma_wait3A_97 = arith.constant 0 : i32
      %dma_wait3A_98 = tpu.memref_slice %arg7[%dma_wait3A_96, %dma_wait3A_97] : memref<40x128xi32, #tpu.memory_space<vmem>> -> memref<40x128xi32, #tpu.memory_space<vmem>>
      %dma_wait3A_99 = arith.constant 0 : i32
      %dma_wait3A_100 = tpu.memref_slice %arg3[%add3A_39, %dma_wait3A_99] : memref<2560x128xi32, #tpu.memory_space<hbm>> -> memref<40x128xi32, #tpu.memory_space<hbm>>
      tpu.wait_dma2 semaphore(%run_scoped3A_80 : memref<!tpu.dma_semaphore, #tpu.memory_space<semaphore_mem>>) src(%dma_wait3A_100 : memref<40x128xi32, #tpu.memory_space<hbm>>) dst(%dma_wait3A_98 : memref<40x128xi32, #tpu.memory_space<vmem>>)
      tpu.yield
    }) : () -> ()
    "tpu.region"() ({
      %run_scoped3A_80 = tpu.sem_alloc : memref<!tpu.dma_semaphore, #tpu.memory_space<semaphore_mem>>
      %dma_start3A_81 = arith.constant 0 : i32
      %dma_start3A_82 = arith.constant 0 : i32
      %dma_start3A_83 = tpu.memref_slice %arg8[%dma_start3A_81, %dma_start3A_82] : memref<40x128xi32, #tpu.memory_space<vmem>> -> memref<40x128xi32, #tpu.memory_space<vmem>>
      %dma_start3A_84 = arith.constant 0 : i32
      %dma_start3A_85 = tpu.memref_slice %arg4[%add3A_39, %dma_start3A_84] : memref<2560x128xi32, #tpu.memory_space<hbm>> -> memref<40x128xi32, #tpu.memory_space<hbm>>
      %dma_start3A_86 = arith.constant 0 : i32
      %dma_start3A_87 = arith.constant 0 : i32
      %dma_start3A_88 = tpu.memref_slice %arg8[%dma_start3A_86, %dma_start3A_87] : memref<40x128xi32, #tpu.memory_space<vmem>> -> memref<40x128xi32, #tpu.memory_space<vmem>>
      %dma_start3A_89 = arith.constant 0 : i32
      %dma_start3A_90 = tpu.memref_slice %arg4[%add3A_39, %dma_start3A_89] : memref<2560x128xi32, #tpu.memory_space<hbm>> -> memref<40x128xi32, #tpu.memory_space<hbm>>
      tpu.enqueue_dma source(%dma_start3A_90 : memref<40x128xi32, #tpu.memory_space<hbm>>) target(%dma_start3A_88 : memref<40x128xi32, #tpu.memory_space<vmem>>) target_semaphore(%run_scoped3A_80 : memref<!tpu.dma_semaphore, #tpu.memory_space<semaphore_mem>>)
      %dma_wait3A_91 = arith.constant 0 : i32
      %dma_wait3A_92 = arith.constant 0 : i32
      %dma_wait3A_93 = tpu.memref_slice %arg8[%dma_wait3A_91, %dma_wait3A_92] : memref<40x128xi32, #tpu.memory_space<vmem>> -> memref<40x128xi32, #tpu.memory_space<vmem>>
      %dma_wait3A_94 = arith.constant 0 : i32
      %dma_wait3A_95 = tpu.memref_slice %arg4[%add3A_39, %dma_wait3A_94] : memref<2560x128xi32, #tpu.memory_space<hbm>> -> memref<40x128xi32, #tpu.memory_space<hbm>>
      %dma_wait3A_96 = arith.constant 0 : i32
      %dma_wait3A_97 = arith.constant 0 : i32
      %dma_wait3A_98 = tpu.memref_slice %arg8[%dma_wait3A_96, %dma_wait3A_97] : memref<40x128xi32, #tpu.memory_space<vmem>> -> memref<40x128xi32, #tpu.memory_space<vmem>>
      %dma_wait3A_99 = arith.constant 0 : i32
      %dma_wait3A_100 = tpu.memref_slice %arg4[%add3A_39, %dma_wait3A_99] : memref<2560x128xi32, #tpu.memory_space<hbm>> -> memref<40x128xi32, #tpu.memory_space<hbm>>
      tpu.wait_dma2 semaphore(%run_scoped3A_80 : memref<!tpu.dma_semaphore, #tpu.memory_space<semaphore_mem>>) src(%dma_wait3A_100 : memref<40x128xi32, #tpu.memory_space<hbm>>) dst(%dma_wait3A_98 : memref<40x128xi32, #tpu.memory_space<vmem>>)
      tpu.yield
    }) : () -> ()
    %dma_start3A_40 = arith.constant 0 : i32
    %dma_start3A_41 = arith.constant 0 : i32
    %dma_start3A_42 = tpu.memref_slice %arg7[%dma_start3A_40, %dma_start3A_41] : memref<40x128xi32, #tpu.memory_space<vmem>> -> memref<1x128xi32, #tpu.memory_space<vmem>>
    %dma_start3A_43 = tpu.memref_squeeze %dma_start3A_42 : memref<1x128xi32, #tpu.memory_space<vmem>> -> memref<128xi32, #tpu.memory_space<vmem>>
    %dma_start3A_44 = arith.constant 0 : i32
    %dma_start3A_45 = arith.constant 0 : i32
    %dma_start3A_46 = tpu.memref_slice %arg2[%dma_start3A_44, %dma_start3A_45] : memref<10000x128xf32, #tpu.memory_space<hbm>> -> memref<10000x128xf32, #tpu.memory_space<hbm>>
    tpu.enqueue_indirect_dma source(%dma_start3A_46 : memref<10000x128xf32, #tpu.memory_space<hbm>>) target(%arg9 : memref<128x128xf32, #tpu.memory_space<vmem>>) offsets(%dma_start3A_43 : memref<128xi32, #tpu.memory_space<vmem>>) semaphore(%arg12 : memref<!tpu.dma_semaphore, #tpu.memory_space<semaphore_mem>>)
    %scan3A_47 = arith.constant 0 : i32
    %scan3A_48 = arith.constant 19 : i32
    %scan3A_49 = arith.addi %scan3A_47, %scan3A_48 : i32
    %scan3A_50 = arith.constant 1 : i32
    scf.for %scan3A_80 = %scan3A_47 to %scan3A_49 step %scan3A_50  : i32 {
      %mul3A_81 = arith.constant 2 : i32
      %mul3A_82 = arith.muli %scan3A_80, %mul3A_81 : i32
      %add3A_83 = arith.constant 0 : i32
      %add3A_84 = arith.addi %add3A_83, %mul3A_82 : i32
      %add3A_85 = arith.constant 1 : i32
      %add3A_86 = arith.addi %add3A_84, %add3A_85 : i32
      %dma_start3A_87 = arith.constant 0 : i32
      %dma_start3A_88 = tpu.memref_slice %arg7[%add3A_86, %dma_start3A_87] : memref<40x128xi32, #tpu.memory_space<vmem>> -> memref<1x128xi32, #tpu.memory_space<vmem>>
      %dma_start3A_89 = tpu.memref_squeeze %dma_start3A_88 : memref<1x128xi32, #tpu.memory_space<vmem>> -> memref<128xi32, #tpu.memory_space<vmem>>
      %dma_start3A_90 = arith.constant 0 : i32
      %dma_start3A_91 = arith.constant 0 : i32
      %dma_start3A_92 = tpu.memref_slice %arg2[%dma_start3A_90, %dma_start3A_91] : memref<10000x128xf32, #tpu.memory_space<hbm>> -> memref<10000x128xf32, #tpu.memory_space<hbm>>
      tpu.enqueue_indirect_dma source(%dma_start3A_92 : memref<10000x128xf32, #tpu.memory_space<hbm>>) target(%arg10 : memref<128x128xf32, #tpu.memory_space<vmem>>) offsets(%dma_start3A_89 : memref<128xi32, #tpu.memory_space<vmem>>) semaphore(%arg13 : memref<!tpu.dma_semaphore, #tpu.memory_space<semaphore_mem>>)
      %dma_wait3A_93 = arith.constant 0 : i32
      %dma_wait3A_94 = arith.constant 0 : i32
      %dma_wait3A_95 = tpu.memref_slice %arg7[%dma_wait3A_93, %dma_wait3A_94] : memref<40x128xi32, #tpu.memory_space<vmem>> -> memref<1x128xi32, #tpu.memory_space<vmem>>
      %dma_wait3A_96 = tpu.memref_squeeze %dma_wait3A_95 : memref<1x128xi32, #tpu.memory_space<vmem>> -> memref<128xi32, #tpu.memory_space<vmem>>
      %dma_wait3A_97 = arith.constant 0 : i32
      %dma_wait3A_98 = arith.constant 0 : i32
      %dma_wait3A_99 = tpu.memref_slice %arg2[%dma_wait3A_97, %dma_wait3A_98] : memref<10000x128xf32, #tpu.memory_space<hbm>> -> memref<10000x128xf32, #tpu.memory_space<hbm>>
      tpu.wait_indirect_dma semaphore(%arg12 : memref<!tpu.dma_semaphore, #tpu.memory_space<semaphore_mem>>) src(%dma_wait3A_99 : memref<10000x128xf32, #tpu.memory_space<hbm>>) dst(%arg9 : memref<128x128xf32, #tpu.memory_space<vmem>>)
      "tpu.region"() ({
        %run_scoped3A_117 = tpu.sem_alloc : memref<!tpu.dma_semaphore, #tpu.memory_space<semaphore_mem>>
        %dma_start3A_118 = arith.constant 0 : i32
        %dma_start3A_119 = tpu.memref_slice %arg8[%add3A_84, %dma_start3A_118] : memref<40x128xi32, #tpu.memory_space<vmem>> -> memref<1x128xi32, #tpu.memory_space<vmem>>
        %dma_start3A_120 = tpu.memref_squeeze %dma_start3A_119 : memref<1x128xi32, #tpu.memory_space<vmem>> -> memref<128xi32, #tpu.memory_space<vmem>>
        %dma_start3A_121 = arith.constant 0 : i32
        %dma_start3A_122 = arith.constant 0 : i32
        %dma_start3A_123 = tpu.memref_slice %arg11[%dma_start3A_121, %dma_start3A_122] : memref<10112x128xf32, #tpu.memory_space<vmem_shared>> -> memref<10112x128xf32, #tpu.memory_space<vmem_shared>>
        tpu.enqueue_indirect_dma source(%arg9 : memref<128x128xf32, #tpu.memory_space<vmem>>) target(%dma_start3A_123 : memref<10112x128xf32, #tpu.memory_space<vmem_shared>>) offsets(%dma_start3A_120 : memref<128xi32, #tpu.memory_space<vmem>>) semaphore(%run_scoped3A_117 : memref<!tpu.dma_semaphore, #tpu.memory_space<semaphore_mem>>) {add = true}
        %dma_wait3A_124 = arith.constant 0 : i32
        %dma_wait3A_125 = tpu.memref_slice %arg8[%add3A_84, %dma_wait3A_124] : memref<40x128xi32, #tpu.memory_space<vmem>> -> memref<1x128xi32, #tpu.memory_space<vmem>>
        %dma_wait3A_126 = tpu.memref_squeeze %dma_wait3A_125 : memref<1x128xi32, #tpu.memory_space<vmem>> -> memref<128xi32, #tpu.memory_space<vmem>>
        %dma_wait3A_127 = arith.constant 0 : i32
        %dma_wait3A_128 = arith.constant 0 : i32
        %dma_wait3A_129 = tpu.memref_slice %arg11[%dma_wait3A_127, %dma_wait3A_128] : memref<10112x128xf32, #tpu.memory_space<vmem_shared>> -> memref<10112x128xf32, #tpu.memory_space<vmem_shared>>
        tpu.wait_indirect_dma semaphore(%run_scoped3A_117 : memref<!tpu.dma_semaphore, #tpu.memory_space<semaphore_mem>>) src(%arg9 : memref<128x128xf32, #tpu.memory_space<vmem>>) dst(%dma_wait3A_129 : memref<10112x128xf32, #tpu.memory_space<vmem_shared>>)
        tpu.yield
      }) : () -> ()
      %add3A_100 = arith.constant 2 : i32
      %add3A_101 = arith.addi %add3A_84, %add3A_100 : i32
      %dma_start3A_102 = arith.constant 0 : i32
      %dma_start3A_103 = tpu.memref_slice %arg7[%add3A_101, %dma_start3A_102] : memref<40x128xi32, #tpu.memory_space<vmem>> -> memref<1x128xi32, #tpu.memory_space<vmem>>
      %dma_start3A_104 = tpu.memref_squeeze %dma_start3A_103 : memref<1x128xi32, #tpu.memory_space<vmem>> -> memref<128xi32, #tpu.memory_space<vmem>>
      %dma_start3A_105 = arith.constant 0 : i32
      %dma_start3A_106 = arith.constant 0 : i32
      %dma_start3A_107 = tpu.memref_slice %arg2[%dma_start3A_105, %dma_start3A_106] : memref<10000x128xf32, #tpu.memory_space<hbm>> -> memref<10000x128xf32, #tpu.memory_space<hbm>>
      tpu.enqueue_indirect_dma source(%dma_start3A_107 : memref<10000x128xf32, #tpu.memory_space<hbm>>) target(%arg9 : memref<128x128xf32, #tpu.memory_space<vmem>>) offsets(%dma_start3A_104 : memref<128xi32, #tpu.memory_space<vmem>>) semaphore(%arg12 : memref<!tpu.dma_semaphore, #tpu.memory_space<semaphore_mem>>)
      %dma_wait3A_108 = arith.constant 0 : i32
      %dma_wait3A_109 = arith.constant 0 : i32
      %dma_wait3A_110 = tpu.memref_slice %arg7[%dma_wait3A_108, %dma_wait3A_109] : memref<40x128xi32, #tpu.memory_space<vmem>> -> memref<1x128xi32, #tpu.memory_space<vmem>>
      %dma_wait3A_111 = tpu.memref_squeeze %dma_wait3A_110 : memref<1x128xi32, #tpu.memory_space<vmem>> -> memref<128xi32, #tpu.memory_space<vmem>>
      %dma_wait3A_112 = arith.constant 0 : i32
      %dma_wait3A_113 = arith.constant 0 : i32
      %dma_wait3A_114 = tpu.memref_slice %arg2[%dma_wait3A_112, %dma_wait3A_113] : memref<10000x128xf32, #tpu.memory_space<hbm>> -> memref<10000x128xf32, #tpu.memory_space<hbm>>
      tpu.wait_indirect_dma semaphore(%arg13 : memref<!tpu.dma_semaphore, #tpu.memory_space<semaphore_mem>>) src(%dma_wait3A_114 : memref<10000x128xf32, #tpu.memory_space<hbm>>) dst(%arg10 : memref<128x128xf32, #tpu.memory_space<vmem>>)
      %add3A_115 = arith.constant 1 : i32
      %add3A_116 = arith.addi %add3A_84, %add3A_115 : i32
      "tpu.region"() ({
        %run_scoped3A_117 = tpu.sem_alloc : memref<!tpu.dma_semaphore, #tpu.memory_space<semaphore_mem>>
        %dma_start3A_118 = arith.constant 0 : i32
        %dma_start3A_119 = tpu.memref_slice %arg8[%add3A_116, %dma_start3A_118] : memref<40x128xi32, #tpu.memory_space<vmem>> -> memref<1x128xi32, #tpu.memory_space<vmem>>
        %dma_start3A_120 = tpu.memref_squeeze %dma_start3A_119 : memref<1x128xi32, #tpu.memory_space<vmem>> -> memref<128xi32, #tpu.memory_space<vmem>>
        %dma_start3A_121 = arith.constant 0 : i32
        %dma_start3A_122 = arith.constant 0 : i32
        %dma_start3A_123 = tpu.memref_slice %arg11[%dma_start3A_121, %dma_start3A_122] : memref<10112x128xf32, #tpu.memory_space<vmem_shared>> -> memref<10112x128xf32, #tpu.memory_space<vmem_shared>>
        tpu.enqueue_indirect_dma source(%arg10 : memref<128x128xf32, #tpu.memory_space<vmem>>) target(%dma_start3A_123 : memref<10112x128xf32, #tpu.memory_space<vmem_shared>>) offsets(%dma_start3A_120 : memref<128xi32, #tpu.memory_space<vmem>>) semaphore(%run_scoped3A_117 : memref<!tpu.dma_semaphore, #tpu.memory_space<semaphore_mem>>) {add = true}
        %dma_wait3A_124 = arith.constant 0 : i32
        %dma_wait3A_125 = tpu.memref_slice %arg8[%add3A_116, %dma_wait3A_124] : memref<40x128xi32, #tpu.memory_space<vmem>> -> memref<1x128xi32, #tpu.memory_space<vmem>>
        %dma_wait3A_126 = tpu.memref_squeeze %dma_wait3A_125 : memref<1x128xi32, #tpu.memory_space<vmem>> -> memref<128xi32, #tpu.memory_space<vmem>>
        %dma_wait3A_127 = arith.constant 0 : i32
        %dma_wait3A_128 = arith.constant 0 : i32
        %dma_wait3A_129 = tpu.memref_slice %arg11[%dma_wait3A_127, %dma_wait3A_128] : memref<10112x128xf32, #tpu.memory_space<vmem_shared>> -> memref<10112x128xf32, #tpu.memory_space<vmem_shared>>
        tpu.wait_indirect_dma semaphore(%run_scoped3A_117 : memref<!tpu.dma_semaphore, #tpu.memory_space<semaphore_mem>>) src(%arg10 : memref<128x128xf32, #tpu.memory_space<vmem>>) dst(%dma_wait3A_129 : memref<10112x128xf32, #tpu.memory_space<vmem_shared>>)
        tpu.yield
      }) : () -> ()
    }
    %scan3A_51 = arith.constant 19 : i32
    %dma_start3A_52 = arith.constant 39 : i32
    %dma_start3A_53 = arith.constant 0 : i32
    %dma_start3A_54 = tpu.memref_slice %arg7[%dma_start3A_52, %dma_start3A_53] : memref<40x128xi32, #tpu.memory_space<vmem>> -> memref<1x128xi32, #tpu.memory_space<vmem>>
    %dma_start3A_55 = tpu.memref_squeeze %dma_start3A_54 : memref<1x128xi32, #tpu.memory_space<vmem>> -> memref<128xi32, #tpu.memory_space<vmem>>
    %dma_start3A_56 = arith.constant 0 : i32
    %dma_start3A_57 = arith.constant 0 : i32
    %dma_start3A_58 = tpu.memref_slice %arg2[%dma_start3A_56, %dma_start3A_57] : memref<10000x128xf32, #tpu.memory_space<hbm>> -> memref<10000x128xf32, #tpu.memory_space<hbm>>
    tpu.enqueue_indirect_dma source(%dma_start3A_58 : memref<10000x128xf32, #tpu.memory_space<hbm>>) target(%arg10 : memref<128x128xf32, #tpu.memory_space<vmem>>) offsets(%dma_start3A_55 : memref<128xi32, #tpu.memory_space<vmem>>) semaphore(%arg13 : memref<!tpu.dma_semaphore, #tpu.memory_space<semaphore_mem>>)
    %dma_wait3A_59 = arith.constant 0 : i32
    %dma_wait3A_60 = arith.constant 0 : i32
    %dma_wait3A_61 = tpu.memref_slice %arg7[%dma_wait3A_59, %dma_wait3A_60] : memref<40x128xi32, #tpu.memory_space<vmem>> -> memref<1x128xi32, #tpu.memory_space<vmem>>
    %dma_wait3A_62 = tpu.memref_squeeze %dma_wait3A_61 : memref<1x128xi32, #tpu.memory_space<vmem>> -> memref<128xi32, #tpu.memory_space<vmem>>
    %dma_wait3A_63 = arith.constant 0 : i32
    %dma_wait3A_64 = arith.constant 0 : i32
    %dma_wait3A_65 = tpu.memref_slice %arg2[%dma_wait3A_63, %dma_wait3A_64] : memref<10000x128xf32, #tpu.memory_space<hbm>> -> memref<10000x128xf32, #tpu.memory_space<hbm>>
    tpu.wait_indirect_dma semaphore(%arg12 : memref<!tpu.dma_semaphore, #tpu.memory_space<semaphore_mem>>) src(%dma_wait3A_65 : memref<10000x128xf32, #tpu.memory_space<hbm>>) dst(%arg9 : memref<128x128xf32, #tpu.memory_space<vmem>>)
    %run_scoped3A_66 = arith.constant 38 : i32
    "tpu.region"() ({
      %run_scoped3A_80 = tpu.sem_alloc : memref<!tpu.dma_semaphore, #tpu.memory_space<semaphore_mem>>
      %dma_start3A_81 = arith.constant 0 : i32
      %dma_start3A_82 = tpu.memref_slice %arg8[%run_scoped3A_66, %dma_start3A_81] : memref<40x128xi32, #tpu.memory_space<vmem>> -> memref<1x128xi32, #tpu.memory_space<vmem>>
      %dma_start3A_83 = tpu.memref_squeeze %dma_start3A_82 : memref<1x128xi32, #tpu.memory_space<vmem>> -> memref<128xi32, #tpu.memory_space<vmem>>
      %dma_start3A_84 = arith.constant 0 : i32
      %dma_start3A_85 = arith.constant 0 : i32
      %dma_start3A_86 = tpu.memref_slice %arg11[%dma_start3A_84, %dma_start3A_85] : memref<10112x128xf32, #tpu.memory_space<vmem_shared>> -> memref<10112x128xf32, #tpu.memory_space<vmem_shared>>
      tpu.enqueue_indirect_dma source(%arg9 : memref<128x128xf32, #tpu.memory_space<vmem>>) target(%dma_start3A_86 : memref<10112x128xf32, #tpu.memory_space<vmem_shared>>) offsets(%dma_start3A_83 : memref<128xi32, #tpu.memory_space<vmem>>) semaphore(%run_scoped3A_80 : memref<!tpu.dma_semaphore, #tpu.memory_space<semaphore_mem>>) {add = true}
      %dma_wait3A_87 = arith.constant 0 : i32
      %dma_wait3A_88 = tpu.memref_slice %arg8[%run_scoped3A_66, %dma_wait3A_87] : memref<40x128xi32, #tpu.memory_space<vmem>> -> memref<1x128xi32, #tpu.memory_space<vmem>>
      %dma_wait3A_89 = tpu.memref_squeeze %dma_wait3A_88 : memref<1x128xi32, #tpu.memory_space<vmem>> -> memref<128xi32, #tpu.memory_space<vmem>>
      %dma_wait3A_90 = arith.constant 0 : i32
      %dma_wait3A_91 = arith.constant 0 : i32
      %dma_wait3A_92 = tpu.memref_slice %arg11[%dma_wait3A_90, %dma_wait3A_91] : memref<10112x128xf32, #tpu.memory_space<vmem_shared>> -> memref<10112x128xf32, #tpu.memory_space<vmem_shared>>
      tpu.wait_indirect_dma semaphore(%run_scoped3A_80 : memref<!tpu.dma_semaphore, #tpu.memory_space<semaphore_mem>>) src(%arg9 : memref<128x128xf32, #tpu.memory_space<vmem>>) dst(%dma_wait3A_92 : memref<10112x128xf32, #tpu.memory_space<vmem_shared>>)
      tpu.yield
    }) : () -> ()
    %dma_wait3A_67 = arith.constant 0 : i32
    %dma_wait3A_68 = arith.constant 0 : i32
    %dma_wait3A_69 = tpu.memref_slice %arg7[%dma_wait3A_67, %dma_wait3A_68] : memref<40x128xi32, #tpu.memory_space<vmem>> -> memref<1x128xi32, #tpu.memory_space<vmem>>
    %dma_wait3A_70 = tpu.memref_squeeze %dma_wait3A_69 : memref<1x128xi32, #tpu.memory_space<vmem>> -> memref<128xi32, #tpu.memory_space<vmem>>
    %dma_wait3A_71 = arith.constant 0 : i32
    %dma_wait3A_72 = arith.constant 0 : i32
    %dma_wait3A_73 = tpu.memref_slice %arg2[%dma_wait3A_71, %dma_wait3A_72] : memref<10000x128xf32, #tpu.memory_space<hbm>> -> memref<10000x128xf32, #tpu.memory_space<hbm>>
    tpu.wait_indirect_dma semaphore(%arg13 : memref<!tpu.dma_semaphore, #tpu.memory_space<semaphore_mem>>) src(%dma_wait3A_73 : memref<10000x128xf32, #tpu.memory_space<hbm>>) dst(%arg10 : memref<128x128xf32, #tpu.memory_space<vmem>>)
    %run_scoped3A_74 = arith.constant 39 : i32
    "tpu.region"() ({
      %run_scoped3A_80 = tpu.sem_alloc : memref<!tpu.dma_semaphore, #tpu.memory_space<semaphore_mem>>
      %dma_start3A_81 = arith.constant 0 : i32
      %dma_start3A_82 = tpu.memref_slice %arg8[%run_scoped3A_74, %dma_start3A_81] : memref<40x128xi32, #tpu.memory_space<vmem>> -> memref<1x128xi32, #tpu.memory_space<vmem>>
      %dma_start3A_83 = tpu.memref_squeeze %dma_start3A_82 : memref<1x128xi32, #tpu.memory_space<vmem>> -> memref<128xi32, #tpu.memory_space<vmem>>
      %dma_start3A_84 = arith.constant 0 : i32
      %dma_start3A_85 = arith.constant 0 : i32
      %dma_start3A_86 = tpu.memref_slice %arg11[%dma_start3A_84, %dma_start3A_85] : memref<10112x128xf32, #tpu.memory_space<vmem_shared>> -> memref<10112x128xf32, #tpu.memory_space<vmem_shared>>
      tpu.enqueue_indirect_dma source(%arg10 : memref<128x128xf32, #tpu.memory_space<vmem>>) target(%dma_start3A_86 : memref<10112x128xf32, #tpu.memory_space<vmem_shared>>) offsets(%dma_start3A_83 : memref<128xi32, #tpu.memory_space<vmem>>) semaphore(%run_scoped3A_80 : memref<!tpu.dma_semaphore, #tpu.memory_space<semaphore_mem>>) {add = true}
      %dma_wait3A_87 = arith.constant 0 : i32
      %dma_wait3A_88 = tpu.memref_slice %arg8[%run_scoped3A_74, %dma_wait3A_87] : memref<40x128xi32, #tpu.memory_space<vmem>> -> memref<1x128xi32, #tpu.memory_space<vmem>>
      %dma_wait3A_89 = tpu.memref_squeeze %dma_wait3A_88 : memref<1x128xi32, #tpu.memory_space<vmem>> -> memref<128xi32, #tpu.memory_space<vmem>>
      %dma_wait3A_90 = arith.constant 0 : i32
      %dma_wait3A_91 = arith.constant 0 : i32
      %dma_wait3A_92 = tpu.memref_slice %arg11[%dma_wait3A_90, %dma_wait3A_91] : memref<10112x128xf32, #tpu.memory_space<vmem_shared>> -> memref<10112x128xf32, #tpu.memory_space<vmem_shared>>
      tpu.wait_indirect_dma semaphore(%run_scoped3A_80 : memref<!tpu.dma_semaphore, #tpu.memory_space<semaphore_mem>>) src(%arg10 : memref<128x128xf32, #tpu.memory_space<vmem>>) dst(%dma_wait3A_92 : memref<10112x128xf32, #tpu.memory_space<vmem_shared>>)
      tpu.yield
    }) : () -> ()
    %barrier3A_75 = arith.constant 0 : index
    tpu.barrier barrier_id(%barrier3A_75)
    %mul3A_76 = arith.constant 632 : i32
    %mul3A_77 = arith.muli %arg1, %mul3A_76 : i32
    %mul3A_78 = arith.constant 632 : i32
    %mul3A_79 = arith.muli %arg1, %mul3A_78 : i32
    "tpu.region"() ({
      %run_scoped3A_80 = tpu.sem_alloc : memref<!tpu.dma_semaphore, #tpu.memory_space<semaphore_mem>>
      %dma_start3A_81 = arith.constant 0 : i32
      %dma_start3A_82 = tpu.memref_slice %arg6[%arg0, %mul3A_79, %dma_start3A_81] : memref<2x10112x128xf32, #tpu.memory_space<hbm>> -> memref<1x632x128xf32, #tpu.memory_space<hbm>>
      %dma_start3A_83 = tpu.memref_squeeze %dma_start3A_82 : memref<1x632x128xf32, #tpu.memory_space<hbm>> -> memref<632x128xf32, #tpu.memory_space<hbm>>
      %dma_start3A_84 = arith.constant 0 : i32
      %dma_start3A_85 = tpu.memref_slice %arg11[%mul3A_77, %dma_start3A_84] : memref<10112x128xf32, #tpu.memory_space<vmem_shared>> -> memref<632x128xf32, #tpu.memory_space<vmem_shared>>
      tpu.enqueue_dma source(%dma_start3A_85 : memref<632x128xf32, #tpu.memory_space<vmem_shared>>) target(%dma_start3A_83 : memref<632x128xf32, #tpu.memory_space<hbm>>) target_semaphore(%run_scoped3A_80 : memref<!tpu.dma_semaphore, #tpu.memory_space<semaphore_mem>>)
      %dma_wait3A_86 = arith.constant 0 : i32
      %dma_wait3A_87 = tpu.memref_slice %arg6[%arg0, %mul3A_79, %dma_wait3A_86] : memref<2x10112x128xf32, #tpu.memory_space<hbm>> -> memref<1x632x128xf32, #tpu.memory_space<hbm>>
      %dma_wait3A_88 = tpu.memref_squeeze %dma_wait3A_87 : memref<1x632x128xf32, #tpu.memory_space<hbm>> -> memref<632x128xf32, #tpu.memory_space<hbm>>
      %dma_wait3A_89 = arith.constant 0 : i32
      %dma_wait3A_90 = tpu.memref_slice %arg11[%mul3A_77, %dma_wait3A_89] : memref<10112x128xf32, #tpu.memory_space<vmem_shared>> -> memref<632x128xf32, #tpu.memory_space<vmem_shared>>
      tpu.wait_dma2 semaphore(%run_scoped3A_80 : memref<!tpu.dma_semaphore, #tpu.memory_space<semaphore_mem>>) src(%dma_wait3A_90 : memref<632x128xf32, #tpu.memory_space<vmem_shared>>) dst(%dma_wait3A_88 : memref<632x128xf32, #tpu.memory_space<hbm>>)
      tpu.yield
    }) : () -> ()
    return
  }
}

#map = affine_map<(d0, d1) -> (0, 0)>
#map1 = affine_map<(d0, d1) -> (0, 0, 0)>
module attributes {stable_mosaic.version = 14 : i64} {
  func.func @k(%arg0: i32, %arg1: i32, %arg2: memref<2560x128xi32, #tpu.memory_space<hbm>>, %arg3: memref<640x128xf32, #tpu.memory_space<hbm>>, %arg4: memref<128x128xf32, #tpu.memory_space<hbm>>, %arg5: memref<2x10240x128xf32, #tpu.memory_space<hbm>>, %arg6: memref<80x128xi32, #tpu.memory_space<vmem>>, %arg7: memref<128x128xf32, #tpu.memory_space<vmem>>, %arg8: memref<10240x128xf32, #tpu.memory_space<vmem_shared>>) attributes {dimension_semantics = [#tpu.dimension_semantics<core_parallel>, #tpu.dimension_semantics<subcore_parallel>], iteration_bounds = array<i64: 2, 16>, scalar_prefetch = 0 : i64, scratch_operands = 3 : i64, tpu.core_type = #tpu.core_type<sc_vector_subcore>, window_params = [{transform_indices = #map}, {transform_indices = #map}, {transform_indices = #map}, {transform_indices = #map1}]} {
    %mul3A = arith.constant 16 : i32
    %mul3A_0 = arith.muli %arg0, %mul3A : i32
    %add3A = arith.addi %mul3A_0, %arg1 : i32
    %mul3A_1 = arith.constant 640 : i32
    %mul3A_2 = arith.muli %arg1, %mul3A_1 : i32
    "tpu.region"() ({
      %run_scoped3A = tpu.sem_alloc : memref<!tpu.dma_semaphore, #tpu.memory_space<semaphore_mem>>
      %dma_start3A = arith.constant 0 : i32
      %dma_start3A_14 = tpu.memref_slice %arg8[%mul3A_2, %dma_start3A] : memref<10240x128xf32, #tpu.memory_space<vmem_shared>> -> memref<640x128xf32, #tpu.memory_space<vmem_shared>>
      tpu.enqueue_dma source(%arg3 : memref<640x128xf32, #tpu.memory_space<hbm>>) target(%dma_start3A_14 : memref<640x128xf32, #tpu.memory_space<vmem_shared>>) target_semaphore(%run_scoped3A : memref<!tpu.dma_semaphore, #tpu.memory_space<semaphore_mem>>)
      %dma_wait3A = arith.constant 0 : i32
      %dma_wait3A_15 = tpu.memref_slice %arg8[%mul3A_2, %dma_wait3A] : memref<10240x128xf32, #tpu.memory_space<vmem_shared>> -> memref<640x128xf32, #tpu.memory_space<vmem_shared>>
      tpu.wait_dma2 semaphore(%run_scoped3A : memref<!tpu.dma_semaphore, #tpu.memory_space<semaphore_mem>>) src(%arg3 : memref<640x128xf32, #tpu.memory_space<hbm>>) dst(%dma_wait3A_15 : memref<640x128xf32, #tpu.memory_space<vmem_shared>>)
      tpu.yield
    }) : () -> ()
    %mul3A_3 = arith.constant 80 : i32
    %mul3A_4 = arith.muli %add3A, %mul3A_3 : i32
    "tpu.region"() ({
      %run_scoped3A = tpu.sem_alloc : memref<!tpu.dma_semaphore, #tpu.memory_space<semaphore_mem>>
      %dma_start3A = arith.constant 0 : i32
      %dma_start3A_14 = tpu.memref_slice %arg2[%mul3A_4, %dma_start3A] : memref<2560x128xi32, #tpu.memory_space<hbm>> -> memref<80x128xi32, #tpu.memory_space<hbm>>
      %dma_start3A_15 = arith.constant 0 : i32
      %dma_start3A_16 = tpu.memref_slice %arg2[%mul3A_4, %dma_start3A_15] : memref<2560x128xi32, #tpu.memory_space<hbm>> -> memref<80x128xi32, #tpu.memory_space<hbm>>
      tpu.enqueue_dma source(%dma_start3A_16 : memref<80x128xi32, #tpu.memory_space<hbm>>) target(%arg6 : memref<80x128xi32, #tpu.memory_space<vmem>>) target_semaphore(%run_scoped3A : memref<!tpu.dma_semaphore, #tpu.memory_space<semaphore_mem>>)
      %dma_wait3A = arith.constant 0 : i32
      %dma_wait3A_17 = tpu.memref_slice %arg2[%mul3A_4, %dma_wait3A] : memref<2560x128xi32, #tpu.memory_space<hbm>> -> memref<80x128xi32, #tpu.memory_space<hbm>>
      %dma_wait3A_18 = arith.constant 0 : i32
      %dma_wait3A_19 = tpu.memref_slice %arg2[%mul3A_4, %dma_wait3A_18] : memref<2560x128xi32, #tpu.memory_space<hbm>> -> memref<80x128xi32, #tpu.memory_space<hbm>>
      tpu.wait_dma2 semaphore(%run_scoped3A : memref<!tpu.dma_semaphore, #tpu.memory_space<semaphore_mem>>) src(%dma_wait3A_19 : memref<80x128xi32, #tpu.memory_space<hbm>>) dst(%arg6 : memref<80x128xi32, #tpu.memory_space<vmem>>)
      tpu.yield
    }) : () -> ()
    "tpu.region"() ({
      %run_scoped3A = tpu.sem_alloc : memref<!tpu.dma_semaphore, #tpu.memory_space<semaphore_mem>>
      tpu.enqueue_dma source(%arg4 : memref<128x128xf32, #tpu.memory_space<hbm>>) target(%arg7 : memref<128x128xf32, #tpu.memory_space<vmem>>) target_semaphore(%run_scoped3A : memref<!tpu.dma_semaphore, #tpu.memory_space<semaphore_mem>>)
      tpu.wait_dma2 semaphore(%run_scoped3A : memref<!tpu.dma_semaphore, #tpu.memory_space<semaphore_mem>>) src(%arg4 : memref<128x128xf32, #tpu.memory_space<hbm>>) dst(%arg7 : memref<128x128xf32, #tpu.memory_space<vmem>>)
      tpu.yield
    }) : () -> ()
    %barrier3A = arith.constant 0 : index
    tpu.barrier barrier_id(%barrier3A)
    %scan3A = arith.constant 0 : i32
    %scan3A_5 = arith.constant 80 : i32
    %scan3A_6 = arith.addi %scan3A, %scan3A_5 : i32
    %scan3A_7 = arith.constant 1 : i32
    scf.for %scan3A_14 = %scan3A to %scan3A_6 step %scan3A_7  : i32 {
      %mul3A_15 = arith.constant 1 : i32
      %mul3A_16 = arith.muli %scan3A_14, %mul3A_15 : i32
      %add3A_17 = arith.constant 0 : i32
      %add3A_18 = arith.addi %add3A_17, %mul3A_16 : i32
      "tpu.region"() ({
        %run_scoped3A = tpu.sem_alloc : memref<!tpu.dma_semaphore, #tpu.memory_space<semaphore_mem>>
        %dma_start3A = arith.constant 0 : i32
        %dma_start3A_19 = tpu.memref_slice %arg6[%add3A_18, %dma_start3A] : memref<80x128xi32, #tpu.memory_space<vmem>> -> memref<1x128xi32, #tpu.memory_space<vmem>>
        %dma_start3A_20 = tpu.memref_squeeze %dma_start3A_19 : memref<1x128xi32, #tpu.memory_space<vmem>> -> memref<128xi32, #tpu.memory_space<vmem>>
        %dma_start3A_21 = arith.constant 0 : i32
        %dma_start3A_22 = arith.constant 0 : i32
        %dma_start3A_23 = tpu.memref_slice %arg8[%dma_start3A_21, %dma_start3A_22] : memref<10240x128xf32, #tpu.memory_space<vmem_shared>> -> memref<10240x128xf32, #tpu.memory_space<vmem_shared>>
        tpu.enqueue_indirect_dma source(%arg7 : memref<128x128xf32, #tpu.memory_space<vmem>>) target(%dma_start3A_23 : memref<10240x128xf32, #tpu.memory_space<vmem_shared>>) offsets(%dma_start3A_20 : memref<128xi32, #tpu.memory_space<vmem>>) semaphore(%run_scoped3A : memref<!tpu.dma_semaphore, #tpu.memory_space<semaphore_mem>>) {add = true}
        %dma_wait3A = arith.constant 0 : i32
        %dma_wait3A_24 = tpu.memref_slice %arg6[%add3A_18, %dma_wait3A] : memref<80x128xi32, #tpu.memory_space<vmem>> -> memref<1x128xi32, #tpu.memory_space<vmem>>
        %dma_wait3A_25 = tpu.memref_squeeze %dma_wait3A_24 : memref<1x128xi32, #tpu.memory_space<vmem>> -> memref<128xi32, #tpu.memory_space<vmem>>
        %dma_wait3A_26 = arith.constant 0 : i32
        %dma_wait3A_27 = arith.constant 0 : i32
        %dma_wait3A_28 = tpu.memref_slice %arg8[%dma_wait3A_26, %dma_wait3A_27] : memref<10240x128xf32, #tpu.memory_space<vmem_shared>> -> memref<10240x128xf32, #tpu.memory_space<vmem_shared>>
        tpu.wait_indirect_dma semaphore(%run_scoped3A : memref<!tpu.dma_semaphore, #tpu.memory_space<semaphore_mem>>) src(%arg7 : memref<128x128xf32, #tpu.memory_space<vmem>>) dst(%dma_wait3A_28 : memref<10240x128xf32, #tpu.memory_space<vmem_shared>>)
        tpu.yield
      }) : () -> ()
    }
    %scan3A_8 = arith.constant 80 : i32
    %barrier3A_9 = arith.constant 0 : index
    tpu.barrier barrier_id(%barrier3A_9)
    %mul3A_10 = arith.constant 640 : i32
    %mul3A_11 = arith.muli %arg1, %mul3A_10 : i32
    %mul3A_12 = arith.constant 640 : i32
    %mul3A_13 = arith.muli %arg1, %mul3A_12 : i32
    "tpu.region"() ({
      %run_scoped3A = tpu.sem_alloc : memref<!tpu.dma_semaphore, #tpu.memory_space<semaphore_mem>>
      %dma_start3A = arith.constant 0 : i32
      %dma_start3A_14 = tpu.memref_slice %arg5[%arg0, %mul3A_13, %dma_start3A] : memref<2x10240x128xf32, #tpu.memory_space<hbm>> -> memref<1x640x128xf32, #tpu.memory_space<hbm>>
      %dma_start3A_15 = tpu.memref_squeeze %dma_start3A_14 : memref<1x640x128xf32, #tpu.memory_space<hbm>> -> memref<640x128xf32, #tpu.memory_space<hbm>>
      %dma_start3A_16 = arith.constant 0 : i32
      %dma_start3A_17 = tpu.memref_slice %arg8[%mul3A_11, %dma_start3A_16] : memref<10240x128xf32, #tpu.memory_space<vmem_shared>> -> memref<640x128xf32, #tpu.memory_space<vmem_shared>>
      tpu.enqueue_dma source(%dma_start3A_17 : memref<640x128xf32, #tpu.memory_space<vmem_shared>>) target(%dma_start3A_15 : memref<640x128xf32, #tpu.memory_space<hbm>>) target_semaphore(%run_scoped3A : memref<!tpu.dma_semaphore, #tpu.memory_space<semaphore_mem>>)
      %dma_wait3A = arith.constant 0 : i32
      %dma_wait3A_18 = tpu.memref_slice %arg5[%arg0, %mul3A_13, %dma_wait3A] : memref<2x10240x128xf32, #tpu.memory_space<hbm>> -> memref<1x640x128xf32, #tpu.memory_space<hbm>>
      %dma_wait3A_19 = tpu.memref_squeeze %dma_wait3A_18 : memref<1x640x128xf32, #tpu.memory_space<hbm>> -> memref<640x128xf32, #tpu.memory_space<hbm>>
      %dma_wait3A_20 = arith.constant 0 : i32
      %dma_wait3A_21 = tpu.memref_slice %arg8[%mul3A_11, %dma_wait3A_20] : memref<10240x128xf32, #tpu.memory_space<vmem_shared>> -> memref<640x128xf32, #tpu.memory_space<vmem_shared>>
      tpu.wait_dma2 semaphore(%run_scoped3A : memref<!tpu.dma_semaphore, #tpu.memory_space<semaphore_mem>>) src(%dma_wait3A_21 : memref<640x128xf32, #tpu.memory_space<vmem_shared>>) dst(%dma_wait3A_19 : memref<640x128xf32, #tpu.memory_space<hbm>>)
      tpu.yield
    }) : () -> ()
    return
  }
}

#map = affine_map<(d0, d1) -> (0, 0)>
#map1 = affine_map<(d0, d1) -> (0, 0, 0)>
module attributes {stable_mosaic.version = 14 : i64} {
  func.func @k(%arg0: i32, %arg1: i32, %arg2: memref<10000x128xf32, #tpu.memory_space<hbm>>, %arg3: memref<2560x128xi32, #tpu.memory_space<hbm>>, %arg4: memref<2560x128xi32, #tpu.memory_space<hbm>>, %arg5: memref<632x128xf32, #tpu.memory_space<hbm>>, %arg6: memref<2x10112x128xf32, #tpu.memory_space<hbm>>, %arg7: memref<40x128xi32, #tpu.memory_space<vmem>>, %arg8: memref<40x128xi32, #tpu.memory_space<vmem>>, %arg9: memref<128x128xf32, #tpu.memory_space<vmem>>, %arg10: memref<128x128xf32, #tpu.memory_space<vmem>>, %arg11: memref<10112x128xf32, #tpu.memory_space<vmem_shared>>, %arg12: memref<!tpu.dma_semaphore, #tpu.memory_space<semaphore_mem>>, %arg13: memref<!tpu.dma_semaphore, #tpu.memory_space<semaphore_mem>>) attributes {dimension_semantics = [#tpu.dimension_semantics<core_parallel>, #tpu.dimension_semantics<subcore_parallel>], iteration_bounds = array<i64: 2, 16>, scalar_prefetch = 0 : i64, scratch_operands = 7 : i64, tpu.core_type = #tpu.core_type<sc_vector_subcore>, window_params = [{transform_indices = #map}, {transform_indices = #map}, {transform_indices = #map}, {transform_indices = #map}, {transform_indices = #map1}]} {
    %mul3A = arith.constant 16 : i32
    %mul3A_0 = arith.muli %arg0, %mul3A : i32
    %add3A = arith.addi %mul3A_0, %arg1 : i32
    %mul3A_1 = arith.constant 632 : i32
    %mul3A_2 = arith.muli %arg1, %mul3A_1 : i32
    "tpu.region"() ({
      %run_scoped3A_80 = tpu.sem_alloc : memref<!tpu.dma_semaphore, #tpu.memory_space<semaphore_mem>>
      %dma_start3A_81 = arith.constant 0 : i32
      %dma_start3A_82 = tpu.memref_slice %arg11[%mul3A_2, %dma_start3A_81] : memref<10112x128xf32, #tpu.memory_space<vmem_shared>> -> memref<632x128xf32, #tpu.memory_space<vmem_shared>>
      tpu.enqueue_dma source(%arg5 : memref<632x128xf32, #tpu.memory_space<hbm>>) target(%dma_start3A_82 : memref<632x128xf32, #tpu.memory_space<vmem_shared>>) target_semaphore(%run_scoped3A_80 : memref<!tpu.dma_semaphore, #tpu.memory_space<semaphore_mem>>)
      %dma_wait3A_83 = arith.constant 0 : i32
      %dma_wait3A_84 = tpu.memref_slice %arg11[%mul3A_2, %dma_wait3A_83] : memref<10112x128xf32, #tpu.memory_space<vmem_shared>> -> memref<632x128xf32, #tpu.memory_space<vmem_shared>>
      tpu.wait_dma2 semaphore(%run_scoped3A_80 : memref<!tpu.dma_semaphore, #tpu.memory_space<semaphore_mem>>) src(%arg5 : memref<632x128xf32, #tpu.memory_space<hbm>>) dst(%dma_wait3A_84 : memref<632x128xf32, #tpu.memory_space<vmem_shared>>)
      tpu.yield
    }) : () -> ()
    %barrier3A = arith.constant 0 : index
    tpu.barrier barrier_id(%barrier3A)
    %mul3A_3 = arith.constant 80 : i32
    %mul3A_4 = arith.muli %add3A, %mul3A_3 : i32
    "tpu.region"() ({
      %run_scoped3A_80 = tpu.sem_alloc : memref<!tpu.dma_semaphore, #tpu.memory_space<semaphore_mem>>
      %dma_start3A_81 = arith.constant 0 : i32
      %dma_start3A_82 = arith.constant 0 : i32
      %dma_start3A_83 = tpu.memref_slice %arg7[%dma_start3A_81, %dma_start3A_82] : memref<40x128xi32, #tpu.memory_space<vmem>> -> memref<40x128xi32, #tpu.memory_space<vmem>>
      %dma_start3A_84 = arith.constant 0 : i32
      %dma_start3A_85 = tpu.memref_slice %arg3[%mul3A_4, %dma_start3A_84] : memref<2560x128xi32, #tpu.memory_space<hbm>> -> memref<40x128xi32, #tpu.memory_space<hbm>>
      %dma_start3A_86 = arith.constant 0 : i32
      %dma_start3A_87 = arith.constant 0 : i32
      %dma_start3A_88 = tpu.memref_slice %arg7[%dma_start3A_86, %dma_start3A_87] : memref<40x128xi32, #tpu.memory_space<vmem>> -> memref<40x128xi32, #tpu.memory_space<vmem>>
      %dma_start3A_89 = arith.constant 0 : i32
      %dma_start3A_90 = tpu.memref_slice %arg3[%mul3A_4, %dma_start3A_89] : memref<2560x128xi32, #tpu.memory_space<hbm>> -> memref<40x128xi32, #tpu.memory_space<hbm>>
      tpu.enqueue_dma source(%dma_start3A_90 : memref<40x128xi32, #tpu.memory_space<hbm>>) target(%dma_start3A_88 : memref<40x128xi32, #tpu.memory_space<vmem>>) target_semaphore(%run_scoped3A_80 : memref<!tpu.dma_semaphore, #tpu.memory_space<semaphore_mem>>)
      %dma_wait3A_91 = arith.constant 0 : i32
      %dma_wait3A_92 = arith.constant 0 : i32
      %dma_wait3A_93 = tpu.memref_slice %arg7[%dma_wait3A_91, %dma_wait3A_92] : memref<40x128xi32, #tpu.memory_space<vmem>> -> memref<40x128xi32, #tpu.memory_space<vmem>>
      %dma_wait3A_94 = arith.constant 0 : i32
      %dma_wait3A_95 = tpu.memref_slice %arg3[%mul3A_4, %dma_wait3A_94] : memref<2560x128xi32, #tpu.memory_space<hbm>> -> memref<40x128xi32, #tpu.memory_space<hbm>>
      %dma_wait3A_96 = arith.constant 0 : i32
      %dma_wait3A_97 = arith.constant 0 : i32
      %dma_wait3A_98 = tpu.memref_slice %arg7[%dma_wait3A_96, %dma_wait3A_97] : memref<40x128xi32, #tpu.memory_space<vmem>> -> memref<40x128xi32, #tpu.memory_space<vmem>>
      %dma_wait3A_99 = arith.constant 0 : i32
      %dma_wait3A_100 = tpu.memref_slice %arg3[%mul3A_4, %dma_wait3A_99] : memref<2560x128xi32, #tpu.memory_space<hbm>> -> memref<40x128xi32, #tpu.memory_space<hbm>>
      tpu.wait_dma2 semaphore(%run_scoped3A_80 : memref<!tpu.dma_semaphore, #tpu.memory_space<semaphore_mem>>) src(%dma_wait3A_100 : memref<40x128xi32, #tpu.memory_space<hbm>>) dst(%dma_wait3A_98 : memref<40x128xi32, #tpu.memory_space<vmem>>)
      tpu.yield
    }) : () -> ()
    "tpu.region"() ({
      %run_scoped3A_80 = tpu.sem_alloc : memref<!tpu.dma_semaphore, #tpu.memory_space<semaphore_mem>>
      %dma_start3A_81 = arith.constant 0 : i32
      %dma_start3A_82 = arith.constant 0 : i32
      %dma_start3A_83 = tpu.memref_slice %arg8[%dma_start3A_81, %dma_start3A_82] : memref<40x128xi32, #tpu.memory_space<vmem>> -> memref<40x128xi32, #tpu.memory_space<vmem>>
      %dma_start3A_84 = arith.constant 0 : i32
      %dma_start3A_85 = tpu.memref_slice %arg4[%mul3A_4, %dma_start3A_84] : memref<2560x128xi32, #tpu.memory_space<hbm>> -> memref<40x128xi32, #tpu.memory_space<hbm>>
      %dma_start3A_86 = arith.constant 0 : i32
      %dma_start3A_87 = arith.constant 0 : i32
      %dma_start3A_88 = tpu.memref_slice %arg8[%dma_start3A_86, %dma_start3A_87] : memref<40x128xi32, #tpu.memory_space<vmem>> -> memref<40x128xi32, #tpu.memory_space<vmem>>
      %dma_start3A_89 = arith.constant 0 : i32
      %dma_start3A_90 = tpu.memref_slice %arg4[%mul3A_4, %dma_start3A_89] : memref<2560x128xi32, #tpu.memory_space<hbm>> -> memref<40x128xi32, #tpu.memory_space<hbm>>
      tpu.enqueue_dma source(%dma_start3A_90 : memref<40x128xi32, #tpu.memory_space<hbm>>) target(%dma_start3A_88 : memref<40x128xi32, #tpu.memory_space<vmem>>) target_semaphore(%run_scoped3A_80 : memref<!tpu.dma_semaphore, #tpu.memory_space<semaphore_mem>>)
      %dma_wait3A_91 = arith.constant 0 : i32
      %dma_wait3A_92 = arith.constant 0 : i32
      %dma_wait3A_93 = tpu.memref_slice %arg8[%dma_wait3A_91, %dma_wait3A_92] : memref<40x128xi32, #tpu.memory_space<vmem>> -> memref<40x128xi32, #tpu.memory_space<vmem>>
      %dma_wait3A_94 = arith.constant 0 : i32
      %dma_wait3A_95 = tpu.memref_slice %arg4[%mul3A_4, %dma_wait3A_94] : memref<2560x128xi32, #tpu.memory_space<hbm>> -> memref<40x128xi32, #tpu.memory_space<hbm>>
      %dma_wait3A_96 = arith.constant 0 : i32
      %dma_wait3A_97 = arith.constant 0 : i32
      %dma_wait3A_98 = tpu.memref_slice %arg8[%dma_wait3A_96, %dma_wait3A_97] : memref<40x128xi32, #tpu.memory_space<vmem>> -> memref<40x128xi32, #tpu.memory_space<vmem>>
      %dma_wait3A_99 = arith.constant 0 : i32
      %dma_wait3A_100 = tpu.memref_slice %arg4[%mul3A_4, %dma_wait3A_99] : memref<2560x128xi32, #tpu.memory_space<hbm>> -> memref<40x128xi32, #tpu.memory_space<hbm>>
      tpu.wait_dma2 semaphore(%run_scoped3A_80 : memref<!tpu.dma_semaphore, #tpu.memory_space<semaphore_mem>>) src(%dma_wait3A_100 : memref<40x128xi32, #tpu.memory_space<hbm>>) dst(%dma_wait3A_98 : memref<40x128xi32, #tpu.memory_space<vmem>>)
      tpu.yield
    }) : () -> ()
    %dma_start3A = arith.constant 0 : i32
    %dma_start3A_5 = arith.constant 0 : i32
    %dma_start3A_6 = tpu.memref_slice %arg7[%dma_start3A, %dma_start3A_5] : memref<40x128xi32, #tpu.memory_space<vmem>> -> memref<1x128xi32, #tpu.memory_space<vmem>>
    %dma_start3A_7 = tpu.memref_squeeze %dma_start3A_6 : memref<1x128xi32, #tpu.memory_space<vmem>> -> memref<128xi32, #tpu.memory_space<vmem>>
    %dma_start3A_8 = arith.constant 0 : i32
    %dma_start3A_9 = arith.constant 0 : i32
    %dma_start3A_10 = tpu.memref_slice %arg2[%dma_start3A_8, %dma_start3A_9] : memref<10000x128xf32, #tpu.memory_space<hbm>> -> memref<10000x128xf32, #tpu.memory_space<hbm>>
    tpu.enqueue_indirect_dma source(%dma_start3A_10 : memref<10000x128xf32, #tpu.memory_space<hbm>>) target(%arg9 : memref<128x128xf32, #tpu.memory_space<vmem>>) offsets(%dma_start3A_7 : memref<128xi32, #tpu.memory_space<vmem>>) semaphore(%arg12 : memref<!tpu.dma_semaphore, #tpu.memory_space<semaphore_mem>>)
    %scan3A = arith.constant 0 : i32
    %scan3A_11 = arith.constant 19 : i32
    %scan3A_12 = arith.addi %scan3A, %scan3A_11 : i32
    %scan3A_13 = arith.constant 1 : i32
    scf.for %scan3A_80 = %scan3A to %scan3A_12 step %scan3A_13  : i32 {
      %mul3A_81 = arith.constant 2 : i32
      %mul3A_82 = arith.muli %scan3A_80, %mul3A_81 : i32
      %add3A_83 = arith.constant 0 : i32
      %add3A_84 = arith.addi %add3A_83, %mul3A_82 : i32
      %add3A_85 = arith.constant 1 : i32
      %add3A_86 = arith.addi %add3A_84, %add3A_85 : i32
      %dma_start3A_87 = arith.constant 0 : i32
      %dma_start3A_88 = tpu.memref_slice %arg7[%add3A_86, %dma_start3A_87] : memref<40x128xi32, #tpu.memory_space<vmem>> -> memref<1x128xi32, #tpu.memory_space<vmem>>
      %dma_start3A_89 = tpu.memref_squeeze %dma_start3A_88 : memref<1x128xi32, #tpu.memory_space<vmem>> -> memref<128xi32, #tpu.memory_space<vmem>>
      %dma_start3A_90 = arith.constant 0 : i32
      %dma_start3A_91 = arith.constant 0 : i32
      %dma_start3A_92 = tpu.memref_slice %arg2[%dma_start3A_90, %dma_start3A_91] : memref<10000x128xf32, #tpu.memory_space<hbm>> -> memref<10000x128xf32, #tpu.memory_space<hbm>>
      tpu.enqueue_indirect_dma source(%dma_start3A_92 : memref<10000x128xf32, #tpu.memory_space<hbm>>) target(%arg10 : memref<128x128xf32, #tpu.memory_space<vmem>>) offsets(%dma_start3A_89 : memref<128xi32, #tpu.memory_space<vmem>>) semaphore(%arg13 : memref<!tpu.dma_semaphore, #tpu.memory_space<semaphore_mem>>)
      %dma_wait3A_93 = arith.constant 0 : i32
      %dma_wait3A_94 = arith.constant 0 : i32
      %dma_wait3A_95 = tpu.memref_slice %arg7[%dma_wait3A_93, %dma_wait3A_94] : memref<40x128xi32, #tpu.memory_space<vmem>> -> memref<1x128xi32, #tpu.memory_space<vmem>>
      %dma_wait3A_96 = tpu.memref_squeeze %dma_wait3A_95 : memref<1x128xi32, #tpu.memory_space<vmem>> -> memref<128xi32, #tpu.memory_space<vmem>>
      %dma_wait3A_97 = arith.constant 0 : i32
      %dma_wait3A_98 = arith.constant 0 : i32
      %dma_wait3A_99 = tpu.memref_slice %arg2[%dma_wait3A_97, %dma_wait3A_98] : memref<10000x128xf32, #tpu.memory_space<hbm>> -> memref<10000x128xf32, #tpu.memory_space<hbm>>
      tpu.wait_indirect_dma semaphore(%arg12 : memref<!tpu.dma_semaphore, #tpu.memory_space<semaphore_mem>>) src(%dma_wait3A_99 : memref<10000x128xf32, #tpu.memory_space<hbm>>) dst(%arg9 : memref<128x128xf32, #tpu.memory_space<vmem>>)
      "tpu.region"() ({
        %run_scoped3A_117 = tpu.sem_alloc : memref<!tpu.dma_semaphore, #tpu.memory_space<semaphore_mem>>
        %dma_start3A_118 = arith.constant 0 : i32
        %dma_start3A_119 = tpu.memref_slice %arg8[%add3A_84, %dma_start3A_118] : memref<40x128xi32, #tpu.memory_space<vmem>> -> memref<1x128xi32, #tpu.memory_space<vmem>>
        %dma_start3A_120 = tpu.memref_squeeze %dma_start3A_119 : memref<1x128xi32, #tpu.memory_space<vmem>> -> memref<128xi32, #tpu.memory_space<vmem>>
        %dma_start3A_121 = arith.constant 0 : i32
        %dma_start3A_122 = arith.constant 0 : i32
        %dma_start3A_123 = tpu.memref_slice %arg11[%dma_start3A_121, %dma_start3A_122] : memref<10112x128xf32, #tpu.memory_space<vmem_shared>> -> memref<10112x128xf32, #tpu.memory_space<vmem_shared>>
        tpu.enqueue_indirect_dma source(%arg9 : memref<128x128xf32, #tpu.memory_space<vmem>>) target(%dma_start3A_123 : memref<10112x128xf32, #tpu.memory_space<vmem_shared>>) offsets(%dma_start3A_120 : memref<128xi32, #tpu.memory_space<vmem>>) semaphore(%run_scoped3A_117 : memref<!tpu.dma_semaphore, #tpu.memory_space<semaphore_mem>>) {add = true}
        %dma_wait3A_124 = arith.constant 0 : i32
        %dma_wait3A_125 = tpu.memref_slice %arg8[%add3A_84, %dma_wait3A_124] : memref<40x128xi32, #tpu.memory_space<vmem>> -> memref<1x128xi32, #tpu.memory_space<vmem>>
        %dma_wait3A_126 = tpu.memref_squeeze %dma_wait3A_125 : memref<1x128xi32, #tpu.memory_space<vmem>> -> memref<128xi32, #tpu.memory_space<vmem>>
        %dma_wait3A_127 = arith.constant 0 : i32
        %dma_wait3A_128 = arith.constant 0 : i32
        %dma_wait3A_129 = tpu.memref_slice %arg11[%dma_wait3A_127, %dma_wait3A_128] : memref<10112x128xf32, #tpu.memory_space<vmem_shared>> -> memref<10112x128xf32, #tpu.memory_space<vmem_shared>>
        tpu.wait_indirect_dma semaphore(%run_scoped3A_117 : memref<!tpu.dma_semaphore, #tpu.memory_space<semaphore_mem>>) src(%arg9 : memref<128x128xf32, #tpu.memory_space<vmem>>) dst(%dma_wait3A_129 : memref<10112x128xf32, #tpu.memory_space<vmem_shared>>)
        tpu.yield
      }) : () -> ()
      %add3A_100 = arith.constant 2 : i32
      %add3A_101 = arith.addi %add3A_84, %add3A_100 : i32
      %dma_start3A_102 = arith.constant 0 : i32
      %dma_start3A_103 = tpu.memref_slice %arg7[%add3A_101, %dma_start3A_102] : memref<40x128xi32, #tpu.memory_space<vmem>> -> memref<1x128xi32, #tpu.memory_space<vmem>>
      %dma_start3A_104 = tpu.memref_squeeze %dma_start3A_103 : memref<1x128xi32, #tpu.memory_space<vmem>> -> memref<128xi32, #tpu.memory_space<vmem>>
      %dma_start3A_105 = arith.constant 0 : i32
      %dma_start3A_106 = arith.constant 0 : i32
      %dma_start3A_107 = tpu.memref_slice %arg2[%dma_start3A_105, %dma_start3A_106] : memref<10000x128xf32, #tpu.memory_space<hbm>> -> memref<10000x128xf32, #tpu.memory_space<hbm>>
      tpu.enqueue_indirect_dma source(%dma_start3A_107 : memref<10000x128xf32, #tpu.memory_space<hbm>>) target(%arg9 : memref<128x128xf32, #tpu.memory_space<vmem>>) offsets(%dma_start3A_104 : memref<128xi32, #tpu.memory_space<vmem>>) semaphore(%arg12 : memref<!tpu.dma_semaphore, #tpu.memory_space<semaphore_mem>>)
      %dma_wait3A_108 = arith.constant 0 : i32
      %dma_wait3A_109 = arith.constant 0 : i32
      %dma_wait3A_110 = tpu.memref_slice %arg7[%dma_wait3A_108, %dma_wait3A_109] : memref<40x128xi32, #tpu.memory_space<vmem>> -> memref<1x128xi32, #tpu.memory_space<vmem>>
      %dma_wait3A_111 = tpu.memref_squeeze %dma_wait3A_110 : memref<1x128xi32, #tpu.memory_space<vmem>> -> memref<128xi32, #tpu.memory_space<vmem>>
      %dma_wait3A_112 = arith.constant 0 : i32
      %dma_wait3A_113 = arith.constant 0 : i32
      %dma_wait3A_114 = tpu.memref_slice %arg2[%dma_wait3A_112, %dma_wait3A_113] : memref<10000x128xf32, #tpu.memory_space<hbm>> -> memref<10000x128xf32, #tpu.memory_space<hbm>>
      tpu.wait_indirect_dma semaphore(%arg13 : memref<!tpu.dma_semaphore, #tpu.memory_space<semaphore_mem>>) src(%dma_wait3A_114 : memref<10000x128xf32, #tpu.memory_space<hbm>>) dst(%arg10 : memref<128x128xf32, #tpu.memory_space<vmem>>)
      %add3A_115 = arith.constant 1 : i32
      %add3A_116 = arith.addi %add3A_84, %add3A_115 : i32
      "tpu.region"() ({
        %run_scoped3A_117 = tpu.sem_alloc : memref<!tpu.dma_semaphore, #tpu.memory_space<semaphore_mem>>
        %dma_start3A_118 = arith.constant 0 : i32
        %dma_start3A_119 = tpu.memref_slice %arg8[%add3A_116, %dma_start3A_118] : memref<40x128xi32, #tpu.memory_space<vmem>> -> memref<1x128xi32, #tpu.memory_space<vmem>>
        %dma_start3A_120 = tpu.memref_squeeze %dma_start3A_119 : memref<1x128xi32, #tpu.memory_space<vmem>> -> memref<128xi32, #tpu.memory_space<vmem>>
        %dma_start3A_121 = arith.constant 0 : i32
        %dma_start3A_122 = arith.constant 0 : i32
        %dma_start3A_123 = tpu.memref_slice %arg11[%dma_start3A_121, %dma_start3A_122] : memref<10112x128xf32, #tpu.memory_space<vmem_shared>> -> memref<10112x128xf32, #tpu.memory_space<vmem_shared>>
        tpu.enqueue_indirect_dma source(%arg10 : memref<128x128xf32, #tpu.memory_space<vmem>>) target(%dma_start3A_123 : memref<10112x128xf32, #tpu.memory_space<vmem_shared>>) offsets(%dma_start3A_120 : memref<128xi32, #tpu.memory_space<vmem>>) semaphore(%run_scoped3A_117 : memref<!tpu.dma_semaphore, #tpu.memory_space<semaphore_mem>>) {add = true}
        %dma_wait3A_124 = arith.constant 0 : i32
        %dma_wait3A_125 = tpu.memref_slice %arg8[%add3A_116, %dma_wait3A_124] : memref<40x128xi32, #tpu.memory_space<vmem>> -> memref<1x128xi32, #tpu.memory_space<vmem>>
        %dma_wait3A_126 = tpu.memref_squeeze %dma_wait3A_125 : memref<1x128xi32, #tpu.memory_space<vmem>> -> memref<128xi32, #tpu.memory_space<vmem>>
        %dma_wait3A_127 = arith.constant 0 : i32
        %dma_wait3A_128 = arith.constant 0 : i32
        %dma_wait3A_129 = tpu.memref_slice %arg11[%dma_wait3A_127, %dma_wait3A_128] : memref<10112x128xf32, #tpu.memory_space<vmem_shared>> -> memref<10112x128xf32, #tpu.memory_space<vmem_shared>>
        tpu.wait_indirect_dma semaphore(%run_scoped3A_117 : memref<!tpu.dma_semaphore, #tpu.memory_space<semaphore_mem>>) src(%arg10 : memref<128x128xf32, #tpu.memory_space<vmem>>) dst(%dma_wait3A_129 : memref<10112x128xf32, #tpu.memory_space<vmem_shared>>)
        tpu.yield
      }) : () -> ()
    }
    %scan3A_14 = arith.constant 19 : i32
    %dma_start3A_15 = arith.constant 39 : i32
    %dma_start3A_16 = arith.constant 0 : i32
    %dma_start3A_17 = tpu.memref_slice %arg7[%dma_start3A_15, %dma_start3A_16] : memref<40x128xi32, #tpu.memory_space<vmem>> -> memref<1x128xi32, #tpu.memory_space<vmem>>
    %dma_start3A_18 = tpu.memref_squeeze %dma_start3A_17 : memref<1x128xi32, #tpu.memory_space<vmem>> -> memref<128xi32, #tpu.memory_space<vmem>>
    %dma_start3A_19 = arith.constant 0 : i32
    %dma_start3A_20 = arith.constant 0 : i32
    %dma_start3A_21 = tpu.memref_slice %arg2[%dma_start3A_19, %dma_start3A_20] : memref<10000x128xf32, #tpu.memory_space<hbm>> -> memref<10000x128xf32, #tpu.memory_space<hbm>>
    tpu.enqueue_indirect_dma source(%dma_start3A_21 : memref<10000x128xf32, #tpu.memory_space<hbm>>) target(%arg10 : memref<128x128xf32, #tpu.memory_space<vmem>>) offsets(%dma_start3A_18 : memref<128xi32, #tpu.memory_space<vmem>>) semaphore(%arg13 : memref<!tpu.dma_semaphore, #tpu.memory_space<semaphore_mem>>)
    %dma_wait3A = arith.constant 0 : i32
    %dma_wait3A_22 = arith.constant 0 : i32
    %dma_wait3A_23 = tpu.memref_slice %arg7[%dma_wait3A, %dma_wait3A_22] : memref<40x128xi32, #tpu.memory_space<vmem>> -> memref<1x128xi32, #tpu.memory_space<vmem>>
    %dma_wait3A_24 = tpu.memref_squeeze %dma_wait3A_23 : memref<1x128xi32, #tpu.memory_space<vmem>> -> memref<128xi32, #tpu.memory_space<vmem>>
    %dma_wait3A_25 = arith.constant 0 : i32
    %dma_wait3A_26 = arith.constant 0 : i32
    %dma_wait3A_27 = tpu.memref_slice %arg2[%dma_wait3A_25, %dma_wait3A_26] : memref<10000x128xf32, #tpu.memory_space<hbm>> -> memref<10000x128xf32, #tpu.memory_space<hbm>>
    tpu.wait_indirect_dma semaphore(%arg12 : memref<!tpu.dma_semaphore, #tpu.memory_space<semaphore_mem>>) src(%dma_wait3A_27 : memref<10000x128xf32, #tpu.memory_space<hbm>>) dst(%arg9 : memref<128x128xf32, #tpu.memory_space<vmem>>)
    %run_scoped3A = arith.constant 38 : i32
    "tpu.region"() ({
      %run_scoped3A_80 = tpu.sem_alloc : memref<!tpu.dma_semaphore, #tpu.memory_space<semaphore_mem>>
      %dma_start3A_81 = arith.constant 0 : i32
      %dma_start3A_82 = tpu.memref_slice %arg8[%run_scoped3A, %dma_start3A_81] : memref<40x128xi32, #tpu.memory_space<vmem>> -> memref<1x128xi32, #tpu.memory_space<vmem>>
      %dma_start3A_83 = tpu.memref_squeeze %dma_start3A_82 : memref<1x128xi32, #tpu.memory_space<vmem>> -> memref<128xi32, #tpu.memory_space<vmem>>
      %dma_start3A_84 = arith.constant 0 : i32
      %dma_start3A_85 = arith.constant 0 : i32
      %dma_start3A_86 = tpu.memref_slice %arg11[%dma_start3A_84, %dma_start3A_85] : memref<10112x128xf32, #tpu.memory_space<vmem_shared>> -> memref<10112x128xf32, #tpu.memory_space<vmem_shared>>
      tpu.enqueue_indirect_dma source(%arg9 : memref<128x128xf32, #tpu.memory_space<vmem>>) target(%dma_start3A_86 : memref<10112x128xf32, #tpu.memory_space<vmem_shared>>) offsets(%dma_start3A_83 : memref<128xi32, #tpu.memory_space<vmem>>) semaphore(%run_scoped3A_80 : memref<!tpu.dma_semaphore, #tpu.memory_space<semaphore_mem>>) {add = true}
      %dma_wait3A_87 = arith.constant 0 : i32
      %dma_wait3A_88 = tpu.memref_slice %arg8[%run_scoped3A, %dma_wait3A_87] : memref<40x128xi32, #tpu.memory_space<vmem>> -> memref<1x128xi32, #tpu.memory_space<vmem>>
      %dma_wait3A_89 = tpu.memref_squeeze %dma_wait3A_88 : memref<1x128xi32, #tpu.memory_space<vmem>> -> memref<128xi32, #tpu.memory_space<vmem>>
      %dma_wait3A_90 = arith.constant 0 : i32
      %dma_wait3A_91 = arith.constant 0 : i32
      %dma_wait3A_92 = tpu.memref_slice %arg11[%dma_wait3A_90, %dma_wait3A_91] : memref<10112x128xf32, #tpu.memory_space<vmem_shared>> -> memref<10112x128xf32, #tpu.memory_space<vmem_shared>>
      tpu.wait_indirect_dma semaphore(%run_scoped3A_80 : memref<!tpu.dma_semaphore, #tpu.memory_space<semaphore_mem>>) src(%arg9 : memref<128x128xf32, #tpu.memory_space<vmem>>) dst(%dma_wait3A_92 : memref<10112x128xf32, #tpu.memory_space<vmem_shared>>)
      tpu.yield
    }) : () -> ()
    %dma_wait3A_28 = arith.constant 0 : i32
    %dma_wait3A_29 = arith.constant 0 : i32
    %dma_wait3A_30 = tpu.memref_slice %arg7[%dma_wait3A_28, %dma_wait3A_29] : memref<40x128xi32, #tpu.memory_space<vmem>> -> memref<1x128xi32, #tpu.memory_space<vmem>>
    %dma_wait3A_31 = tpu.memref_squeeze %dma_wait3A_30 : memref<1x128xi32, #tpu.memory_space<vmem>> -> memref<128xi32, #tpu.memory_space<vmem>>
    %dma_wait3A_32 = arith.constant 0 : i32
    %dma_wait3A_33 = arith.constant 0 : i32
    %dma_wait3A_34 = tpu.memref_slice %arg2[%dma_wait3A_32, %dma_wait3A_33] : memref<10000x128xf32, #tpu.memory_space<hbm>> -> memref<10000x128xf32, #tpu.memory_space<hbm>>
    tpu.wait_indirect_dma semaphore(%arg13 : memref<!tpu.dma_semaphore, #tpu.memory_space<semaphore_mem>>) src(%dma_wait3A_34 : memref<10000x128xf32, #tpu.memory_space<hbm>>) dst(%arg10 : memref<128x128xf32, #tpu.memory_space<vmem>>)
    %run_scoped3A_35 = arith.constant 39 : i32
    "tpu.region"() ({
      %run_scoped3A_80 = tpu.sem_alloc : memref<!tpu.dma_semaphore, #tpu.memory_space<semaphore_mem>>
      %dma_start3A_81 = arith.constant 0 : i32
      %dma_start3A_82 = tpu.memref_slice %arg8[%run_scoped3A_35, %dma_start3A_81] : memref<40x128xi32, #tpu.memory_space<vmem>> -> memref<1x128xi32, #tpu.memory_space<vmem>>
      %dma_start3A_83 = tpu.memref_squeeze %dma_start3A_82 : memref<1x128xi32, #tpu.memory_space<vmem>> -> memref<128xi32, #tpu.memory_space<vmem>>
      %dma_start3A_84 = arith.constant 0 : i32
      %dma_start3A_85 = arith.constant 0 : i32
      %dma_start3A_86 = tpu.memref_slice %arg11[%dma_start3A_84, %dma_start3A_85] : memref<10112x128xf32, #tpu.memory_space<vmem_shared>> -> memref<10112x128xf32, #tpu.memory_space<vmem_shared>>
      tpu.enqueue_indirect_dma source(%arg10 : memref<128x128xf32, #tpu.memory_space<vmem>>) target(%dma_start3A_86 : memref<10112x128xf32, #tpu.memory_space<vmem_shared>>) offsets(%dma_start3A_83 : memref<128xi32, #tpu.memory_space<vmem>>) semaphore(%run_scoped3A_80 : memref<!tpu.dma_semaphore, #tpu.memory_space<semaphore_mem>>) {add = true}
      %dma_wait3A_87 = arith.constant 0 : i32
      %dma_wait3A_88 = tpu.memref_slice %arg8[%run_scoped3A_35, %dma_wait3A_87] : memref<40x128xi32, #tpu.memory_space<vmem>> -> memref<1x128xi32, #tpu.memory_space<vmem>>
      %dma_wait3A_89 = tpu.memref_squeeze %dma_wait3A_88 : memref<1x128xi32, #tpu.memory_space<vmem>> -> memref<128xi32, #tpu.memory_space<vmem>>
      %dma_wait3A_90 = arith.constant 0 : i32
      %dma_wait3A_91 = arith.constant 0 : i32
      %dma_wait3A_92 = tpu.memref_slice %arg11[%dma_wait3A_90, %dma_wait3A_91] : memref<10112x128xf32, #tpu.memory_space<vmem_shared>> -> memref<10112x128xf32, #tpu.memory_space<vmem_shared>>
      tpu.wait_indirect_dma semaphore(%run_scoped3A_80 : memref<!tpu.dma_semaphore, #tpu.memory_space<semaphore_mem>>) src(%arg10 : memref<128x128xf32, #tpu.memory_space<vmem>>) dst(%dma_wait3A_92 : memref<10112x128xf32, #tpu.memory_space<vmem_shared>>)
      tpu.yield
    }) : () -> ()
    %mul3A_36 = arith.constant 80 : i32
    %mul3A_37 = arith.muli %add3A, %mul3A_36 : i32
    %add3A_38 = arith.constant 40 : i32
    %add3A_39 = arith.addi %mul3A_37, %add3A_38 : i32
    "tpu.region"() ({
      %run_scoped3A_80 = tpu.sem_alloc : memref<!tpu.dma_semaphore, #tpu.memory_space<semaphore_mem>>
      %dma_start3A_81 = arith.constant 0 : i32
      %dma_start3A_82 = arith.constant 0 : i32
      %dma_start3A_83 = tpu.memref_slice %arg7[%dma_start3A_81, %dma_start3A_82] : memref<40x128xi32, #tpu.memory_space<vmem>> -> memref<40x128xi32, #tpu.memory_space<vmem>>
      %dma_start3A_84 = arith.constant 0 : i32
      %dma_start3A_85 = tpu.memref_slice %arg3[%add3A_39, %dma_start3A_84] : memref<2560x128xi32, #tpu.memory_space<hbm>> -> memref<40x128xi32, #tpu.memory_space<hbm>>
      %dma_start3A_86 = arith.constant 0 : i32
      %dma_start3A_87 = arith.constant 0 : i32
      %dma_start3A_88 = tpu.memref_slice %arg7[%dma_start3A_86, %dma_start3A_87] : memref<40x128xi32, #tpu.memory_space<vmem>> -> memref<40x128xi32, #tpu.memory_space<vmem>>
      %dma_start3A_89 = arith.constant 0 : i32
      %dma_start3A_90 = tpu.memref_slice %arg3[%add3A_39, %dma_start3A_89] : memref<2560x128xi32, #tpu.memory_space<hbm>> -> memref<40x128xi32, #tpu.memory_space<hbm>>
      tpu.enqueue_dma source(%dma_start3A_90 : memref<40x128xi32, #tpu.memory_space<hbm>>) target(%dma_start3A_88 : memref<40x128xi32, #tpu.memory_space<vmem>>) target_semaphore(%run_scoped3A_80 : memref<!tpu.dma_semaphore, #tpu.memory_space<semaphore_mem>>)
      %dma_wait3A_91 = arith.constant 0 : i32
      %dma_wait3A_92 = arith.constant 0 : i32
      %dma_wait3A_93 = tpu.memref_slice %arg7[%dma_wait3A_91, %dma_wait3A_92] : memref<40x128xi32, #tpu.memory_space<vmem>> -> memref<40x128xi32, #tpu.memory_space<vmem>>
      %dma_wait3A_94 = arith.constant 0 : i32
      %dma_wait3A_95 = tpu.memref_slice %arg3[%add3A_39, %dma_wait3A_94] : memref<2560x128xi32, #tpu.memory_space<hbm>> -> memref<40x128xi32, #tpu.memory_space<hbm>>
      %dma_wait3A_96 = arith.constant 0 : i32
      %dma_wait3A_97 = arith.constant 0 : i32
      %dma_wait3A_98 = tpu.memref_slice %arg7[%dma_wait3A_96, %dma_wait3A_97] : memref<40x128xi32, #tpu.memory_space<vmem>> -> memref<40x128xi32, #tpu.memory_space<vmem>>
      %dma_wait3A_99 = arith.constant 0 : i32
      %dma_wait3A_100 = tpu.memref_slice %arg3[%add3A_39, %dma_wait3A_99] : memref<2560x128xi32, #tpu.memory_space<hbm>> -> memref<40x128xi32, #tpu.memory_space<hbm>>
      tpu.wait_dma2 semaphore(%run_scoped3A_80 : memref<!tpu.dma_semaphore, #tpu.memory_space<semaphore_mem>>) src(%dma_wait3A_100 : memref<40x128xi32, #tpu.memory_space<hbm>>) dst(%dma_wait3A_98 : memref<40x128xi32, #tpu.memory_space<vmem>>)
      tpu.yield
    }) : () -> ()
    "tpu.region"() ({
      %run_scoped3A_80 = tpu.sem_alloc : memref<!tpu.dma_semaphore, #tpu.memory_space<semaphore_mem>>
      %dma_start3A_81 = arith.constant 0 : i32
      %dma_start3A_82 = arith.constant 0 : i32
      %dma_start3A_83 = tpu.memref_slice %arg8[%dma_start3A_81, %dma_start3A_82] : memref<40x128xi32, #tpu.memory_space<vmem>> -> memref<40x128xi32, #tpu.memory_space<vmem>>
      %dma_start3A_84 = arith.constant 0 : i32
      %dma_start3A_85 = tpu.memref_slice %arg4[%add3A_39, %dma_start3A_84] : memref<2560x128xi32, #tpu.memory_space<hbm>> -> memref<40x128xi32, #tpu.memory_space<hbm>>
      %dma_start3A_86 = arith.constant 0 : i32
      %dma_start3A_87 = arith.constant 0 : i32
      %dma_start3A_88 = tpu.memref_slice %arg8[%dma_start3A_86, %dma_start3A_87] : memref<40x128xi32, #tpu.memory_space<vmem>> -> memref<40x128xi32, #tpu.memory_space<vmem>>
      %dma_start3A_89 = arith.constant 0 : i32
      %dma_start3A_90 = tpu.memref_slice %arg4[%add3A_39, %dma_start3A_89] : memref<2560x128xi32, #tpu.memory_space<hbm>> -> memref<40x128xi32, #tpu.memory_space<hbm>>
      tpu.enqueue_dma source(%dma_start3A_90 : memref<40x128xi32, #tpu.memory_space<hbm>>) target(%dma_start3A_88 : memref<40x128xi32, #tpu.memory_space<vmem>>) target_semaphore(%run_scoped3A_80 : memref<!tpu.dma_semaphore, #tpu.memory_space<semaphore_mem>>)
      %dma_wait3A_91 = arith.constant 0 : i32
      %dma_wait3A_92 = arith.constant 0 : i32
      %dma_wait3A_93 = tpu.memref_slice %arg8[%dma_wait3A_91, %dma_wait3A_92] : memref<40x128xi32, #tpu.memory_space<vmem>> -> memref<40x128xi32, #tpu.memory_space<vmem>>
      %dma_wait3A_94 = arith.constant 0 : i32
      %dma_wait3A_95 = tpu.memref_slice %arg4[%add3A_39, %dma_wait3A_94] : memref<2560x128xi32, #tpu.memory_space<hbm>> -> memref<40x128xi32, #tpu.memory_space<hbm>>
      %dma_wait3A_96 = arith.constant 0 : i32
      %dma_wait3A_97 = arith.constant 0 : i32
      %dma_wait3A_98 = tpu.memref_slice %arg8[%dma_wait3A_96, %dma_wait3A_97] : memref<40x128xi32, #tpu.memory_space<vmem>> -> memref<40x128xi32, #tpu.memory_space<vmem>>
      %dma_wait3A_99 = arith.constant 0 : i32
      %dma_wait3A_100 = tpu.memref_slice %arg4[%add3A_39, %dma_wait3A_99] : memref<2560x128xi32, #tpu.memory_space<hbm>> -> memref<40x128xi32, #tpu.memory_space<hbm>>
      tpu.wait_dma2 semaphore(%run_scoped3A_80 : memref<!tpu.dma_semaphore, #tpu.memory_space<semaphore_mem>>) src(%dma_wait3A_100 : memref<40x128xi32, #tpu.memory_space<hbm>>) dst(%dma_wait3A_98 : memref<40x128xi32, #tpu.memory_space<vmem>>)
      tpu.yield
    }) : () -> ()
    %dma_start3A_40 = arith.constant 0 : i32
    %dma_start3A_41 = arith.constant 0 : i32
    %dma_start3A_42 = tpu.memref_slice %arg7[%dma_start3A_40, %dma_start3A_41] : memref<40x128xi32, #tpu.memory_space<vmem>> -> memref<1x128xi32, #tpu.memory_space<vmem>>
    %dma_start3A_43 = tpu.memref_squeeze %dma_start3A_42 : memref<1x128xi32, #tpu.memory_space<vmem>> -> memref<128xi32, #tpu.memory_space<vmem>>
    %dma_start3A_44 = arith.constant 0 : i32
    %dma_start3A_45 = arith.constant 0 : i32
    %dma_start3A_46 = tpu.memref_slice %arg2[%dma_start3A_44, %dma_start3A_45] : memref<10000x128xf32, #tpu.memory_space<hbm>> -> memref<10000x128xf32, #tpu.memory_space<hbm>>
    tpu.enqueue_indirect_dma source(%dma_start3A_46 : memref<10000x128xf32, #tpu.memory_space<hbm>>) target(%arg9 : memref<128x128xf32, #tpu.memory_space<vmem>>) offsets(%dma_start3A_43 : memref<128xi32, #tpu.memory_space<vmem>>) semaphore(%arg12 : memref<!tpu.dma_semaphore, #tpu.memory_space<semaphore_mem>>)
    %scan3A_47 = arith.constant 0 : i32
    %scan3A_48 = arith.constant 19 : i32
    %scan3A_49 = arith.addi %scan3A_47, %scan3A_48 : i32
    %scan3A_50 = arith.constant 1 : i32
    scf.for %scan3A_80 = %scan3A_47 to %scan3A_49 step %scan3A_50  : i32 {
      %mul3A_81 = arith.constant 2 : i32
      %mul3A_82 = arith.muli %scan3A_80, %mul3A_81 : i32
      %add3A_83 = arith.constant 0 : i32
      %add3A_84 = arith.addi %add3A_83, %mul3A_82 : i32
      %add3A_85 = arith.constant 1 : i32
      %add3A_86 = arith.addi %add3A_84, %add3A_85 : i32
      %dma_start3A_87 = arith.constant 0 : i32
      %dma_start3A_88 = tpu.memref_slice %arg7[%add3A_86, %dma_start3A_87] : memref<40x128xi32, #tpu.memory_space<vmem>> -> memref<1x128xi32, #tpu.memory_space<vmem>>
      %dma_start3A_89 = tpu.memref_squeeze %dma_start3A_88 : memref<1x128xi32, #tpu.memory_space<vmem>> -> memref<128xi32, #tpu.memory_space<vmem>>
      %dma_start3A_90 = arith.constant 0 : i32
      %dma_start3A_91 = arith.constant 0 : i32
      %dma_start3A_92 = tpu.memref_slice %arg2[%dma_start3A_90, %dma_start3A_91] : memref<10000x128xf32, #tpu.memory_space<hbm>> -> memref<10000x128xf32, #tpu.memory_space<hbm>>
      tpu.enqueue_indirect_dma source(%dma_start3A_92 : memref<10000x128xf32, #tpu.memory_space<hbm>>) target(%arg10 : memref<128x128xf32, #tpu.memory_space<vmem>>) offsets(%dma_start3A_89 : memref<128xi32, #tpu.memory_space<vmem>>) semaphore(%arg13 : memref<!tpu.dma_semaphore, #tpu.memory_space<semaphore_mem>>)
      %dma_wait3A_93 = arith.constant 0 : i32
      %dma_wait3A_94 = arith.constant 0 : i32
      %dma_wait3A_95 = tpu.memref_slice %arg7[%dma_wait3A_93, %dma_wait3A_94] : memref<40x128xi32, #tpu.memory_space<vmem>> -> memref<1x128xi32, #tpu.memory_space<vmem>>
      %dma_wait3A_96 = tpu.memref_squeeze %dma_wait3A_95 : memref<1x128xi32, #tpu.memory_space<vmem>> -> memref<128xi32, #tpu.memory_space<vmem>>
      %dma_wait3A_97 = arith.constant 0 : i32
      %dma_wait3A_98 = arith.constant 0 : i32
      %dma_wait3A_99 = tpu.memref_slice %arg2[%dma_wait3A_97, %dma_wait3A_98] : memref<10000x128xf32, #tpu.memory_space<hbm>> -> memref<10000x128xf32, #tpu.memory_space<hbm>>
      tpu.wait_indirect_dma semaphore(%arg12 : memref<!tpu.dma_semaphore, #tpu.memory_space<semaphore_mem>>) src(%dma_wait3A_99 : memref<10000x128xf32, #tpu.memory_space<hbm>>) dst(%arg9 : memref<128x128xf32, #tpu.memory_space<vmem>>)
      "tpu.region"() ({
        %run_scoped3A_117 = tpu.sem_alloc : memref<!tpu.dma_semaphore, #tpu.memory_space<semaphore_mem>>
        %dma_start3A_118 = arith.constant 0 : i32
        %dma_start3A_119 = tpu.memref_slice %arg8[%add3A_84, %dma_start3A_118] : memref<40x128xi32, #tpu.memory_space<vmem>> -> memref<1x128xi32, #tpu.memory_space<vmem>>
        %dma_start3A_120 = tpu.memref_squeeze %dma_start3A_119 : memref<1x128xi32, #tpu.memory_space<vmem>> -> memref<128xi32, #tpu.memory_space<vmem>>
        %dma_start3A_121 = arith.constant 0 : i32
        %dma_start3A_122 = arith.constant 0 : i32
        %dma_start3A_123 = tpu.memref_slice %arg11[%dma_start3A_121, %dma_start3A_122] : memref<10112x128xf32, #tpu.memory_space<vmem_shared>> -> memref<10112x128xf32, #tpu.memory_space<vmem_shared>>
        tpu.enqueue_indirect_dma source(%arg9 : memref<128x128xf32, #tpu.memory_space<vmem>>) target(%dma_start3A_123 : memref<10112x128xf32, #tpu.memory_space<vmem_shared>>) offsets(%dma_start3A_120 : memref<128xi32, #tpu.memory_space<vmem>>) semaphore(%run_scoped3A_117 : memref<!tpu.dma_semaphore, #tpu.memory_space<semaphore_mem>>) {add = true}
        %dma_wait3A_124 = arith.constant 0 : i32
        %dma_wait3A_125 = tpu.memref_slice %arg8[%add3A_84, %dma_wait3A_124] : memref<40x128xi32, #tpu.memory_space<vmem>> -> memref<1x128xi32, #tpu.memory_space<vmem>>
        %dma_wait3A_126 = tpu.memref_squeeze %dma_wait3A_125 : memref<1x128xi32, #tpu.memory_space<vmem>> -> memref<128xi32, #tpu.memory_space<vmem>>
        %dma_wait3A_127 = arith.constant 0 : i32
        %dma_wait3A_128 = arith.constant 0 : i32
        %dma_wait3A_129 = tpu.memref_slice %arg11[%dma_wait3A_127, %dma_wait3A_128] : memref<10112x128xf32, #tpu.memory_space<vmem_shared>> -> memref<10112x128xf32, #tpu.memory_space<vmem_shared>>
        tpu.wait_indirect_dma semaphore(%run_scoped3A_117 : memref<!tpu.dma_semaphore, #tpu.memory_space<semaphore_mem>>) src(%arg9 : memref<128x128xf32, #tpu.memory_space<vmem>>) dst(%dma_wait3A_129 : memref<10112x128xf32, #tpu.memory_space<vmem_shared>>)
        tpu.yield
      }) : () -> ()
      %add3A_100 = arith.constant 2 : i32
      %add3A_101 = arith.addi %add3A_84, %add3A_100 : i32
      %dma_start3A_102 = arith.constant 0 : i32
      %dma_start3A_103 = tpu.memref_slice %arg7[%add3A_101, %dma_start3A_102] : memref<40x128xi32, #tpu.memory_space<vmem>> -> memref<1x128xi32, #tpu.memory_space<vmem>>
      %dma_start3A_104 = tpu.memref_squeeze %dma_start3A_103 : memref<1x128xi32, #tpu.memory_space<vmem>> -> memref<128xi32, #tpu.memory_space<vmem>>
      %dma_start3A_105 = arith.constant 0 : i32
      %dma_start3A_106 = arith.constant 0 : i32
      %dma_start3A_107 = tpu.memref_slice %arg2[%dma_start3A_105, %dma_start3A_106] : memref<10000x128xf32, #tpu.memory_space<hbm>> -> memref<10000x128xf32, #tpu.memory_space<hbm>>
      tpu.enqueue_indirect_dma source(%dma_start3A_107 : memref<10000x128xf32, #tpu.memory_space<hbm>>) target(%arg9 : memref<128x128xf32, #tpu.memory_space<vmem>>) offsets(%dma_start3A_104 : memref<128xi32, #tpu.memory_space<vmem>>) semaphore(%arg12 : memref<!tpu.dma_semaphore, #tpu.memory_space<semaphore_mem>>)
      %dma_wait3A_108 = arith.constant 0 : i32
      %dma_wait3A_109 = arith.constant 0 : i32
      %dma_wait3A_110 = tpu.memref_slice %arg7[%dma_wait3A_108, %dma_wait3A_109] : memref<40x128xi32, #tpu.memory_space<vmem>> -> memref<1x128xi32, #tpu.memory_space<vmem>>
      %dma_wait3A_111 = tpu.memref_squeeze %dma_wait3A_110 : memref<1x128xi32, #tpu.memory_space<vmem>> -> memref<128xi32, #tpu.memory_space<vmem>>
      %dma_wait3A_112 = arith.constant 0 : i32
      %dma_wait3A_113 = arith.constant 0 : i32
      %dma_wait3A_114 = tpu.memref_slice %arg2[%dma_wait3A_112, %dma_wait3A_113] : memref<10000x128xf32, #tpu.memory_space<hbm>> -> memref<10000x128xf32, #tpu.memory_space<hbm>>
      tpu.wait_indirect_dma semaphore(%arg13 : memref<!tpu.dma_semaphore, #tpu.memory_space<semaphore_mem>>) src(%dma_wait3A_114 : memref<10000x128xf32, #tpu.memory_space<hbm>>) dst(%arg10 : memref<128x128xf32, #tpu.memory_space<vmem>>)
      %add3A_115 = arith.constant 1 : i32
      %add3A_116 = arith.addi %add3A_84, %add3A_115 : i32
      "tpu.region"() ({
        %run_scoped3A_117 = tpu.sem_alloc : memref<!tpu.dma_semaphore, #tpu.memory_space<semaphore_mem>>
        %dma_start3A_118 = arith.constant 0 : i32
        %dma_start3A_119 = tpu.memref_slice %arg8[%add3A_116, %dma_start3A_118] : memref<40x128xi32, #tpu.memory_space<vmem>> -> memref<1x128xi32, #tpu.memory_space<vmem>>
        %dma_start3A_120 = tpu.memref_squeeze %dma_start3A_119 : memref<1x128xi32, #tpu.memory_space<vmem>> -> memref<128xi32, #tpu.memory_space<vmem>>
        %dma_start3A_121 = arith.constant 0 : i32
        %dma_start3A_122 = arith.constant 0 : i32
        %dma_start3A_123 = tpu.memref_slice %arg11[%dma_start3A_121, %dma_start3A_122] : memref<10112x128xf32, #tpu.memory_space<vmem_shared>> -> memref<10112x128xf32, #tpu.memory_space<vmem_shared>>
        tpu.enqueue_indirect_dma source(%arg10 : memref<128x128xf32, #tpu.memory_space<vmem>>) target(%dma_start3A_123 : memref<10112x128xf32, #tpu.memory_space<vmem_shared>>) offsets(%dma_start3A_120 : memref<128xi32, #tpu.memory_space<vmem>>) semaphore(%run_scoped3A_117 : memref<!tpu.dma_semaphore, #tpu.memory_space<semaphore_mem>>) {add = true}
        %dma_wait3A_124 = arith.constant 0 : i32
        %dma_wait3A_125 = tpu.memref_slice %arg8[%add3A_116, %dma_wait3A_124] : memref<40x128xi32, #tpu.memory_space<vmem>> -> memref<1x128xi32, #tpu.memory_space<vmem>>
        %dma_wait3A_126 = tpu.memref_squeeze %dma_wait3A_125 : memref<1x128xi32, #tpu.memory_space<vmem>> -> memref<128xi32, #tpu.memory_space<vmem>>
        %dma_wait3A_127 = arith.constant 0 : i32
        %dma_wait3A_128 = arith.constant 0 : i32
        %dma_wait3A_129 = tpu.memref_slice %arg11[%dma_wait3A_127, %dma_wait3A_128] : memref<10112x128xf32, #tpu.memory_space<vmem_shared>> -> memref<10112x128xf32, #tpu.memory_space<vmem_shared>>
        tpu.wait_indirect_dma semaphore(%run_scoped3A_117 : memref<!tpu.dma_semaphore, #tpu.memory_space<semaphore_mem>>) src(%arg10 : memref<128x128xf32, #tpu.memory_space<vmem>>) dst(%dma_wait3A_129 : memref<10112x128xf32, #tpu.memory_space<vmem_shared>>)
        tpu.yield
      }) : () -> ()
    }
    %scan3A_51 = arith.constant 19 : i32
    %dma_start3A_52 = arith.constant 39 : i32
    %dma_start3A_53 = arith.constant 0 : i32
    %dma_start3A_54 = tpu.memref_slice %arg7[%dma_start3A_52, %dma_start3A_53] : memref<40x128xi32, #tpu.memory_space<vmem>> -> memref<1x128xi32, #tpu.memory_space<vmem>>
    %dma_start3A_55 = tpu.memref_squeeze %dma_start3A_54 : memref<1x128xi32, #tpu.memory_space<vmem>> -> memref<128xi32, #tpu.memory_space<vmem>>
    %dma_start3A_56 = arith.constant 0 : i32
    %dma_start3A_57 = arith.constant 0 : i32
    %dma_start3A_58 = tpu.memref_slice %arg2[%dma_start3A_56, %dma_start3A_57] : memref<10000x128xf32, #tpu.memory_space<hbm>> -> memref<10000x128xf32, #tpu.memory_space<hbm>>
    tpu.enqueue_indirect_dma source(%dma_start3A_58 : memref<10000x128xf32, #tpu.memory_space<hbm>>) target(%arg10 : memref<128x128xf32, #tpu.memory_space<vmem>>) offsets(%dma_start3A_55 : memref<128xi32, #tpu.memory_space<vmem>>) semaphore(%arg13 : memref<!tpu.dma_semaphore, #tpu.memory_space<semaphore_mem>>)
    %dma_wait3A_59 = arith.constant 0 : i32
    %dma_wait3A_60 = arith.constant 0 : i32
    %dma_wait3A_61 = tpu.memref_slice %arg7[%dma_wait3A_59, %dma_wait3A_60] : memref<40x128xi32, #tpu.memory_space<vmem>> -> memref<1x128xi32, #tpu.memory_space<vmem>>
    %dma_wait3A_62 = tpu.memref_squeeze %dma_wait3A_61 : memref<1x128xi32, #tpu.memory_space<vmem>> -> memref<128xi32, #tpu.memory_space<vmem>>
    %dma_wait3A_63 = arith.constant 0 : i32
    %dma_wait3A_64 = arith.constant 0 : i32
    %dma_wait3A_65 = tpu.memref_slice %arg2[%dma_wait3A_63, %dma_wait3A_64] : memref<10000x128xf32, #tpu.memory_space<hbm>> -> memref<10000x128xf32, #tpu.memory_space<hbm>>
    tpu.wait_indirect_dma semaphore(%arg12 : memref<!tpu.dma_semaphore, #tpu.memory_space<semaphore_mem>>) src(%dma_wait3A_65 : memref<10000x128xf32, #tpu.memory_space<hbm>>) dst(%arg9 : memref<128x128xf32, #tpu.memory_space<vmem>>)
    %run_scoped3A_66 = arith.constant 38 : i32
    "tpu.region"() ({
      %run_scoped3A_80 = tpu.sem_alloc : memref<!tpu.dma_semaphore, #tpu.memory_space<semaphore_mem>>
      %dma_start3A_81 = arith.constant 0 : i32
      %dma_start3A_82 = tpu.memref_slice %arg8[%run_scoped3A_66, %dma_start3A_81] : memref<40x128xi32, #tpu.memory_space<vmem>> -> memref<1x128xi32, #tpu.memory_space<vmem>>
      %dma_start3A_83 = tpu.memref_squeeze %dma_start3A_82 : memref<1x128xi32, #tpu.memory_space<vmem>> -> memref<128xi32, #tpu.memory_space<vmem>>
      %dma_start3A_84 = arith.constant 0 : i32
      %dma_start3A_85 = arith.constant 0 : i32
      %dma_start3A_86 = tpu.memref_slice %arg11[%dma_start3A_84, %dma_start3A_85] : memref<10112x128xf32, #tpu.memory_space<vmem_shared>> -> memref<10112x128xf32, #tpu.memory_space<vmem_shared>>
      tpu.enqueue_indirect_dma source(%arg9 : memref<128x128xf32, #tpu.memory_space<vmem>>) target(%dma_start3A_86 : memref<10112x128xf32, #tpu.memory_space<vmem_shared>>) offsets(%dma_start3A_83 : memref<128xi32, #tpu.memory_space<vmem>>) semaphore(%run_scoped3A_80 : memref<!tpu.dma_semaphore, #tpu.memory_space<semaphore_mem>>) {add = true}
      %dma_wait3A_87 = arith.constant 0 : i32
      %dma_wait3A_88 = tpu.memref_slice %arg8[%run_scoped3A_66, %dma_wait3A_87] : memref<40x128xi32, #tpu.memory_space<vmem>> -> memref<1x128xi32, #tpu.memory_space<vmem>>
      %dma_wait3A_89 = tpu.memref_squeeze %dma_wait3A_88 : memref<1x128xi32, #tpu.memory_space<vmem>> -> memref<128xi32, #tpu.memory_space<vmem>>
      %dma_wait3A_90 = arith.constant 0 : i32
      %dma_wait3A_91 = arith.constant 0 : i32
      %dma_wait3A_92 = tpu.memref_slice %arg11[%dma_wait3A_90, %dma_wait3A_91] : memref<10112x128xf32, #tpu.memory_space<vmem_shared>> -> memref<10112x128xf32, #tpu.memory_space<vmem_shared>>
      tpu.wait_indirect_dma semaphore(%run_scoped3A_80 : memref<!tpu.dma_semaphore, #tpu.memory_space<semaphore_mem>>) src(%arg9 : memref<128x128xf32, #tpu.memory_space<vmem>>) dst(%dma_wait3A_92 : memref<10112x128xf32, #tpu.memory_space<vmem_shared>>)
      tpu.yield
    }) : () -> ()
    %dma_wait3A_67 = arith.constant 0 : i32
    %dma_wait3A_68 = arith.constant 0 : i32
    %dma_wait3A_69 = tpu.memref_slice %arg7[%dma_wait3A_67, %dma_wait3A_68] : memref<40x128xi32, #tpu.memory_space<vmem>> -> memref<1x128xi32, #tpu.memory_space<vmem>>
    %dma_wait3A_70 = tpu.memref_squeeze %dma_wait3A_69 : memref<1x128xi32, #tpu.memory_space<vmem>> -> memref<128xi32, #tpu.memory_space<vmem>>
    %dma_wait3A_71 = arith.constant 0 : i32
    %dma_wait3A_72 = arith.constant 0 : i32
    %dma_wait3A_73 = tpu.memref_slice %arg2[%dma_wait3A_71, %dma_wait3A_72] : memref<10000x128xf32, #tpu.memory_space<hbm>> -> memref<10000x128xf32, #tpu.memory_space<hbm>>
    tpu.wait_indirect_dma semaphore(%arg13 : memref<!tpu.dma_semaphore, #tpu.memory_space<semaphore_mem>>) src(%dma_wait3A_73 : memref<10000x128xf32, #tpu.memory_space<hbm>>) dst(%arg10 : memref<128x128xf32, #tpu.memory_space<vmem>>)
    %run_scoped3A_74 = arith.constant 39 : i32
    "tpu.region"() ({
      %run_scoped3A_80 = tpu.sem_alloc : memref<!tpu.dma_semaphore, #tpu.memory_space<semaphore_mem>>
      %dma_start3A_81 = arith.constant 0 : i32
      %dma_start3A_82 = tpu.memref_slice %arg8[%run_scoped3A_74, %dma_start3A_81] : memref<40x128xi32, #tpu.memory_space<vmem>> -> memref<1x128xi32, #tpu.memory_space<vmem>>
      %dma_start3A_83 = tpu.memref_squeeze %dma_start3A_82 : memref<1x128xi32, #tpu.memory_space<vmem>> -> memref<128xi32, #tpu.memory_space<vmem>>
      %dma_start3A_84 = arith.constant 0 : i32
      %dma_start3A_85 = arith.constant 0 : i32
      %dma_start3A_86 = tpu.memref_slice %arg11[%dma_start3A_84, %dma_start3A_85] : memref<10112x128xf32, #tpu.memory_space<vmem_shared>> -> memref<10112x128xf32, #tpu.memory_space<vmem_shared>>
      tpu.enqueue_indirect_dma source(%arg10 : memref<128x128xf32, #tpu.memory_space<vmem>>) target(%dma_start3A_86 : memref<10112x128xf32, #tpu.memory_space<vmem_shared>>) offsets(%dma_start3A_83 : memref<128xi32, #tpu.memory_space<vmem>>) semaphore(%run_scoped3A_80 : memref<!tpu.dma_semaphore, #tpu.memory_space<semaphore_mem>>) {add = true}
      %dma_wait3A_87 = arith.constant 0 : i32
      %dma_wait3A_88 = tpu.memref_slice %arg8[%run_scoped3A_74, %dma_wait3A_87] : memref<40x128xi32, #tpu.memory_space<vmem>> -> memref<1x128xi32, #tpu.memory_space<vmem>>
      %dma_wait3A_89 = tpu.memref_squeeze %dma_wait3A_88 : memref<1x128xi32, #tpu.memory_space<vmem>> -> memref<128xi32, #tpu.memory_space<vmem>>
      %dma_wait3A_90 = arith.constant 0 : i32
      %dma_wait3A_91 = arith.constant 0 : i32
      %dma_wait3A_92 = tpu.memref_slice %arg11[%dma_wait3A_90, %dma_wait3A_91] : memref<10112x128xf32, #tpu.memory_space<vmem_shared>> -> memref<10112x128xf32, #tpu.memory_space<vmem_shared>>
      tpu.wait_indirect_dma semaphore(%run_scoped3A_80 : memref<!tpu.dma_semaphore, #tpu.memory_space<semaphore_mem>>) src(%arg10 : memref<128x128xf32, #tpu.memory_space<vmem>>) dst(%dma_wait3A_92 : memref<10112x128xf32, #tpu.memory_space<vmem_shared>>)
      tpu.yield
    }) : () -> ()
    %barrier3A_75 = arith.constant 0 : index
    tpu.barrier barrier_id(%barrier3A_75)
    %mul3A_76 = arith.constant 632 : i32
    %mul3A_77 = arith.muli %arg1, %mul3A_76 : i32
    %mul3A_78 = arith.constant 632 : i32
    %mul3A_79 = arith.muli %arg1, %mul3A_78 : i32
    "tpu.region"() ({
      %run_scoped3A_80 = tpu.sem_alloc : memref<!tpu.dma_semaphore, #tpu.memory_space<semaphore_mem>>
      %dma_start3A_81 = arith.constant 0 : i32
      %dma_start3A_82 = tpu.memref_slice %arg6[%arg0, %mul3A_79, %dma_start3A_81] : memref<2x10112x128xf32, #tpu.memory_space<hbm>> -> memref<1x632x128xf32, #tpu.memory_space<hbm>>
      %dma_start3A_83 = tpu.memref_squeeze %dma_start3A_82 : memref<1x632x128xf32, #tpu.memory_space<hbm>> -> memref<632x128xf32, #tpu.memory_space<hbm>>
      %dma_start3A_84 = arith.constant 0 : i32
      %dma_start3A_85 = tpu.memref_slice %arg11[%mul3A_77, %dma_start3A_84] : memref<10112x128xf32, #tpu.memory_space<vmem_shared>> -> memref<632x128xf32, #tpu.memory_space<vmem_shared>>
      tpu.enqueue_dma source(%dma_start3A_85 : memref<632x128xf32, #tpu.memory_space<vmem_shared>>) target(%dma_start3A_83 : memref<632x128xf32, #tpu.memory_space<hbm>>) target_semaphore(%run_scoped3A_80 : memref<!tpu.dma_semaphore, #tpu.memory_space<semaphore_mem>>)
      %dma_wait3A_86 = arith.constant 0 : i32
      %dma_wait3A_87 = tpu.memref_slice %arg6[%arg0, %mul3A_79, %dma_wait3A_86] : memref<2x10112x128xf32, #tpu.memory_space<hbm>> -> memref<1x632x128xf32, #tpu.memory_space<hbm>>
      %dma_wait3A_88 = tpu.memref_squeeze %dma_wait3A_87 : memref<1x632x128xf32, #tpu.memory_space<hbm>> -> memref<632x128xf32, #tpu.memory_space<hbm>>
      %dma_wait3A_89 = arith.constant 0 : i32
      %dma_wait3A_90 = tpu.memref_slice %arg11[%mul3A_77, %dma_wait3A_89] : memref<10112x128xf32, #tpu.memory_space<vmem_shared>> -> memref<632x128xf32, #tpu.memory_space<vmem_shared>>
      tpu.wait_dma2 semaphore(%run_scoped3A_80 : memref<!tpu.dma_semaphore, #tpu.memory_space<semaphore_mem>>) src(%dma_wait3A_90 : memref<632x128xf32, #tpu.memory_space<vmem_shared>>) dst(%dma_wait3A_88 : memref<632x128xf32, #tpu.memory_space<hbm>>)
      tpu.yield
    }) : () -> ()
    return
  }
}

module attributes {stable_mosaic.version = 14 : i64} {
  func.func @body(%arg0: i32, %arg1: memref<2000x120xf32, #tpu.memory_space<vmem>>, %arg2: memref<2000x1xi32, #tpu.memory_space<vmem>>, %arg3: memref<64x8xf32, #tpu.memory_space<vmem>>, %arg4: memref<120x128xf32, #tpu.memory_space<vmem>>, %arg5: memref<8x128xf32, #tpu.memory_space<vmem>>, %arg6: memref<2000x128xf32, #tpu.memory_space<vmem>>) attributes {dimension_semantics = [#tpu.dimension_semantics<arbitrary>], iteration_bounds = array<i64: 5>, scalar_prefetch = 0 : i64, scratch_operands = 0 : i64, tpu.core_type = #tpu.core_type<tc>, window_params = [{transform_indices = @transform_0, window_bounds = array<i64: 2000, 120>}, {transform_indices = @transform_1, window_bounds = array<i64: 2000, 1>}, {pipeline_mode = #tpu.pipeline_mode<synchronous>, transform_indices = @transform_2, window_bounds = array<i64: 64, 8>}, {pipeline_mode = #tpu.pipeline_mode<synchronous>, transform_indices = @transform_3, window_bounds = array<i64: 120, 128>}, {pipeline_mode = #tpu.pipeline_mode<synchronous>, transform_indices = @transform_4, window_bounds = array<i64: 8, 128>}, {transform_indices = @transform_5, window_bounds = array<i64: 2000, 128>}]} {
    %get3A = arith.constant 0 : index
    %get3A_0 = arith.constant 0 : index
    %get3A_1 = vector.load %arg3[%get3A, %get3A_0] : memref<64x8xf32, #tpu.memory_space<vmem>>, vector<64x8xf32>
    %get3A_2 = arith.constant 0 : index
    %get3A_3 = arith.constant 0 : index
    %get3A_4 = vector.load %arg5[%get3A_2, %get3A_3] : memref<8x128xf32, #tpu.memory_space<vmem>>, vector<8x128xf32>
    %dot_general3A = arith.constant dense<0.000000e+00> : vector<64x128xf32>
    %dot_general3A_5 = tpu.matmul %get3A_1, %get3A_4, %dot_general3A {dimension_numbers = #tpu.dot_dimension_numbers<[1], [0], [0], [1], [0, 0, 1, 1], [], []>, transpose_lhs_hint = false} : vector<64x8xf32>, vector<8x128xf32>, vector<64x128xf32> -> vector<64x128xf32>
    %iota3A = tpu.iota {dimensions = array<i32: 1>} : vector<2000x64xi32>
    %get3A_6 = arith.constant 0 : index
    %get3A_7 = arith.constant 0 : index
    %get3A_8 = vector.load %arg2[%get3A_6, %get3A_7] : memref<2000x1xi32, #tpu.memory_space<vmem>>, vector<2000x1xi32>
    %eq3A = vector.broadcast %get3A_8 : vector<2000x1xi32> to vector<2000x64xi32>
    %eq3A_9 = arith.cmpi eq, %eq3A, %iota3A : vector<2000x64xi32>
    %convert_element_type3A = arith.extui %eq3A_9 : vector<2000x64xi1> to vector<2000x64xi32>
    %convert_element_type3A_10 = arith.sitofp %convert_element_type3A : vector<2000x64xi32> to vector<2000x64xf32>
    %get3A_11 = arith.constant 0 : index
    %get3A_12 = arith.constant 0 : index
    %get3A_13 = vector.load %arg1[%get3A_11, %get3A_12] : memref<2000x120xf32, #tpu.memory_space<vmem>>, vector<2000x120xf32>
    %get3A_14 = arith.constant 0 : index
    %get3A_15 = arith.constant 0 : index
    %get3A_16 = vector.load %arg4[%get3A_14, %get3A_15] : memref<120x128xf32, #tpu.memory_space<vmem>>, vector<120x128xf32>
    %dot_general3A_17 = arith.constant dense<0.000000e+00> : vector<2000x128xf32>
    %dot_general3A_18 = tpu.matmul %get3A_13, %get3A_16, %dot_general3A_17 {dimension_numbers = #tpu.dot_dimension_numbers<[1], [0], [0], [1], [0, 0, 1, 1], [], []>, transpose_lhs_hint = false} : vector<2000x120xf32>, vector<120x128xf32>, vector<2000x128xf32> -> vector<2000x128xf32>
    %dot_general3A_19 = arith.constant dense<0.000000e+00> : vector<2000x128xf32>
    %dot_general3A_20 = tpu.matmul %convert_element_type3A_10, %dot_general3A_5, %dot_general3A_19 {dimension_numbers = #tpu.dot_dimension_numbers<[1], [0], [0], [1], [0, 0, 1, 1], [], []>, transpose_lhs_hint = false} : vector<2000x64xf32>, vector<64x128xf32>, vector<2000x128xf32> -> vector<2000x128xf32>
    %add3A = arith.addf %dot_general3A_18, %dot_general3A_20 : vector<2000x128xf32>
    %swap3A = arith.constant 0 : index
    %swap3A_21 = arith.constant 0 : index
    %swap3A_22 = vector.load %arg6[%swap3A, %swap3A_21] : memref<2000x128xf32, #tpu.memory_space<vmem>>, vector<2000x128xf32>
    tpu.vector_store %arg6[%swap3A, %swap3A_21], %add3A {strides = array<i32>} : memref<2000x128xf32, #tpu.memory_space<vmem>>, vector<2000x128xf32>,
    return
  }
  func.func @transform_0(%arg0: i32) -> (i32, i32) {
    %c0_i32 = arith.constant 0 : i32
    %c0_i32_0 = arith.constant 0 : i32
    return %arg0, %c0_i32 : i32, i32
  }
  func.func @transform_1(%arg0: i32) -> (i32, i32) {
    %c0_i32 = arith.constant 0 : i32
    %c0_i32_0 = arith.constant 0 : i32
    return %arg0, %c0_i32 : i32, i32
  }
  func.func @transform_2(%arg0: i32) -> (i32, i32) {
    %c0_i32 = arith.constant 0 : i32
    %c0_i32_0 = arith.constant 0 : i32
    %c0_i32_1 = arith.constant 0 : i32
    return %c0_i32, %c0_i32_0 : i32, i32
  }
  func.func @transform_3(%arg0: i32) -> (i32, i32) {
    %c0_i32 = arith.constant 0 : i32
    %c0_i32_0 = arith.constant 0 : i32
    %c0_i32_1 = arith.constant 0 : i32
    return %c0_i32, %c0_i32_0 : i32, i32
  }
  func.func @transform_4(%arg0: i32) -> (i32, i32) {
    %c0_i32 = arith.constant 0 : i32
    %c0_i32_0 = arith.constant 0 : i32
    %c0_i32_1 = arith.constant 0 : i32
    return %c0_i32, %c0_i32_0 : i32, i32
  }
  func.func @transform_5(%arg0: i32) -> (i32, i32) {
    %c0_i32 = arith.constant 0 : i32
    %c0_i32_0 = arith.constant 0 : i32
    return %arg0, %c0_i32 : i32, i32
  }
}

module attributes {stable_mosaic.version = 14 : i64} {
  func.func @body(%arg0: i32, %arg1: memref<2000x128xf32, #tpu.memory_space<vmem>>, %arg2: memref<2000x128xf32, #tpu.memory_space<vmem>>, %arg3: memref<2000x128xf32, #tpu.memory_space<vmem>>, %arg4: memref<2000x128xf32, #tpu.memory_space<vmem>>) attributes {dimension_semantics = [#tpu.dimension_semantics<arbitrary>], iteration_bounds = array<i64: 5>, scalar_prefetch = 0 : i64, scratch_operands = 0 : i64, tpu.core_type = #tpu.core_type<tc>, window_params = [{transform_indices = @transform_0, window_bounds = array<i64: 2000, 128>}, {transform_indices = @transform_1, window_bounds = array<i64: 2000, 128>}, {transform_indices = @transform_2, window_bounds = array<i64: 2000, 128>}, {transform_indices = @transform_3, window_bounds = array<i64: 2000, 128>}]} {
    %get3A = arith.constant 0 : index
    %get3A_0 = arith.constant 0 : index
    %get3A_1 = vector.load %arg1[%get3A, %get3A_0] : memref<2000x128xf32, #tpu.memory_space<vmem>>, vector<2000x128xf32>
    %get3A_2 = arith.constant 0 : index
    %get3A_3 = arith.constant 0 : index
    %get3A_4 = vector.load %arg2[%get3A_2, %get3A_3] : memref<2000x128xf32, #tpu.memory_space<vmem>>, vector<2000x128xf32>
    %slice3A = vector.extract_strided_slice %get3A_4 {offsets = [0, 0], sizes = [2000, 1], strides = [1, 1]} : vector<2000x128xf32> to vector<2000x1xf32>
    %add3A = arith.constant 1.000000e+00 : f32
    %add3A_5 = vector.broadcast %add3A : f32 to vector<2000x1xf32>
    %add3A_6 = arith.addf %add3A_5, %slice3A : vector<2000x1xf32>
    %get3A_7 = arith.constant 0 : index
    %get3A_8 = arith.constant 0 : index
    %get3A_9 = vector.load %arg3[%get3A_7, %get3A_8] : memref<2000x128xf32, #tpu.memory_space<vmem>>, vector<2000x128xf32>
    %slice3A_10 = vector.extract_strided_slice %get3A_9 {offsets = [0, 0], sizes = [2000, 1], strides = [1, 1]} : vector<2000x128xf32> to vector<2000x1xf32>
    %add3A_11 = arith.addf %add3A_6, %slice3A_10 : vector<2000x1xf32>
    %rsqrt3A = math.rsqrt %add3A_11 : vector<2000x1xf32>
    %mul3A = vector.broadcast %rsqrt3A : vector<2000x1xf32> to vector<2000x128xf32>
    %mul3A_12 = arith.mulf %get3A_1, %mul3A : vector<2000x128xf32>
    %swap3A = arith.constant 0 : index
    %swap3A_13 = arith.constant 0 : index
    %swap3A_14 = vector.load %arg4[%swap3A, %swap3A_13] : memref<2000x128xf32, #tpu.memory_space<vmem>>, vector<2000x128xf32>
    tpu.vector_store %arg4[%swap3A, %swap3A_13], %mul3A_12 {strides = array<i32>} : memref<2000x128xf32, #tpu.memory_space<vmem>>, vector<2000x128xf32>,
    return
  }
  func.func @transform_0(%arg0: i32) -> (i32, i32) {
    %c0_i32 = arith.constant 0 : i32
    %c0_i32_0 = arith.constant 0 : i32
    return %arg0, %c0_i32 : i32, i32
  }
  func.func @transform_1(%arg0: i32) -> (i32, i32) {
    %c0_i32 = arith.constant 0 : i32
    %c0_i32_0 = arith.constant 0 : i32
    return %arg0, %c0_i32 : i32, i32
  }
  func.func @transform_2(%arg0: i32) -> (i32, i32) {
    %c0_i32 = arith.constant 0 : i32
    %c0_i32_0 = arith.constant 0 : i32
    return %arg0, %c0_i32 : i32, i32
  }
  func.func @transform_3(%arg0: i32) -> (i32, i32) {
    %c0_i32 = arith.constant 0 : i32
    %c0_i32_0 = arith.constant 0 : i32
    return %arg0, %c0_i32 : i32, i32
  }
}

module attributes {stable_mosaic.version = 14 : i64} {
  func.func @body(%arg0: i32, %arg1: memref<2000x128xf32, #tpu.memory_space<vmem>>, %arg2: memref<2000x128xf32, #tpu.memory_space<vmem>>, %arg3: memref<2000x128xf32, #tpu.memory_space<vmem>>, %arg4: memref<128x128xf32, #tpu.memory_space<vmem>>, %arg5: memref<1x128xf32, #tpu.memory_space<vmem>>, %arg6: memref<2000x128xf32, #tpu.memory_space<vmem>>, %arg7: memref<2000x128xf32, #tpu.memory_space<vmem>>, %arg8: memref<2000x128xf32, #tpu.memory_space<vmem>>) attributes {dimension_semantics = [#tpu.dimension_semantics<arbitrary>], iteration_bounds = array<i64: 5>, scalar_prefetch = 0 : i64, scratch_operands = 0 : i64, tpu.core_type = #tpu.core_type<tc>, window_params = [{transform_indices = @transform_0, window_bounds = array<i64: 2000, 128>}, {transform_indices = @transform_1, window_bounds = array<i64: 2000, 128>}, {transform_indices = @transform_2, window_bounds = array<i64: 2000, 128>}, {pipeline_mode = #tpu.pipeline_mode<synchronous>, transform_indices = @transform_3, window_bounds = array<i64: 128, 128>}, {pipeline_mode = #tpu.pipeline_mode<synchronous>, transform_indices = @transform_4, window_bounds = array<i64: 1, 128>}, {transform_indices = @transform_5, window_bounds = array<i64: 2000, 128>}, {transform_indices = @transform_6, window_bounds = array<i64: 2000, 128>}, {transform_indices = @transform_7, window_bounds = array<i64: 2000, 128>}]} {
    %get3A = arith.constant 0 : index
    %get3A_0 = arith.constant 0 : index
    %get3A_1 = vector.load %arg6[%get3A, %get3A_0] : memref<2000x128xf32, #tpu.memory_space<vmem>>, vector<2000x128xf32>
    %slice3A = vector.extract_strided_slice %get3A_1 {offsets = [0, 0], sizes = [2000, 1], strides = [1, 1]} : vector<2000x128xf32> to vector<2000x1xf32>
    %add3A = arith.constant 1.000000e+00 : f32
    %add3A_2 = vector.broadcast %add3A : f32 to vector<2000x1xf32>
    %add3A_3 = arith.addf %add3A_2, %slice3A : vector<2000x1xf32>
    %get3A_4 = arith.constant 0 : index
    %get3A_5 = arith.constant 0 : index
    %get3A_6 = vector.load %arg7[%get3A_4, %get3A_5] : memref<2000x128xf32, #tpu.memory_space<vmem>>, vector<2000x128xf32>
    %slice3A_7 = vector.extract_strided_slice %get3A_6 {offsets = [0, 0], sizes = [2000, 1], strides = [1, 1]} : vector<2000x128xf32> to vector<2000x1xf32>
    %add3A_8 = arith.addf %add3A_3, %slice3A_7 : vector<2000x1xf32>
    %rsqrt3A = math.rsqrt %add3A_8 : vector<2000x1xf32>
    %get3A_9 = arith.constant 0 : index
    %get3A_10 = arith.constant 0 : index
    %get3A_11 = vector.load %arg1[%get3A_9, %get3A_10] : memref<2000x128xf32, #tpu.memory_space<vmem>>, vector<2000x128xf32>
    %get3A_12 = arith.constant 0 : index
    %get3A_13 = arith.constant 0 : index
    %get3A_14 = vector.load %arg2[%get3A_12, %get3A_13] : memref<2000x128xf32, #tpu.memory_space<vmem>>, vector<2000x128xf32>
    %add3A_15 = arith.addf %get3A_11, %get3A_14 : vector<2000x128xf32>
    %get3A_16 = arith.constant 0 : index
    %get3A_17 = arith.constant 0 : index
    %get3A_18 = vector.load %arg3[%get3A_16, %get3A_17] : memref<2000x128xf32, #tpu.memory_space<vmem>>, vector<2000x128xf32>
    %add3A_19 = arith.addf %add3A_15, %get3A_18 : vector<2000x128xf32>
    %mul3A = vector.broadcast %rsqrt3A : vector<2000x1xf32> to vector<2000x128xf32>
    %mul3A_20 = arith.mulf %mul3A, %add3A_19 : vector<2000x128xf32>
    %get3A_21 = arith.constant 0 : index
    %get3A_22 = arith.constant 0 : index
    %get3A_23 = vector.load %arg5[%get3A_21, %get3A_22] : memref<1x128xf32, #tpu.memory_space<vmem>>, vector<1x128xf32>
    %add3A_24 = vector.broadcast %get3A_23 : vector<1x128xf32> to vector<2000x128xf32>
    %add3A_25 = arith.addf %mul3A_20, %add3A_24 : vector<2000x128xf32>
    %max3A = arith.constant 0.000000e+00 : f32
    %max3A_26 = vector.broadcast %max3A : f32 to vector<2000x128xf32>
    %max3A_27 = arith.maximumf %add3A_25, %max3A_26 : vector<2000x128xf32>
    %get3A_28 = arith.constant 0 : index
    %get3A_29 = arith.constant 0 : index
    %get3A_30 = vector.load %arg4[%get3A_28, %get3A_29] : memref<128x128xf32, #tpu.memory_space<vmem>>, vector<128x128xf32>
    %dot_general3A = arith.constant dense<0.000000e+00> : vector<2000x128xf32>
    %dot_general3A_31 = tpu.matmul %max3A_27, %get3A_30, %dot_general3A {dimension_numbers = #tpu.dot_dimension_numbers<[1], [0], [0], [1], [0, 0, 1, 1], [], []>, transpose_lhs_hint = false} : vector<2000x128xf32>, vector<128x128xf32>, vector<2000x128xf32> -> vector<2000x128xf32>
    %mul3A_32 = vector.broadcast %rsqrt3A : vector<2000x1xf32> to vector<2000x128xf32>
    %mul3A_33 = arith.mulf %mul3A_32, %dot_general3A_31 : vector<2000x128xf32>
    %swap3A = arith.constant 0 : index
    %swap3A_34 = arith.constant 0 : index
    %swap3A_35 = vector.load %arg8[%swap3A, %swap3A_34] : memref<2000x128xf32, #tpu.memory_space<vmem>>, vector<2000x128xf32>
    tpu.vector_store %arg8[%swap3A, %swap3A_34], %mul3A_33 {strides = array<i32>} : memref<2000x128xf32, #tpu.memory_space<vmem>>, vector<2000x128xf32>,
    return
  }
  func.func @transform_0(%arg0: i32) -> (i32, i32) {
    %c0_i32 = arith.constant 0 : i32
    %c0_i32_0 = arith.constant 0 : i32
    return %arg0, %c0_i32 : i32, i32
  }
  func.func @transform_1(%arg0: i32) -> (i32, i32) {
    %c0_i32 = arith.constant 0 : i32
    %c0_i32_0 = arith.constant 0 : i32
    return %arg0, %c0_i32 : i32, i32
  }
  func.func @transform_2(%arg0: i32) -> (i32, i32) {
    %c0_i32 = arith.constant 0 : i32
    %c0_i32_0 = arith.constant 0 : i32
    return %arg0, %c0_i32 : i32, i32
  }
  func.func @transform_3(%arg0: i32) -> (i32, i32) {
    %c0_i32 = arith.constant 0 : i32
    %c0_i32_0 = arith.constant 0 : i32
    %c0_i32_1 = arith.constant 0 : i32
    return %c0_i32, %c0_i32_0 : i32, i32
  }
  func.func @transform_4(%arg0: i32) -> (i32, i32) {
    %c0_i32 = arith.constant 0 : i32
    %c0_i32_0 = arith.constant 0 : i32
    %c0_i32_1 = arith.constant 0 : i32
    return %c0_i32, %c0_i32_0 : i32, i32
  }
  func.func @transform_5(%arg0: i32) -> (i32, i32) {
    %c0_i32 = arith.constant 0 : i32
    %c0_i32_0 = arith.constant 0 : i32
    return %arg0, %c0_i32 : i32, i32
  }
  func.func @transform_6(%arg0: i32) -> (i32, i32) {
    %c0_i32 = arith.constant 0 : i32
    %c0_i32_0 = arith.constant 0 : i32
    return %arg0, %c0_i32 : i32, i32
  }
  func.func @transform_7(%arg0: i32) -> (i32, i32) {
    %c0_i32 = arith.constant 0 : i32
    %c0_i32_0 = arith.constant 0 : i32
    return %arg0, %c0_i32 : i32, i32
  }
}

module attributes {stable_mosaic.version = 14 : i64} {
  func.func @body(%arg0: i32, %arg1: memref<2000x128xf32, #tpu.memory_space<vmem>>, %arg2: memref<2000x128xf32, #tpu.memory_space<vmem>>, %arg3: memref<2000x128xf32, #tpu.memory_space<vmem>>, %arg4: memref<1x128xf32, #tpu.memory_space<vmem>>, %arg5: memref<2000x128xf32, #tpu.memory_space<vmem>>, %arg6: memref<2000x128xf32, #tpu.memory_space<vmem>>, %arg7: memref<2000x128xf32, #tpu.memory_space<vmem>>) attributes {dimension_semantics = [#tpu.dimension_semantics<arbitrary>], iteration_bounds = array<i64: 5>, scalar_prefetch = 0 : i64, scratch_operands = 0 : i64, tpu.core_type = #tpu.core_type<tc>, window_params = [{transform_indices = @transform_0, window_bounds = array<i64: 2000, 128>}, {transform_indices = @transform_1, window_bounds = array<i64: 2000, 128>}, {transform_indices = @transform_2, window_bounds = array<i64: 2000, 128>}, {pipeline_mode = #tpu.pipeline_mode<synchronous>, transform_indices = @transform_3, window_bounds = array<i64: 1, 128>}, {transform_indices = @transform_4, window_bounds = array<i64: 2000, 128>}, {transform_indices = @transform_5, window_bounds = array<i64: 2000, 128>}, {transform_indices = @transform_6, window_bounds = array<i64: 2000, 128>}]} {
    %get3A = arith.constant 0 : index
    %get3A_0 = arith.constant 0 : index
    %get3A_1 = vector.load %arg5[%get3A, %get3A_0] : memref<2000x128xf32, #tpu.memory_space<vmem>>, vector<2000x128xf32>
    %slice3A = vector.extract_strided_slice %get3A_1 {offsets = [0, 0], sizes = [2000, 1], strides = [1, 1]} : vector<2000x128xf32> to vector<2000x1xf32>
    %add3A = arith.constant 1.000000e+00 : f32
    %add3A_2 = vector.broadcast %add3A : f32 to vector<2000x1xf32>
    %add3A_3 = arith.addf %add3A_2, %slice3A : vector<2000x1xf32>
    %get3A_4 = arith.constant 0 : index
    %get3A_5 = arith.constant 0 : index
    %get3A_6 = vector.load %arg6[%get3A_4, %get3A_5] : memref<2000x128xf32, #tpu.memory_space<vmem>>, vector<2000x128xf32>
    %slice3A_7 = vector.extract_strided_slice %get3A_6 {offsets = [0, 0], sizes = [2000, 1], strides = [1, 1]} : vector<2000x128xf32> to vector<2000x1xf32>
    %add3A_8 = arith.addf %add3A_3, %slice3A_7 : vector<2000x1xf32>
    %rsqrt3A = math.rsqrt %add3A_8 : vector<2000x1xf32>
    %get3A_9 = arith.constant 0 : index
    %get3A_10 = arith.constant 0 : index
    %get3A_11 = vector.load %arg1[%get3A_9, %get3A_10] : memref<2000x128xf32, #tpu.memory_space<vmem>>, vector<2000x128xf32>
    %get3A_12 = arith.constant 0 : index
    %get3A_13 = arith.constant 0 : index
    %get3A_14 = vector.load %arg2[%get3A_12, %get3A_13] : memref<2000x128xf32, #tpu.memory_space<vmem>>, vector<2000x128xf32>
    %add3A_15 = arith.addf %get3A_11, %get3A_14 : vector<2000x128xf32>
    %get3A_16 = arith.constant 0 : index
    %get3A_17 = arith.constant 0 : index
    %get3A_18 = vector.load %arg3[%get3A_16, %get3A_17] : memref<2000x128xf32, #tpu.memory_space<vmem>>, vector<2000x128xf32>
    %add3A_19 = arith.addf %add3A_15, %get3A_18 : vector<2000x128xf32>
    %mul3A = vector.broadcast %rsqrt3A : vector<2000x1xf32> to vector<2000x128xf32>
    %mul3A_20 = arith.mulf %mul3A, %add3A_19 : vector<2000x128xf32>
    %get3A_21 = arith.constant 0 : index
    %get3A_22 = arith.constant 0 : index
    %get3A_23 = vector.load %arg4[%get3A_21, %get3A_22] : memref<1x128xf32, #tpu.memory_space<vmem>>, vector<1x128xf32>
    %add3A_24 = vector.broadcast %get3A_23 : vector<1x128xf32> to vector<2000x128xf32>
    %add3A_25 = arith.addf %mul3A_20, %add3A_24 : vector<2000x128xf32>
    %swap3A = arith.constant 0 : index
    %swap3A_26 = arith.constant 0 : index
    %swap3A_27 = vector.load %arg7[%swap3A, %swap3A_26] : memref<2000x128xf32, #tpu.memory_space<vmem>>, vector<2000x128xf32>
    tpu.vector_store %arg7[%swap3A, %swap3A_26], %add3A_25 {strides = array<i32>} : memref<2000x128xf32, #tpu.memory_space<vmem>>, vector<2000x128xf32>,
    return
  }
  func.func @transform_0(%arg0: i32) -> (i32, i32) {
    %c0_i32 = arith.constant 0 : i32
    %c0_i32_0 = arith.constant 0 : i32
    return %arg0, %c0_i32 : i32, i32
  }
  func.func @transform_1(%arg0: i32) -> (i32, i32) {
    %c0_i32 = arith.constant 0 : i32
    %c0_i32_0 = arith.constant 0 : i32
    return %arg0, %c0_i32 : i32, i32
  }
  func.func @transform_2(%arg0: i32) -> (i32, i32) {
    %c0_i32 = arith.constant 0 : i32
    %c0_i32_0 = arith.constant 0 : i32
    return %arg0, %c0_i32 : i32, i32
  }
  func.func @transform_3(%arg0: i32) -> (i32, i32) {
    %c0_i32 = arith.constant 0 : i32
    %c0_i32_0 = arith.constant 0 : i32
    %c0_i32_1 = arith.constant 0 : i32
    return %c0_i32, %c0_i32_0 : i32, i32
  }
  func.func @transform_4(%arg0: i32) -> (i32, i32) {
    %c0_i32 = arith.constant 0 : i32
    %c0_i32_0 = arith.constant 0 : i32
    return %arg0, %c0_i32 : i32, i32
  }
  func.func @transform_5(%arg0: i32) -> (i32, i32) {
    %c0_i32 = arith.constant 0 : i32
    %c0_i32_0 = arith.constant 0 : i32
    return %arg0, %c0_i32 : i32, i32
  }
  func.func @transform_6(%arg0: i32) -> (i32, i32) {
    %c0_i32 = arith.constant 0 : i32
    %c0_i32_0 = arith.constant 0 : i32
    return %arg0, %c0_i32 : i32, i32
  }
}

</mosaic_0001>

<sc_bundles>
// kernel: kernel.11.cloned.1.call-start
scs
__scs_entry_jumppad:
0x0: {  	(pc) =	sbr.rel $0x88, $3  }
0x1: {  	(tag) =	ssettag $0x0;
	lr =	simm.s32 $0x1  }
0x2: {  	[smem:$0x3F97] =	sst lr;
	_ =	strace $0xD0000000  }
0x3: {  	_ = 	snop  }
0x4: {  	_ = 	snop  }
0x5: {  	_ = 	snop  }
0x6: {  	_ = 	snop  }
0x7: {  	_ = 	snop  }
__scs_overlays_trampoline_lowered:
0x8: {  	[smem:$0x3FA6] =	sst s0  }
0x9: {  	[smem:$0x3FA7] =	sst s1  }
0xa: {  	[smem:$0x3FA8] =	sst s2  }
0xb: {  	[smem:$0x3FA9] =	sst s3  }
0xc: {  	[smem:$0x3FAA] =	sst s4  }
0xd: {  	[smem:$0x3FAB] =	sst s5  }
0xe: {  	[smem:$0x3FAC] =	sst s6  }
0xf: {  	[smem:$0x3FAD] =	sst s7  }
0x10: {  	[smem:$0x3FAE] =	sst s8  }
0x11: {  	[smem:$0x3FAF] =	sst s9;
	s0 =	simm.s32 @!p0 $0x0  }
0x12: {  	s1 =	sld [smem:$0x3F95];
	s0 =	simm.s32 @p0 $0x1  }
0x13: {  	[smem:$0x3FB0] =	sst s0;
	s0 =	simm.s32 @!p1 $0x0  }
0x14: {  	s2 =	sld [smem:$0x3F94];
	s0 =	simm.s32 @p1 $0x1  }
0x15: {  	[smem:$0x3FB1] =	sst s0;
	s0 =	simm.s32 @!p2 $0x0  }
0x16: {  	s3 =	sld [smem:$0x3FDB];
	s0 =	simm.s32 @p2 $0x1  }
0x17: {  	s4 =	simm.s32 $0x1BF5;
	[smem:$0x3FB3] =	sst s0  }
0x18: {  	s0 =	sld [smem:$0x3F96];
	_ =	swait.ge [sflag:s4], $0x0  }
0x19: {  	s7 =	sld [smem:$0x3F97]  }
0x1a: {  	s8 =	sadd.s32 $0xFFFFE003, lr  }
0x1b: {  	s9 =	sadd.s32 $0xFFFFFEF7, lr;
	s5 =	simm.s32 $0xFFFFFFFF;
	p2 =	slt.u32 s8, $0xFFFFF086  }
0x1c: {  	p1 =	slt.u32 s9, $0xF7A;
	s5 =	simm.s32 @!p2 $0x0  }
0x1d: {  	s5 =	simm.s32 @p1 $0x1;
	p0 =	seq.s32 s7, s2  }
0x1e: {  	s7 =	smul.u32 @!p0 $0xF7A, s2;
	p2 =	seq.s32 @!p0 s5, $0x0  }
0x1f: {  	s9 =	smul.u32 $0xF7A, s1;
	s8 =	simm.s32 @!p0 $0x1BF5;
	p2 =	por !p2, p0  }
0x20: {  	[sflag:s8] =	ssyncset.s32 @!p0 $0xFFFFF086;
	s6 =	sadd.s32 @!p0 s3, s7;
	s7 =	simm.s32 @!p0 $0x108  }
0x21: {  	s3 =	sadd.s32 s3, s9;
	s6 =	sadd.s32 @!p0 $0x88, s6;
	s7 =	simm.s32 @p2 $0x1082  }
0x22: {  	[simem:s7], [sflag:s8] =	dma.local @!p0 [hbm:s6], $0xF7A  }
0x23: {  	s9 =	sor.u32 $0xD0000000, s2;
	s6 =	simm.s32 $0x108;
	_ =	swait.ge @!p0 [sflag:s8], $0x0  }
0x24: {  	s3 =	sadd.s32 $0x88, s3;
	s6 =	simm.s32 @!p1 $0x1082;
	[sflag:s4] =	ssyncset.s32 $0xFFFFF086  }
0x25: {  	[simem:s6], [sflag:s4] =	dma.local [hbm:s3], $0xF7A  }
0x26: {  	[smem:$0x3F97] =	sst s1;
	(tag) =	ssettag s2;
	_ =	strace s9  }
0x27: {  	s1 =	sld [smem:$0x3FA7]  }
0x28: {  	s2 =	sld [smem:$0x3FA8]  }
0x29: {  	s4 =	sld [smem:$0x3FAA]  }
0x2a: {  	p0 =	seq.s32 s5, $0x0;
	s5 =	sld [smem:$0x3FAB]  }
0x2b: {  	s6 =	sld [smem:$0x3FAC]  }
0x2c: {  	s7 =	sld [smem:$0x3FAD]  }
0x2d: {  	s3 =	simm.s32 $0x108;
	s8 =	sld [smem:$0x3FAE]  }
0x2e: {  	s3 =	simm.s32 @!p0 $0x1082;
	s9 =	sld [smem:$0x3FAF]  }
0x2f: {  	lr =	sadd.s32 s0, s3;
	s0 =	sld [smem:$0x3FA6]  }
0x30: {  	s3 =	sld [smem:$0x3FA9]  }
0x31: {  	[smem:$0x3FB2] =	sst s10  }
0x32: {  	s10 =	sld [smem:$0x3FB0];
	_ =	sdelay $0x3  }
0x33: {  	p0 =	seq.s32 s10, $0x1;
	s10 =	sld [smem:$0x3FB2];
	_ =	sdelay $0x3  }
0x34: {  	[smem:$0x3FB2] =	sst s10  }
0x35: {  	s10 =	sld [smem:$0x3FB1];
	_ =	sdelay $0x3  }
0x36: {  	p1 =	seq.s32 s10, $0x1;
	s10 =	sld [smem:$0x3FB2];
	_ =	sdelay $0x3  }
0x37: {  	[smem:$0x3FB2] =	sst s10  }
0x38: {  	s10 =	sld [smem:$0x3FB3]  }
0x39: {  	_ = 	snop;
	(pc) =	sbr.ind lr, $3  }
0x3a: {  	_ = 	snop  }
0x3b: {  	_ = 	snop  }
0x3c: {  	p2 =	seq.s32 s10, $0x1;
	s10 =	sld [smem:$0x3FB2]  }
0x3d: {  	_ =	shalt  }
0x3e: {  	_ =	shalt  }
0x3f: {  	_ =	shalt  }
0x40: {  	_ =	shalt  }
0x41: {  	_ =	shalt  }
0x42: {  	_ =	shalt  }
0x43: {  	_ =	shalt  }
0x44: {  	_ =	shalt  }
0x45: {  	_ =	shalt  }
0x46: {  	_ =	shalt  }
0x47: {  	_ =	shalt  }
0x48: {  	_ =	shalt  }
0x49: {  	_ =	shalt  }
0x4a: {  	_ =	shalt  }
0x4b: {  	_ =	shalt  }
0x4c: {  	_ =	shalt  }
0x4d: {  	_ =	shalt  }
0x4e: {  	_ =	shalt  }
0x4f: {  	_ =	shalt  }
0x50: {  	_ =	shalt  }
0x51: {  	_ =	shalt  }
0x52: {  	_ =	shalt  }
0x53: {  	_ =	shalt  }
0x54: {  	_ =	shalt  }
0x55: {  	_ =	shalt  }
0x56: {  	_ =	shalt  }
0x57: {  	_ =	shalt  }
0x58: {  	_ =	shalt  }
0x59: {  	_ =	shalt  }
0x5a: {  	_ =	shalt  }
0x5b: {  	_ =	shalt  }
0x5c: {  	_ =	shalt  }
0x5d: {  	_ =	shalt  }
0x5e: {  	_ =	shalt  }
0x5f: {  	_ =	shalt  }
0x60: {  	_ =	shalt  }
0x61: {  	_ =	shalt  }
0x62: {  	_ =	shalt  }
0x63: {  	_ =	shalt  }
0x64: {  	_ =	shalt  }
0x65: {  	_ =	shalt  }
0x66: {  	_ =	shalt  }
0x67: {  	_ =	shalt  }
0x68: {  	_ =	shalt  }
0x69: {  	_ =	shalt  }
0x6a: {  	_ =	shalt  }
0x6b: {  	_ =	shalt  }
0x6c: {  	_ =	shalt  }
0x6d: {  	_ =	shalt  }
0x6e: {  	_ =	shalt  }
0x6f: {  	_ =	shalt  }
0x70: {  	_ =	shalt  }
0x71: {  	_ =	shalt  }
0x72: {  	_ =	shalt  }
0x73: {  	_ =	shalt  }
0x74: {  	_ =	shalt  }
0x75: {  	_ =	shalt  }
0x76: {  	_ =	shalt  }
0x77: {  	_ =	shalt  }
0x78: {  	_ =	shalt  }
0x79: {  	_ =	shalt  }
0x7a: {  	_ =	shalt  }
0x7b: {  	_ =	shalt  }
0x7c: {  	_ =	shalt  }
0x7d: {  	_ =	shalt  }
0x7e: {  	_ =	shalt  }
0x7f: {  	_ =	shalt  }
0x80: {  	_ =	shalt  }
0x81: {  	_ =	shalt  }
0x82: {  	_ =	shalt  }
0x83: {  	_ =	shalt  }
0x84: {  	_ =	shalt  }
0x85: {  	_ =	shalt  }
0x86: {  	_ =	shalt  }
0x87: {  	_ =	shalt  }
.Lfunc_end0:
.L_simem_size_0:
called_computation_lowered:
.L_overlay_start_0:
0x88: {  	s2 =	sld [smem:$0x3FD9]  }
0x89: {  	s3 =	sld [smem:$0x3FFE];
	_ =	sdelay $0x1  }
0x8a: {  	s1 =	srdreg.scid  }
0x8b: {  	s0 =	sand.u32 $0x1, s1  }
0x8c: {  	s17 =	sshll.u32 s0, $0xA;
	s2 =	sadd.s32 s3, s2  }
0x8d: {  	s2 =	sadd.s32 s2, s17  }
0x8e: {  	[smem:$0x3FBE] =	sst s2  }
0x8f: {  	_ = 	snop  }
0x90: {  	s2 =	sld [smem:$0x3FD0];
	(tm) =	ssettm $0x1  }
0x91: {  	s18 =	sld [smem:$0x3FFB];
	_ =	sdelay $0x3  }
0x92: {  	_ =	strace s18  }
0x93: {  	s3 =	sld [smem:$0x3FFC];
	_ =	sdelay $0x3  }
0x94: {  	_ =	strace s3  }
0x95: {  	s3 =	sld [smem:$0x3FFD];
	_ =	sdelay $0x3  }
0x96: {  	_ =	strace s3  }
0x97: {  	_ =	strace $0x8FFFFFFF  }
0x98: {  	s19 =	sld [smem:$0x3FDB];
	_ =	sdelay $0x1  }
0x99: {  	s4 =	simm.s32 $_scs_section_size  }
0x9a: {  	s5 =	simm.s32 $_size__tile_overlayer_lowered;
	s6 =	simm.s32 $_tile_overlayer_lowered  }
0x9b: {  	s22 =	simm.s32 $0x1BFF;
	s21 =	sshll.u32 s6, $0x1;
	s3 =	sadd.s32 s4, s19  }
0x9c: {  	s7 =	simm.s32 $0x0;
	s20 =	sshll.u32 s5, $0x1;
	s5 =	sadd.s32 s21, s3  }
0x9d: {  	[timem:s7], [sflag:s22] =	dma.local [hbm:s5], s20  }
0x9e: {  	_ =	swait.ge [sflag:s22], s20  }
0x9f: {  	s4 =	ssub.s32 $0x0, s20;
	[sflag:s22] =	ssyncset.done $0x0  }
0xa0: {  	[sflag:s22] =	ssyncadd.s32 s4;
	_ =	sdelay $0x1  }
0xa1: {  	s23 =	simm.s32 $0x1B8B  }
0xa2: {  	_ =	swait.ge [sflag:s23], $0x1  }
0xa3: {  	[sflag:s23] =	ssyncset.done $0x0  }
0xa4: {  	s25 =	simm.s32 $0x1B8E;
	s24 =	sld [smem:$0x3FFE];
	[sflag:s23] =	ssyncadd.s32 $0xFFFFFFFF  }
0xa5: {  	s26 =	simm.s32 $execute0_lowered;
	[smem:$0x3FD2] =	sst s25  }
0xa6: {  	s5 =	sshll.u32 s26, $0x1;
	_ =	strace $0x80000046;
	[dreg:$0x1] =	wrdreg $0xFFFFFFFF  }
0xa7: {  	s28 =	simm.s32 $_size_execute0_lowered;
	s3 =	sadd.s32 s3, s5;
	[dreg:$0x0] =	wrdreg $0x0  }
0xa8: {  	s5 =	sshll.u32 s28, $0x1;
	[dreg:$0x2] =	wrdreg s3  }
0xa9: {  	[dreg:$0x3] =	wrdreg s5  }
0xaa: {  	[dreg:$0x4] =	wrdreg $0xC0  }
0xab: {  	_ =	task [dreg:s7], $0x5FFFF  }
0xac: {  	[dreg:$0x1] =	wrdreg $0xFFFFFFFF  }
0xad: {  	[dreg:$0x0] =	wrdreg $0x60  }
0xae: {  	[dreg:$0x2] =	wrdreg s24  }
0xaf: {  	[dreg:$0x3] =	wrdreg s2  }
0xb0: {  	[dreg:$0x4] =	wrdreg $0x68000  }
0xb1: {  	[dreg:$0x5] =	wrdreg $0x9  }
0xb2: {  	_ =	task.clear_ibuf [dreg:s7], $0x6FFFF;
	_ =	strace $0x90000046  }
0xb3: {  	s29 =	simm.s32 $0x9;
	_ =	strace $0x80000048  }
0xb4: {  	_ =	swait.ge [sflag:s29], $0x1  }
0xb5: {  	[sflag:s29] =	ssyncadd.s32 $0xFFFFFFFF  }
0xb6: {  	_ =	strace $0x90000048  }
0xb7: {  	_ =	sfence  }
0xb8: {  	s30 =	sld [smem:$0x0];
	_ =	sdelay $0x2  }
0xb9: {  	s31 =	sshll.u32 s1, $0xD;
	s1 =	sshrl.u32 s1, $0x2  }
0xba: {  	s3 =	sand.u32 $0x4000, s31;
	s1 =	sadd.s32 s1, s30  }
0xbb: {  	s0 =	sor.u32 s3, s0;
	s1 =	sshll.u32 s1, $0x11  }
0xbc: {  	s0 =	sor.u32 s1, s0  }
0xbd: {  	s0 =	sadd.s32 $0x8F2B, s0  }
0xbe: {  	[sflag:s0] =	ssyncadd.remote.s32 $0x1  }
0xbf: {  	_ =	sfence.sel $0xFFFF  }
0xc0: {  	[dreg:$0x0] =	wrdreg $0xFFFFFFFF;
	(pc) =	sbr.abs _section_cstart, $3  }
0xc1: {  	[dreg:$0x1] =	wrdreg $0xFFFFFFFF  }
0xc2: {  	_ =	task.clear_ibuf [dreg:s7], $0x2FFFF;
	_ =	strace $0x9FFFFFFF  }
0xc3: {  	(tm) =	ssettm $0x7FFFFFFF  }
tec
execute0_lowered:
.L_overlay_start_1:
0x0: {  	(tag) =	ssettag $0x1  }
0x1: {  	s7 =	rddreg [dreg:$0x0]  }
0x2: {  	s0 =	srdreg.scid;
	s2 =	rddreg [dreg:$0x1]  }
0x3: {  	s3 =	rddreg [dreg:$0x2];
	s4 =	simm.s32 $0x0;
	s6 =	sand.u32 $0x1, s0  }
0x4: {  	s13 =	simm.s32 $0x80;
	s0 =	stileid.u32;
	s8 =	smul.u32 $0x140000, s6  }
0x5: {  	s14 =	simm.s32 $0x0;
	[smem:$0x7FF] =	sst s4;
	s9 =	smul.u32 $0x14000, s0  }
0x6: {  	s1 =	sshll.u32 s6, $0x4;
	s29 =	smul.u32 $0x50000, s0;
	s6 =	ssub.s32 $0x2, s6  }
0x7: {  	s31 =	sshll.u32 s0, $0x6;
	s1 =	sor.u32 s0, s1;
	s30 =	sshrl.u32 s6, $0x1  }
0x8: {  	s5 =	smul.u32 $0x500, s1;
	s1 =	rddreg [dreg:$0x3];
	_ =	strace $0x80000047  }
0x9: {  	s8 =	sadd.s32 s9, s8;
	s9 =	sshrl.u32 s29, $0x2;
	s11 =	ssub.s32 s6, s30  }
0xa: {  	s6 =	sor.u32 $0x1C01, s31;
	s8 =	sshrl.u32 s8, $0x3;
	s12 =	sadd.s32 s9, s3  }
0xb: {  	s9 =	smax.u32 s11, $0x1;
	s11 =	simm.s32 $0x1;
	s10 =	sadd.s32 s5, s7  }
0xc: {  	s5 =	sadd.s32 $0x18E00, s7;
	s8 =	sadd.s32 s8, s7;
	s7 =	sadd.s32 $0xEE00, s10  }
0xd: {  	s8 =	sadd.s32 $0x19600, s8;
	s10 =	sshrl.u32 s12, $0x3;
	s12 =	simm.s32 $0x2800  }
.LBB2_1:
0xe: {  	[spmem:s10], [sflag:s6] =	dma.local [hbm:s2], $0x2800  }
0xf: {  	_ =	swait.ge [sflag:s11], $0x2800  }
0x10: {  	[sflag:s11] =	ssyncset.done $0x0  }
0x11: {  	[sflag:s11] =	ssyncadd.s32 $0xFFFFD800  }
0x12: {  	[tilespmem:s4], [sflag:$0x1] =	stream.linear.gather [hbm4b:s7+s4], $0x2800, $0x38;
	[tilespmem:$0x1A800] =	vst v63  }
0x13: {  	_ =	swait.ge [sflag:s11], $0x2800  }
0x14: {  	[sflag:s11] =	ssyncset.done $0x0  }
0x15: {  	[sflag:s11] =	ssyncadd.s32 $0xFFFFD800  }
0x16: {  	[tilespmem:s12], [sflag:$0x1] =	stream.linear.gather [hbm4b:s5+s4], $0x4000, $0x38;
	[tilespmem:$0x1A800] =	vst v63  }
0x17: {  	_ =	swait.ge [sflag:s11], $0x4000  }
0x18: {  	[sflag:s11] =	ssyncset.done $0x0  }
0x19: {  	[sflag:s11] =	ssyncadd.s32 $0xFFFFC000  }
0x1a: {  	s15 =	simm.s32 $0x0;
	[bflag:$0x0] =	sbarrier.arrive $0xFFFF  }
0x1b: {  	[spmem:s3] =	stream.indirect.scatter.add.f32 [tilespmem:s12], [sflag:$0x1], $0x80, s15, s13, $0xb8;
	[tilespmem:$0x1A800] =	vst v63  }
0x1c: {  	_ =	swait.ge [sflag:s11], $0x4000  }
0x1d: {  	s15 =	simm.s32 $0x200;
	[sflag:s11] =	ssyncset.done $0x0  }
.LBB2_2:
0x1e: {  	s16 =	sshra.s32 s15, $0x2;
	[sflag:s11] =	ssyncadd.s32 $0xFFFFC000;
	p0 =	sne.s32 s15, $0x9E00  }
0x1f: {  	[spmem:s3] =	stream.indirect.scatter.add.f32 [tilespmem:s12], [sflag:$0x1], $0x80, s16, s13, $0xb8;
	[tilespmem:$0x1A800] =	vst v63  }
.Ltmp0:
0x20: {  	_ = 	snop;
	(pc) =	sbr.rel @p0 .LBB2_2-.Ltmp0, $4  }
0x21: {  	_ = 	snop  }
0x22: {  	s15 =	sadd.s32 $0x200, s15  }
0x23: {  	_ =	swait.ge [sflag:s11], $0x4000  }
0x24: {  	[sflag:s11] =	ssyncset.done $0x0  }
0x25: {  	s14 =	sadd.s32 $0x1, s14  }
0x26: {  	[sflag:s11] =	ssyncadd.s32 $0xFFFFC000;
	p0 =	sne.s32 s14, s9  }
.Ltmp1:
0x27: {  	[bflag:$0x0] =	sbarrier.arrive $0xFFFF;
	(pc) =	sbr.rel @p0 .LBB2_1-.Ltmp1, $4  }
0x28: {  	[hbm:s8], [sflag:s6] =	dma.local [spmem:s10], $0x2800  }
0x29: {  	_ =	swait.ge [sflag:s11], $0x2800  }
0x2a: {  	[sflag:s11] =	ssyncset.done $0x0  }
0x2b: {  	[sflag:s11] =	ssyncadd.s32 $0xFFFFD800  }
0x2c: {  	_ =	sfence.sel $0x180000  }
0x2d: {  	[bflag:$0x0] =	sbarrier.arrive $0xFFFF  }
0x2e: {  	p0 =	sne.s32 s0, $0x0;
	_ =	strace $0x90000047  }
0x2f: {  	s0 =	sadd.s32 @!p0 $0x100000, s1;
	[bflag:$0x2] =	sbarrier.arrive $0xFFFF  }
0x30: {  	[sflag:s0] =	ssyncadd.tile.s32 @!p0 $0x1;
	_ =	shalt  }
.Lfunc_end2:
_tile_overlayer_lowered:
.L_overlay_start_2:
0x31: {  	(tag) =	ssettag $0x2  }
0x32: {  	s0 =	rddreg [dreg:$0x0];
	s2 =	stileid.u32  }
0x33: {  	s1 =	rddreg [dreg:$0x1];
	p0 =	sne.s32 s2, $0x0  }
0x34: {  	s3 =	rddreg [dreg:$0x2];
	[bflag:$0x3] =	sbarrier.arrive $0xFFFF;
	s2 =	simm.s32 @!p0 $0x1C01  }
0x35: {  	[timem:s3], [sflag:s2] =	dma.local @!p0 [hbm:s0], s1  }
0x36: {  	s0 =	simm.s32 @!p0 $0x1  }
0x37: {  	_ =	swait.ge @!p0 [sflag:s0], s1  }
0x38: {  	s1 =	ssub.s32 @!p0 $0x0, s1;
	[sflag:s0] =	ssyncset.done @!p0 $0x0  }
0x39: {  	[sflag:s0] =	ssyncadd.s32 @!p0 s1  }
0x3a: {  	[bflag:$0x3] =	sbarrier.arrive $0xFFFF  }
0x3b: {  	_ =	shalt  }

// kernel: kernel.14.cloned.1.call-start
scs
__scs_entry_jumppad:
0x0: {  	(pc) =	sbr.rel $0x88, $3  }
0x1: {  	(tag) =	ssettag $0x0;
	lr =	simm.s32 $0x1  }
0x2: {  	[smem:$0x3F97] =	sst lr;
	_ =	strace $0xD0000000  }
0x3: {  	_ = 	snop  }
0x4: {  	_ = 	snop  }
0x5: {  	_ = 	snop  }
0x6: {  	_ = 	snop  }
0x7: {  	_ = 	snop  }
__scs_overlays_trampoline_lowered:
0x8: {  	[smem:$0x3FA6] =	sst s0  }
0x9: {  	[smem:$0x3FA7] =	sst s1  }
0xa: {  	[smem:$0x3FA8] =	sst s2  }
0xb: {  	[smem:$0x3FA9] =	sst s3  }
0xc: {  	[smem:$0x3FAA] =	sst s4  }
0xd: {  	[smem:$0x3FAB] =	sst s5  }
0xe: {  	[smem:$0x3FAC] =	sst s6  }
0xf: {  	[smem:$0x3FAD] =	sst s7  }
0x10: {  	[smem:$0x3FAE] =	sst s8  }
0x11: {  	[smem:$0x3FAF] =	sst s9;
	s0 =	simm.s32 @!p0 $0x0  }
0x12: {  	s1 =	sld [smem:$0x3F95];
	s0 =	simm.s32 @p0 $0x1  }
0x13: {  	[smem:$0x3FB0] =	sst s0;
	s0 =	simm.s32 @!p1 $0x0  }
0x14: {  	s2 =	sld [smem:$0x3F94];
	s0 =	simm.s32 @p1 $0x1  }
0x15: {  	[smem:$0x3FB1] =	sst s0;
	s0 =	simm.s32 @!p2 $0x0  }
0x16: {  	s3 =	sld [smem:$0x3FDB];
	s0 =	simm.s32 @p2 $0x1  }
0x17: {  	s4 =	simm.s32 $0x1BF5;
	[smem:$0x3FB3] =	sst s0  }
0x18: {  	s0 =	sld [smem:$0x3F96];
	_ =	swait.ge [sflag:s4], $0x0  }
0x19: {  	s7 =	sld [smem:$0x3F97]  }
0x1a: {  	s8 =	sadd.s32 $0xFFFFE003, lr  }
0x1b: {  	s9 =	sadd.s32 $0xFFFFFEF7, lr;
	s5 =	simm.s32 $0xFFFFFFFF;
	p2 =	slt.u32 s8, $0xFFFFF086  }
0x1c: {  	p1 =	slt.u32 s9, $0xF7A;
	s5 =	simm.s32 @!p2 $0x0  }
0x1d: {  	s5 =	simm.s32 @p1 $0x1;
	p0 =	seq.s32 s7, s2  }
0x1e: {  	s7 =	smul.u32 @!p0 $0xF7A, s2;
	p2 =	seq.s32 @!p0 s5, $0x0  }
0x1f: {  	s9 =	smul.u32 $0xF7A, s1;
	s8 =	simm.s32 @!p0 $0x1BF5;
	p2 =	por !p2, p0  }
0x20: {  	[sflag:s8] =	ssyncset.s32 @!p0 $0xFFFFF086;
	s6 =	sadd.s32 @!p0 s3, s7;
	s7 =	simm.s32 @!p0 $0x108  }
0x21: {  	s3 =	sadd.s32 s3, s9;
	s6 =	sadd.s32 @!p0 $0x88, s6;
	s7 =	simm.s32 @p2 $0x1082  }
0x22: {  	[simem:s7], [sflag:s8] =	dma.local @!p0 [hbm:s6], $0xF7A  }
0x23: {  	s9 =	sor.u32 $0xD0000000, s2;
	s6 =	simm.s32 $0x108;
	_ =	swait.ge @!p0 [sflag:s8], $0x0  }
0x24: {  	s3 =	sadd.s32 $0x88, s3;
	s6 =	simm.s32 @!p1 $0x1082;
	[sflag:s4] =	ssyncset.s32 $0xFFFFF086  }
0x25: {  	[simem:s6], [sflag:s4] =	dma.local [hbm:s3], $0xF7A  }
0x26: {  	[smem:$0x3F97] =	sst s1;
	(tag) =	ssettag s2;
	_ =	strace s9  }
0x27: {  	s1 =	sld [smem:$0x3FA7]  }
0x28: {  	s2 =	sld [smem:$0x3FA8]  }
0x29: {  	s4 =	sld [smem:$0x3FAA]  }
0x2a: {  	p0 =	seq.s32 s5, $0x0;
	s5 =	sld [smem:$0x3FAB]  }
0x2b: {  	s6 =	sld [smem:$0x3FAC]  }
0x2c: {  	s7 =	sld [smem:$0x3FAD]  }
0x2d: {  	s3 =	simm.s32 $0x108;
	s8 =	sld [smem:$0x3FAE]  }
0x2e: {  	s3 =	simm.s32 @!p0 $0x1082;
	s9 =	sld [smem:$0x3FAF]  }
0x2f: {  	lr =	sadd.s32 s0, s3;
	s0 =	sld [smem:$0x3FA6]  }
0x30: {  	s3 =	sld [smem:$0x3FA9]  }
0x31: {  	[smem:$0x3FB2] =	sst s10  }
0x32: {  	s10 =	sld [smem:$0x3FB0];
	_ =	sdelay $0x3  }
0x33: {  	p0 =	seq.s32 s10, $0x1;
	s10 =	sld [smem:$0x3FB2];
	_ =	sdelay $0x3  }
0x34: {  	[smem:$0x3FB2] =	sst s10  }
0x35: {  	s10 =	sld [smem:$0x3FB1];
	_ =	sdelay $0x3  }
0x36: {  	p1 =	seq.s32 s10, $0x1;
	s10 =	sld [smem:$0x3FB2];
	_ =	sdelay $0x3  }
0x37: {  	[smem:$0x3FB2] =	sst s10  }
0x38: {  	s10 =	sld [smem:$0x3FB3]  }
0x39: {  	_ = 	snop;
	(pc) =	sbr.ind lr, $3  }
0x3a: {  	_ = 	snop  }
0x3b: {  	_ = 	snop  }
0x3c: {  	p2 =	seq.s32 s10, $0x1;
	s10 =	sld [smem:$0x3FB2]  }
0x3d: {  	_ =	shalt  }
0x3e: {  	_ =	shalt  }
0x3f: {  	_ =	shalt  }
0x40: {  	_ =	shalt  }
0x41: {  	_ =	shalt  }
0x42: {  	_ =	shalt  }
0x43: {  	_ =	shalt  }
0x44: {  	_ =	shalt  }
0x45: {  	_ =	shalt  }
0x46: {  	_ =	shalt  }
0x47: {  	_ =	shalt  }
0x48: {  	_ =	shalt  }
0x49: {  	_ =	shalt  }
0x4a: {  	_ =	shalt  }
0x4b: {  	_ =	shalt  }
0x4c: {  	_ =	shalt  }
0x4d: {  	_ =	shalt  }
0x4e: {  	_ =	shalt  }
0x4f: {  	_ =	shalt  }
0x50: {  	_ =	shalt  }
0x51: {  	_ =	shalt  }
0x52: {  	_ =	shalt  }
0x53: {  	_ =	shalt  }
0x54: {  	_ =	shalt  }
0x55: {  	_ =	shalt  }
0x56: {  	_ =	shalt  }
0x57: {  	_ =	shalt  }
0x58: {  	_ =	shalt  }
0x59: {  	_ =	shalt  }
0x5a: {  	_ =	shalt  }
0x5b: {  	_ =	shalt  }
0x5c: {  	_ =	shalt  }
0x5d: {  	_ =	shalt  }
0x5e: {  	_ =	shalt  }
0x5f: {  	_ =	shalt  }
0x60: {  	_ =	shalt  }
0x61: {  	_ =	shalt  }
0x62: {  	_ =	shalt  }
0x63: {  	_ =	shalt  }
0x64: {  	_ =	shalt  }
0x65: {  	_ =	shalt  }
0x66: {  	_ =	shalt  }
0x67: {  	_ =	shalt  }
0x68: {  	_ =	shalt  }
0x69: {  	_ =	shalt  }
0x6a: {  	_ =	shalt  }
0x6b: {  	_ =	shalt  }
0x6c: {  	_ =	shalt  }
0x6d: {  	_ =	shalt  }
0x6e: {  	_ =	shalt  }
0x6f: {  	_ =	shalt  }
0x70: {  	_ =	shalt  }
0x71: {  	_ =	shalt  }
0x72: {  	_ =	shalt  }
0x73: {  	_ =	shalt  }
0x74: {  	_ =	shalt  }
0x75: {  	_ =	shalt  }
0x76: {  	_ =	shalt  }
0x77: {  	_ =	shalt  }
0x78: {  	_ =	shalt  }
0x79: {  	_ =	shalt  }
0x7a: {  	_ =	shalt  }
0x7b: {  	_ =	shalt  }
0x7c: {  	_ =	shalt  }
0x7d: {  	_ =	shalt  }
0x7e: {  	_ =	shalt  }
0x7f: {  	_ =	shalt  }
0x80: {  	_ =	shalt  }
0x81: {  	_ =	shalt  }
0x82: {  	_ =	shalt  }
0x83: {  	_ =	shalt  }
0x84: {  	_ =	shalt  }
0x85: {  	_ =	shalt  }
0x86: {  	_ =	shalt  }
0x87: {  	_ =	shalt  }
.Lfunc_end0:
.L_simem_size_0:
called_computation.1_lowered:
.L_overlay_start_0:
0x88: {  	s2 =	sld [smem:$0x3FD9]  }
0x89: {  	s3 =	sld [smem:$0x3FFE];
	_ =	sdelay $0x1  }
0x8a: {  	s1 =	srdreg.scid  }
0x8b: {  	s0 =	sand.u32 $0x1, s1  }
0x8c: {  	s17 =	sshll.u32 s0, $0xA;
	s2 =	sadd.s32 s3, s2  }
0x8d: {  	s2 =	sadd.s32 s2, s17  }
0x8e: {  	[smem:$0x3FBE] =	sst s2  }
0x8f: {  	_ = 	snop  }
0x90: {  	s2 =	sld [smem:$0x3FD0];
	(tm) =	ssettm $0x1  }
0x91: {  	s18 =	sld [smem:$0x3FFB];
	_ =	sdelay $0x3  }
0x92: {  	_ =	strace s18  }
0x93: {  	s3 =	sld [smem:$0x3FFC];
	_ =	sdelay $0x3  }
0x94: {  	_ =	strace s3  }
0x95: {  	s3 =	sld [smem:$0x3FFD];
	_ =	sdelay $0x3  }
0x96: {  	_ =	strace s3  }
0x97: {  	_ =	strace $0x8FFFFFFF  }
0x98: {  	s19 =	sld [smem:$0x3FDB];
	_ =	sdelay $0x1  }
0x99: {  	s4 =	simm.s32 $_scs_section_size  }
0x9a: {  	s5 =	simm.s32 $_size__tile_overlayer_lowered;
	s6 =	simm.s32 $_tile_overlayer_lowered  }
0x9b: {  	s22 =	simm.s32 $0x1BFF;
	s21 =	sshll.u32 s6, $0x1;
	s3 =	sadd.s32 s4, s19  }
0x9c: {  	s7 =	simm.s32 $0x0;
	s20 =	sshll.u32 s5, $0x1;
	s5 =	sadd.s32 s21, s3  }
0x9d: {  	[timem:s7], [sflag:s22] =	dma.local [hbm:s5], s20  }
0x9e: {  	_ =	swait.ge [sflag:s22], s20  }
0x9f: {  	s4 =	ssub.s32 $0x0, s20;
	[sflag:s22] =	ssyncset.done $0x0  }
0xa0: {  	[sflag:s22] =	ssyncadd.s32 s4;
	_ =	sdelay $0x1  }
0xa1: {  	s23 =	simm.s32 $0x1B8B  }
0xa2: {  	_ =	swait.ge [sflag:s23], $0x1  }
0xa3: {  	[sflag:s23] =	ssyncset.done $0x0  }
0xa4: {  	s25 =	simm.s32 $0x1B8E;
	s24 =	sld [smem:$0x3FFE];
	[sflag:s23] =	ssyncadd.s32 $0xFFFFFFFF  }
0xa5: {  	s26 =	simm.s32 $execute0_lowered;
	[smem:$0x3FD2] =	sst s25  }
0xa6: {  	s5 =	sshll.u32 s26, $0x1;
	_ =	strace $0x80000049;
	[dreg:$0x1] =	wrdreg $0xFFFFFFFF  }
0xa7: {  	s28 =	simm.s32 $_size_execute0_lowered;
	s3 =	sadd.s32 s3, s5;
	[dreg:$0x0] =	wrdreg $0x0  }
0xa8: {  	s5 =	sshll.u32 s28, $0x1;
	[dreg:$0x2] =	wrdreg s3  }
0xa9: {  	[dreg:$0x3] =	wrdreg s5  }
0xaa: {  	[dreg:$0x4] =	wrdreg $0xC0  }
0xab: {  	_ =	task [dreg:s7], $0x5FFFF  }
0xac: {  	[dreg:$0x1] =	wrdreg $0xFFFFFFFF  }
0xad: {  	[dreg:$0x0] =	wrdreg $0x60  }
0xae: {  	[dreg:$0x2] =	wrdreg s2  }
0xaf: {  	[dreg:$0x3] =	wrdreg s24  }
0xb0: {  	[dreg:$0x4] =	wrdreg $0xA8000  }
0xb1: {  	[dreg:$0x5] =	wrdreg $0x9  }
0xb2: {  	_ =	task.clear_ibuf [dreg:s7], $0x6FFFF;
	_ =	strace $0x90000049  }
0xb3: {  	s29 =	simm.s32 $0x9;
	_ =	strace $0x8000004B  }
0xb4: {  	_ =	swait.ge [sflag:s29], $0x1  }
0xb5: {  	[sflag:s29] =	ssyncadd.s32 $0xFFFFFFFF  }
0xb6: {  	_ =	strace $0x9000004B  }
0xb7: {  	_ =	sfence  }
0xb8: {  	s30 =	sld [smem:$0x0];
	_ =	sdelay $0x2  }
0xb9: {  	s31 =	sshll.u32 s1, $0xD;
	s1 =	sshrl.u32 s1, $0x2  }
0xba: {  	s3 =	sand.u32 $0x4000, s31;
	s1 =	sadd.s32 s1, s30  }
0xbb: {  	s0 =	sor.u32 s3, s0;
	s1 =	sshll.u32 s1, $0x11  }
0xbc: {  	s0 =	sor.u32 s1, s0  }
0xbd: {  	s0 =	sadd.s32 $0x8F2B, s0  }
0xbe: {  	[sflag:s0] =	ssyncadd.remote.s32 $0x1  }
0xbf: {  	_ =	sfence.sel $0xFFFF  }
0xc0: {  	[dreg:$0x0] =	wrdreg $0xFFFFFFFF;
	(pc) =	sbr.abs _section_cstart, $3  }
0xc1: {  	[dreg:$0x1] =	wrdreg $0xFFFFFFFF  }
0xc2: {  	_ =	task.clear_ibuf [dreg:s7], $0x2FFFF;
	_ =	strace $0x9FFFFFFF  }
0xc3: {  	(tm) =	ssettm $0x7FFFFFFF  }
tec
execute0_lowered:
.L_overlay_start_1:
0x0: {  	(tag) =	ssettag $0x1  }
0x1: {  	s1 =	rddreg [dreg:$0x0]  }
0x2: {  	s6 =	rddreg [dreg:$0x1]  }
0x3: {  	s2 =	rddreg [dreg:$0x2]  }
0x4: {  	s3 =	srdreg.scid;
	s0 =	rddreg [dreg:$0x3]  }
0x5: {  	s4 =	simm.s32 $0x0;
	s16 =	simm.s32 $0x80;
	s17 =	simm.s32 $0x2800  }
0x6: {  	s18 =	simm.s32 $0x6800;
	s19 =	simm.s32 $0x1;
	s20 =	simm.s32 $0x2  }
0x7: {  	s21 =	simm.s32 $0x1380;
	s22 =	simm.s32 $0x2700;
	s23 =	simm.s32 $0x2780  }
0x8: {  	s7 =	sand.u32 $0x1, s3;
	s3 =	stileid.u32;
	[smem:$0x7FF] =	sst s4  }
0x9: {  	s10 =	sadd.s32 $0x4E00, s6;
	s11 =	sadd.s32 $0xEE00, s6;
	s8 =	smul.u32 $0x13C000, s7  }
0xa: {  	s5 =	sadd.s32 $0x68E00, s6;
	s9 =	smul.u32 $0x13C00, s3;
	_ =	strace $0x8000004A  }
0xb: {  	s24 =	sshll.u32 s7, $0x4;
	s7 =	ssub.s32 $0x2, s7;
	s12 =	smul.u32 $0x4F000, s3  }
0xc: {  	s26 =	sshll.u32 s3, $0x6;
	s13 =	sshrl.u32 s7, $0x1;
	s8 =	sadd.s32 s9, s8  }
0xd: {  	s9 =	sor.u32 s3, s24;
	s13 =	ssub.s32 s7, s13;
	s25 =	sshrl.u32 s12, $0x2  }
0xe: {  	s24 =	simm.s32 $0x0;
	s8 =	sshrl.u32 s8, $0x3;
	s14 =	smul.u32 $0x2800, s9  }
0xf: {  	s28 =	smul.u32 $0x500, s9;
	s30 =	sadd.s32 s25, s2;
	s12 =	smax.u32 s13, $0x1  }
0x10: {  	s15 =	sadd.s32 s8, s6;
	s6 =	sor.u32 $0x1C03, s26;
	s29 =	sshrl.u32 s14, $0x3  }
0x11: {  	s13 =	sshrl.u32 s30, $0x3;
	s7 =	sadd.s32 s10, s28;
	s31 =	sadd.s32 $0x280, s29  }
0x12: {  	s8 =	sadd.s32 s11, s28;
	s14 =	simm.s32 $0x3;
	s9 =	sadd.s32 s10, s31  }
0x13: {  	s10 =	sadd.s32 s11, s31;
	s11 =	sadd.s32 $0x6B600, s15;
	s15 =	simm.s32 $0x1400  }
.LBB2_1:
0x14: {  	[spmem:s13], [sflag:s6] =	dma.local [hbm:s5], $0x2780  }
0x15: {  	_ =	swait.ge [sflag:s14], $0x2780  }
0x16: {  	[sflag:s14] =	ssyncset.done $0x0  }
0x17: {  	[sflag:s14] =	ssyncadd.s32 $0xFFFFD880  }
0x18: {  	[bflag:$0x0] =	sbarrier.arrive $0xFFFF  }
0x19: {  	[tilespmem:s4], [sflag:$0x3] =	stream.linear.gather [hbm4b:s7+s4], $0x1400, $0x38;
	[tilespmem:$0x1E400] =	vst v63  }
0x1a: {  	_ =	swait.ge [sflag:s14], $0x1400  }
0x1b: {  	[sflag:s14] =	ssyncset.done $0x0  }
0x1c: {  	[sflag:s14] =	ssyncadd.s32 $0xFFFFEC00  }
0x1d: {  	[tilespmem:s15], [sflag:$0x3] =	stream.linear.gather [hbm4b:s8+s4], $0x1400, $0x38;
	[tilespmem:$0x1E400] =	vst v63  }
0x1e: {  	_ =	swait.ge [sflag:s14], $0x1400  }
0x1f: {  	[sflag:s14] =	ssyncset.done $0x0  }
0x20: {  	[sflag:s14] =	ssyncadd.s32 $0xFFFFEC00  }
0x21: {  	[tilespmem:s17], [sflag:$0x1] =	stream.indirect.gather [hbm4b:s1+s16], $0x80, s4, s16, $0xb8;
	[tilespmem:$0x1E400] =	vst v63  }
0x22: {  	s25 =	simm.s32 $0x80  }
0x23: {  	[tilespmem:s18], [sflag:$0x2] =	stream.indirect.gather [hbm4b:s1+s16], $0x80, s25, s16, $0xb8;
	[tilespmem:$0x1E400] =	vst v63  }
0x24: {  	_ =	swait.ge [sflag:s19], $0x4000  }
0x25: {  	[sflag:s19] =	ssyncset.done $0x0  }
0x26: {  	s29 =	simm.s32 $0x1400;
	[sflag:s19] =	ssyncadd.s32 $0xFFFFC000  }
0x27: {  	[spmem:s2] =	stream.indirect.scatter.add.f32 [tilespmem:s17], [sflag:$0x3], $0x80, s29, s16, $0xb8;
	[tilespmem:$0x1E400] =	vst v63  }
0x28: {  	_ =	swait.ge [sflag:s14], $0x4000  }
0x29: {  	[sflag:s14] =	ssyncset.done $0x0  }
0x2a: {  	s30 =	simm.s32 $0x100;
	[sflag:s14] =	ssyncadd.s32 $0xFFFFC000  }
0x2b: {  	[tilespmem:s17], [sflag:$0x1] =	stream.indirect.gather [hbm4b:s1+s16], $0x80, s30, s16, $0xb8;
	[tilespmem:$0x1E400] =	vst v63  }
0x2c: {  	_ =	swait.ge [sflag:s20], $0x4000  }
0x2d: {  	[sflag:s20] =	ssyncset.done $0x0  }
0x2e: {  	s31 =	simm.s32 $0x1480;
	[sflag:s20] =	ssyncadd.s32 $0xFFFFC000  }
0x2f: {  	[spmem:s2] =	stream.indirect.scatter.add.f32 [tilespmem:s18], [sflag:$0x3], $0x80, s31, s16, $0xb8;
	[tilespmem:$0x1E400] =	vst v63  }
0x30: {  	_ =	swait.ge [sflag:s14], $0x4000  }
0x31: {  	s26 =	simm.s32 $0x800;
	s25 =	simm.s32 $0x100;
	[sflag:s14] =	ssyncset.done $0x0  }
.LBB2_2:
0x32: {  	s28 =	sadd.s32 $0x80, s25  }
0x33: {  	[sflag:s14] =	ssyncadd.s32 $0xFFFFC000;
	s29 =	smov.u32 s26;
	s30 =	sadd.s32 $0x400, s26  }
0x34: {  	[tilespmem:s18], [sflag:$0x2] =	stream.indirect.gather [hbm4b:s1+s16], $0x80, s28, s16, $0xb8;
	[tilespmem:$0x1E400] =	vst v63  }
0x35: {  	p0 =	sne.s32 s26, $0x4800;
	_ =	swait.ge [sflag:s19], $0x4000  }
0x36: {  	[sflag:s19] =	ssyncset.done $0x0  }
0x37: {  	s26 =	sadd.s32 $0x1400, s25;
	[sflag:s19] =	ssyncadd.s32 $0xFFFFC000  }
0x38: {  	[spmem:s2] =	stream.indirect.scatter.add.f32 [tilespmem:s17], [sflag:$0x3], $0x80, s26, s16, $0xb8;
	[tilespmem:$0x1E400] =	vst v63  }
0x39: {  	_ =	swait.ge [sflag:s14], $0x4000  }
0x3a: {  	[sflag:s14] =	ssyncset.done $0x0  }
0x3b: {  	s26 =	sadd.s32 $0x100, s25;
	[sflag:s14] =	ssyncadd.s32 $0xFFFFC000  }
0x3c: {  	[tilespmem:s17], [sflag:$0x1] =	stream.indirect.gather [hbm4b:s1+s16], $0x80, s26, s16, $0xb8;
	[tilespmem:$0x1E400] =	vst v63  }
0x3d: {  	_ =	swait.ge [sflag:s20], $0x4000  }
.Ltmp0:
0x3e: {  	[sflag:s20] =	ssyncset.done $0x0;
	(pc) =	sbr.rel @p0 .LBB2_2-.Ltmp0, $4  }
0x3f: {  	s25 =	sadd.s32 $0x1480, s25;
	[sflag:s20] =	ssyncadd.s32 $0xFFFFC000  }
0x40: {  	[spmem:s2] =	stream.indirect.scatter.add.f32 [tilespmem:s18], [sflag:$0x3], $0x80, s25, s16, $0xb8;
	[tilespmem:$0x1E400] =	vst v63  }
0x41: {  	_ =	swait.ge [sflag:s14], $0x4000  }
0x42: {  	s26 =	smov.u32 s30;
	s25 =	sshra.s32 s29, $0x2;
	[sflag:s14] =	ssyncset.done $0x0  }
0x43: {  	s26 =	sadd.s32 $0x80, s25;
	[sflag:s14] =	ssyncadd.s32 $0xFFFFC000  }
0x44: {  	[tilespmem:s18], [sflag:$0x2] =	stream.indirect.gather [hbm4b:s1+s16], $0x80, s26, s16, $0xb8;
	[tilespmem:$0x1E400] =	vst v63  }
0x45: {  	_ =	swait.ge [sflag:s19], $0x4000  }
0x46: {  	[sflag:s19] =	ssyncset.done $0x0  }
0x47: {  	s29 =	sadd.s32 $0x1400, s25;
	[sflag:s19] =	ssyncadd.s32 $0xFFFFC000  }
0x48: {  	[spmem:s2] =	stream.indirect.scatter.add.f32 [tilespmem:s17], [sflag:$0x3], $0x80, s29, s16, $0xb8;
	[tilespmem:$0x1E400] =	vst v63  }
0x49: {  	_ =	swait.ge [sflag:s14], $0x4000  }
0x4a: {  	[sflag:s14] =	ssyncset.done $0x0  }
0x4b: {  	s30 =	sadd.s32 $0x100, s25;
	[sflag:s14] =	ssyncadd.s32 $0xFFFFC000  }
0x4c: {  	[tilespmem:s17], [sflag:$0x1] =	stream.indirect.gather [hbm4b:s1+s16], $0x80, s30, s16, $0xb8;
	[tilespmem:$0x1E400] =	vst v63  }
0x4d: {  	_ =	swait.ge [sflag:s20], $0x4000  }
0x4e: {  	[sflag:s20] =	ssyncset.done $0x0  }
0x4f: {  	s31 =	sadd.s32 $0x1480, s25;
	[sflag:s20] =	ssyncadd.s32 $0xFFFFC000  }
0x50: {  	[spmem:s2] =	stream.indirect.scatter.add.f32 [tilespmem:s18], [sflag:$0x3], $0x80, s31, s16, $0xb8;
	[tilespmem:$0x1E400] =	vst v63  }
0x51: {  	_ =	swait.ge [sflag:s14], $0x4000  }
0x52: {  	[sflag:s14] =	ssyncset.done $0x0  }
0x53: {  	[sflag:s14] =	ssyncadd.s32 $0xFFFFC000  }
0x54: {  	[tilespmem:s18], [sflag:$0x2] =	stream.indirect.gather [hbm4b:s1+s16], $0x80, s21, s16, $0xb8;
	[tilespmem:$0x1E400] =	vst v63  }
0x55: {  	_ =	swait.ge [sflag:s19], $0x4000  }
0x56: {  	[sflag:s19] =	ssyncset.done $0x0  }
0x57: {  	[sflag:s19] =	ssyncadd.s32 $0xFFFFC000  }
0x58: {  	[spmem:s2] =	stream.indirect.scatter.add.f32 [tilespmem:s17], [sflag:$0x3], $0x80, s22, s16, $0xb8;
	[tilespmem:$0x1E400] =	vst v63  }
0x59: {  	_ =	swait.ge [sflag:s14], $0x4000  }
0x5a: {  	[sflag:s14] =	ssyncset.done $0x0  }
0x5b: {  	[sflag:s14] =	ssyncadd.s32 $0xFFFFC000  }
0x5c: {  	_ =	swait.ge [sflag:s20], $0x4000  }
0x5d: {  	[sflag:s20] =	ssyncset.done $0x0  }
0x5e: {  	[sflag:s20] =	ssyncadd.s32 $0xFFFFC000  }
0x5f: {  	[spmem:s2] =	stream.indirect.scatter.add.f32 [tilespmem:s18], [sflag:$0x3], $0x80, s23, s16, $0xb8;
	[tilespmem:$0x1E400] =	vst v63  }
0x60: {  	_ =	swait.ge [sflag:s14], $0x4000  }
0x61: {  	[sflag:s14] =	ssyncset.done $0x0  }
0x62: {  	s26 =	simm.s32 $0x0;
	[sflag:s14] =	ssyncadd.s32 $0xFFFFC000  }
0x63: {  	[tilespmem:s26], [sflag:$0x3] =	stream.linear.gather [hbm4b:s9+s26], $0x1400, $0x38;
	[tilespmem:$0x1E400] =	vst v63  }
0x64: {  	_ =	swait.ge [sflag:s14], $0x1400  }
0x65: {  	[sflag:s14] =	ssyncset.done $0x0  }
0x66: {  	[sflag:s14] =	ssyncadd.s32 $0xFFFFEC00  }
0x67: {  	[tilespmem:s15], [sflag:$0x3] =	stream.linear.gather [hbm4b:s10+s26], $0x1400, $0x38;
	[tilespmem:$0x1E400] =	vst v63  }
0x68: {  	_ =	swait.ge [sflag:s14], $0x1400  }
0x69: {  	[sflag:s14] =	ssyncset.done $0x0  }
0x6a: {  	[sflag:s14] =	ssyncadd.s32 $0xFFFFEC00  }
0x6b: {  	[tilespmem:s17], [sflag:$0x1] =	stream.indirect.gather [hbm4b:s1+s16], $0x80, s26, s16, $0xb8;
	[tilespmem:$0x1E400] =	vst v63  }
0x6c: {  	s28 =	simm.s32 $0x80  }
0x6d: {  	[tilespmem:s18], [sflag:$0x2] =	stream.indirect.gather [hbm4b:s1+s16], $0x80, s28, s16, $0xb8;
	[tilespmem:$0x1E400] =	vst v63  }
0x6e: {  	_ =	swait.ge [sflag:s19], $0x4000  }
0x6f: {  	[sflag:s19] =	ssyncset.done $0x0  }
0x70: {  	s29 =	simm.s32 $0x1400;
	[sflag:s19] =	ssyncadd.s32 $0xFFFFC000  }
0x71: {  	[spmem:s2] =	stream.indirect.scatter.add.f32 [tilespmem:s17], [sflag:$0x3], $0x80, s29, s16, $0xb8;
	[tilespmem:$0x1E400] =	vst v63  }
0x72: {  	_ =	swait.ge [sflag:s14], $0x4000  }
0x73: {  	[sflag:s14] =	ssyncset.done $0x0  }
0x74: {  	s30 =	simm.s32 $0x100;
	[sflag:s14] =	ssyncadd.s32 $0xFFFFC000  }
0x75: {  	[tilespmem:s17], [sflag:$0x1] =	stream.indirect.gather [hbm4b:s1+s16], $0x80, s30, s16, $0xb8;
	[tilespmem:$0x1E400] =	vst v63  }
0x76: {  	_ =	swait.ge [sflag:s20], $0x4000  }
0x77: {  	[sflag:s20] =	ssyncset.done $0x0  }
0x78: {  	s31 =	simm.s32 $0x1480;
	[sflag:s20] =	ssyncadd.s32 $0xFFFFC000  }
0x79: {  	[spmem:s2] =	stream.indirect.scatter.add.f32 [tilespmem:s18], [sflag:$0x3], $0x80, s31, s16, $0xb8;
	[tilespmem:$0x1E400] =	vst v63  }
0x7a: {  	_ =	swait.ge [sflag:s14], $0x4000  }
0x7b: {  	s25 =	simm.s32 $0x100;
	s26 =	simm.s32 $0x800;
	[sflag:s14] =	ssyncset.done $0x0  }
.LBB2_4:
0x7c: {  	s28 =	sadd.s32 $0x80, s25  }
0x7d: {  	[sflag:s14] =	ssyncadd.s32 $0xFFFFC000;
	s29 =	smov.u32 s26;
	s30 =	sadd.s32 $0x400, s26  }
0x7e: {  	[tilespmem:s18], [sflag:$0x2] =	stream.indirect.gather [hbm4b:s1+s16], $0x80, s28, s16, $0xb8;
	[tilespmem:$0x1E400] =	vst v63  }
0x7f: {  	p0 =	sne.s32 s26, $0x4800;
	_ =	swait.ge [sflag:s19], $0x4000  }
0x80: {  	[sflag:s19] =	ssyncset.done $0x0  }
0x81: {  	s26 =	sadd.s32 $0x1400, s25;
	[sflag:s19] =	ssyncadd.s32 $0xFFFFC000  }
0x82: {  	[spmem:s2] =	stream.indirect.scatter.add.f32 [tilespmem:s17], [sflag:$0x3], $0x80, s26, s16, $0xb8;
	[tilespmem:$0x1E400] =	vst v63  }
0x83: {  	_ =	swait.ge [sflag:s14], $0x4000  }
0x84: {  	[sflag:s14] =	ssyncset.done $0x0  }
0x85: {  	s26 =	sadd.s32 $0x100, s25;
	[sflag:s14] =	ssyncadd.s32 $0xFFFFC000  }
0x86: {  	[tilespmem:s17], [sflag:$0x1] =	stream.indirect.gather [hbm4b:s1+s16], $0x80, s26, s16, $0xb8;
	[tilespmem:$0x1E400] =	vst v63  }
0x87: {  	_ =	swait.ge [sflag:s20], $0x4000  }
.Ltmp1:
0x88: {  	[sflag:s20] =	ssyncset.done $0x0;
	(pc) =	sbr.rel @p0 .LBB2_4-.Ltmp1, $4  }
0x89: {  	s25 =	sadd.s32 $0x1480, s25;
	[sflag:s20] =	ssyncadd.s32 $0xFFFFC000  }
0x8a: {  	[spmem:s2] =	stream.indirect.scatter.add.f32 [tilespmem:s18], [sflag:$0x3], $0x80, s25, s16, $0xb8;
	[tilespmem:$0x1E400] =	vst v63  }
0x8b: {  	_ =	swait.ge [sflag:s14], $0x4000  }
0x8c: {  	s26 =	smov.u32 s30;
	s25 =	sshra.s32 s29, $0x2;
	[sflag:s14] =	ssyncset.done $0x0  }
0x8d: {  	s26 =	sadd.s32 $0x80, s25;
	[sflag:s14] =	ssyncadd.s32 $0xFFFFC000  }
0x8e: {  	[tilespmem:s18], [sflag:$0x2] =	stream.indirect.gather [hbm4b:s1+s16], $0x80, s26, s16, $0xb8;
	[tilespmem:$0x1E400] =	vst v63  }
0x8f: {  	_ =	swait.ge [sflag:s19], $0x4000  }
0x90: {  	[sflag:s19] =	ssyncset.done $0x0  }
0x91: {  	s29 =	sadd.s32 $0x1400, s25;
	[sflag:s19] =	ssyncadd.s32 $0xFFFFC000  }
0x92: {  	[spmem:s2] =	stream.indirect.scatter.add.f32 [tilespmem:s17], [sflag:$0x3], $0x80, s29, s16, $0xb8;
	[tilespmem:$0x1E400] =	vst v63  }
0x93: {  	_ =	swait.ge [sflag:s14], $0x4000  }
0x94: {  	[sflag:s14] =	ssyncset.done $0x0  }
0x95: {  	s30 =	sadd.s32 $0x100, s25;
	[sflag:s14] =	ssyncadd.s32 $0xFFFFC000  }
0x96: {  	[tilespmem:s17], [sflag:$0x1] =	stream.indirect.gather [hbm4b:s1+s16], $0x80, s30, s16, $0xb8;
	[tilespmem:$0x1E400] =	vst v63  }
0x97: {  	_ =	swait.ge [sflag:s20], $0x4000  }
0x98: {  	[sflag:s20] =	ssyncset.done $0x0  }
0x99: {  	s31 =	sadd.s32 $0x1480, s25;
	[sflag:s20] =	ssyncadd.s32 $0xFFFFC000  }
0x9a: {  	[spmem:s2] =	stream.indirect.scatter.add.f32 [tilespmem:s18], [sflag:$0x3], $0x80, s31, s16, $0xb8;
	[tilespmem:$0x1E400] =	vst v63  }
0x9b: {  	_ =	swait.ge [sflag:s14], $0x4000  }
0x9c: {  	[sflag:s14] =	ssyncset.done $0x0  }
0x9d: {  	[sflag:s14] =	ssyncadd.s32 $0xFFFFC000  }
0x9e: {  	[tilespmem:s18], [sflag:$0x2] =	stream.indirect.gather [hbm4b:s1+s16], $0x80, s21, s16, $0xb8;
	[tilespmem:$0x1E400] =	vst v63  }
0x9f: {  	_ =	swait.ge [sflag:s19], $0x4000  }
0xa0: {  	[sflag:s19] =	ssyncset.done $0x0  }
0xa1: {  	[sflag:s19] =	ssyncadd.s32 $0xFFFFC000  }
0xa2: {  	[spmem:s2] =	stream.indirect.scatter.add.f32 [tilespmem:s17], [sflag:$0x3], $0x80, s22, s16, $0xb8;
	[tilespmem:$0x1E400] =	vst v63  }
0xa3: {  	_ =	swait.ge [sflag:s14], $0x4000  }
0xa4: {  	[sflag:s14] =	ssyncset.done $0x0  }
0xa5: {  	[sflag:s14] =	ssyncadd.s32 $0xFFFFC000  }
0xa6: {  	_ =	swait.ge [sflag:s20], $0x4000  }
0xa7: {  	[sflag:s20] =	ssyncset.done $0x0  }
0xa8: {  	[sflag:s20] =	ssyncadd.s32 $0xFFFFC000  }
0xa9: {  	[spmem:s2] =	stream.indirect.scatter.add.f32 [tilespmem:s18], [sflag:$0x3], $0x80, s23, s16, $0xb8;
	[tilespmem:$0x1E400] =	vst v63  }
0xaa: {  	_ =	swait.ge [sflag:s14], $0x4000  }
0xab: {  	s24 =	sadd.s32 $0x1, s24;
	[sflag:s14] =	ssyncset.done $0x0  }
0xac: {  	p0 =	sne.s32 s24, s12;
	[sflag:s14] =	ssyncadd.s32 $0xFFFFC000  }
.Ltmp2:
0xad: {  	[bflag:$0x0] =	sbarrier.arrive $0xFFFF;
	(pc) =	sbr.rel @p0 .LBB2_1-.Ltmp2, $4  }
0xae: {  	[hbm:s11], [sflag:s6] =	dma.local [spmem:s13], $0x2780  }
0xaf: {  	_ =	swait.ge [sflag:s14], $0x2780  }
0xb0: {  	[sflag:s14] =	ssyncset.done $0x0  }
0xb1: {  	[sflag:s14] =	ssyncadd.s32 $0xFFFFD880  }
0xb2: {  	_ =	sfence.sel $0x180000  }
0xb3: {  	[bflag:$0x0] =	sbarrier.arrive $0xFFFF  }
0xb4: {  	p0 =	sne.s32 s3, $0x0;
	_ =	strace $0x9000004A  }
0xb5: {  	s0 =	sadd.s32 @!p0 $0x100000, s0;
	[bflag:$0x2] =	sbarrier.arrive $0xFFFF  }
0xb6: {  	[sflag:s0] =	ssyncadd.tile.s32 @!p0 $0x1;
	_ =	shalt  }
.Lfunc_end2:
_tile_overlayer_lowered:
.L_overlay_start_2:
0xb7: {  	(tag) =	ssettag $0x2  }
0xb8: {  	s0 =	rddreg [dreg:$0x0];
	s2 =	stileid.u32  }
0xb9: {  	s1 =	rddreg [dreg:$0x1];
	p0 =	sne.s32 s2, $0x0  }
0xba: {  	s3 =	rddreg [dreg:$0x2];
	[bflag:$0x3] =	sbarrier.arrive $0xFFFF;
	s2 =	simm.s32 @!p0 $0x1C03  }
0xbb: {  	[timem:s3], [sflag:s2] =	dma.local @!p0 [hbm:s0], s1  }
0xbc: {  	s0 =	simm.s32 @!p0 $0x3  }
0xbd: {  	_ =	swait.ge @!p0 [sflag:s0], s1  }
0xbe: {  	s1 =	ssub.s32 @!p0 $0x0, s1;
	[sflag:s0] =	ssyncset.done @!p0 $0x0  }
0xbf: {  	[sflag:s0] =	ssyncadd.s32 @!p0 s1  }
0xc0: {  	[bflag:$0x3] =	sbarrier.arrive $0xFFFF  }
0xc1: {  	_ =	shalt  }

// kernel: kernel.17.cloned.1.call-start
scs
__scs_entry_jumppad:
0x0: {  	(pc) =	sbr.rel $0x88, $3  }
0x1: {  	(tag) =	ssettag $0x0;
	lr =	simm.s32 $0x1  }
0x2: {  	[smem:$0x3F97] =	sst lr;
	_ =	strace $0xD0000000  }
0x3: {  	_ = 	snop  }
0x4: {  	_ = 	snop  }
0x5: {  	_ = 	snop  }
0x6: {  	_ = 	snop  }
0x7: {  	_ = 	snop  }
__scs_overlays_trampoline_lowered:
0x8: {  	[smem:$0x3FA6] =	sst s0  }
0x9: {  	[smem:$0x3FA7] =	sst s1  }
0xa: {  	[smem:$0x3FA8] =	sst s2  }
0xb: {  	[smem:$0x3FA9] =	sst s3  }
0xc: {  	[smem:$0x3FAA] =	sst s4  }
0xd: {  	[smem:$0x3FAB] =	sst s5  }
0xe: {  	[smem:$0x3FAC] =	sst s6  }
0xf: {  	[smem:$0x3FAD] =	sst s7  }
0x10: {  	[smem:$0x3FAE] =	sst s8  }
0x11: {  	[smem:$0x3FAF] =	sst s9;
	s0 =	simm.s32 @!p0 $0x0  }
0x12: {  	s1 =	sld [smem:$0x3F95];
	s0 =	simm.s32 @p0 $0x1  }
0x13: {  	[smem:$0x3FB0] =	sst s0;
	s0 =	simm.s32 @!p1 $0x0  }
0x14: {  	s2 =	sld [smem:$0x3F94];
	s0 =	simm.s32 @p1 $0x1  }
0x15: {  	[smem:$0x3FB1] =	sst s0;
	s0 =	simm.s32 @!p2 $0x0  }
0x16: {  	s3 =	sld [smem:$0x3FDB];
	s0 =	simm.s32 @p2 $0x1  }
0x17: {  	s4 =	simm.s32 $0x1BF5;
	[smem:$0x3FB3] =	sst s0  }
0x18: {  	s0 =	sld [smem:$0x3F96];
	_ =	swait.ge [sflag:s4], $0x0  }
0x19: {  	s7 =	sld [smem:$0x3F97]  }
0x1a: {  	s8 =	sadd.s32 $0xFFFFE003, lr  }
0x1b: {  	s9 =	sadd.s32 $0xFFFFFEF7, lr;
	s5 =	simm.s32 $0xFFFFFFFF;
	p2 =	slt.u32 s8, $0xFFFFF086  }
0x1c: {  	p1 =	slt.u32 s9, $0xF7A;
	s5 =	simm.s32 @!p2 $0x0  }
0x1d: {  	s5 =	simm.s32 @p1 $0x1;
	p0 =	seq.s32 s7, s2  }
0x1e: {  	s7 =	smul.u32 @!p0 $0xF7A, s2;
	p2 =	seq.s32 @!p0 s5, $0x0  }
0x1f: {  	s9 =	smul.u32 $0xF7A, s1;
	s8 =	simm.s32 @!p0 $0x1BF5;
	p2 =	por !p2, p0  }
0x20: {  	[sflag:s8] =	ssyncset.s32 @!p0 $0xFFFFF086;
	s6 =	sadd.s32 @!p0 s3, s7;
	s7 =	simm.s32 @!p0 $0x108  }
0x21: {  	s3 =	sadd.s32 s3, s9;
	s6 =	sadd.s32 @!p0 $0x88, s6;
	s7 =	simm.s32 @p2 $0x1082  }
0x22: {  	[simem:s7], [sflag:s8] =	dma.local @!p0 [hbm:s6], $0xF7A  }
0x23: {  	s9 =	sor.u32 $0xD0000000, s2;
	s6 =	simm.s32 $0x108;
	_ =	swait.ge @!p0 [sflag:s8], $0x0  }
0x24: {  	s3 =	sadd.s32 $0x88, s3;
	s6 =	simm.s32 @!p1 $0x1082;
	[sflag:s4] =	ssyncset.s32 $0xFFFFF086  }
0x25: {  	[simem:s6], [sflag:s4] =	dma.local [hbm:s3], $0xF7A  }
0x26: {  	[smem:$0x3F97] =	sst s1;
	(tag) =	ssettag s2;
	_ =	strace s9  }
0x27: {  	s1 =	sld [smem:$0x3FA7]  }
0x28: {  	s2 =	sld [smem:$0x3FA8]  }
0x29: {  	s4 =	sld [smem:$0x3FAA]  }
0x2a: {  	p0 =	seq.s32 s5, $0x0;
	s5 =	sld [smem:$0x3FAB]  }
0x2b: {  	s6 =	sld [smem:$0x3FAC]  }
0x2c: {  	s7 =	sld [smem:$0x3FAD]  }
0x2d: {  	s3 =	simm.s32 $0x108;
	s8 =	sld [smem:$0x3FAE]  }
0x2e: {  	s3 =	simm.s32 @!p0 $0x1082;
	s9 =	sld [smem:$0x3FAF]  }
0x2f: {  	lr =	sadd.s32 s0, s3;
	s0 =	sld [smem:$0x3FA6]  }
0x30: {  	s3 =	sld [smem:$0x3FA9]  }
0x31: {  	[smem:$0x3FB2] =	sst s10  }
0x32: {  	s10 =	sld [smem:$0x3FB0];
	_ =	sdelay $0x3  }
0x33: {  	p0 =	seq.s32 s10, $0x1;
	s10 =	sld [smem:$0x3FB2];
	_ =	sdelay $0x3  }
0x34: {  	[smem:$0x3FB2] =	sst s10  }
0x35: {  	s10 =	sld [smem:$0x3FB1];
	_ =	sdelay $0x3  }
0x36: {  	p1 =	seq.s32 s10, $0x1;
	s10 =	sld [smem:$0x3FB2];
	_ =	sdelay $0x3  }
0x37: {  	[smem:$0x3FB2] =	sst s10  }
0x38: {  	s10 =	sld [smem:$0x3FB3]  }
0x39: {  	_ = 	snop;
	(pc) =	sbr.ind lr, $3  }
0x3a: {  	_ = 	snop  }
0x3b: {  	_ = 	snop  }
0x3c: {  	p2 =	seq.s32 s10, $0x1;
	s10 =	sld [smem:$0x3FB2]  }
0x3d: {  	_ =	shalt  }
0x3e: {  	_ =	shalt  }
0x3f: {  	_ =	shalt  }
0x40: {  	_ =	shalt  }
0x41: {  	_ =	shalt  }
0x42: {  	_ =	shalt  }
0x43: {  	_ =	shalt  }
0x44: {  	_ =	shalt  }
0x45: {  	_ =	shalt  }
0x46: {  	_ =	shalt  }
0x47: {  	_ =	shalt  }
0x48: {  	_ =	shalt  }
0x49: {  	_ =	shalt  }
0x4a: {  	_ =	shalt  }
0x4b: {  	_ =	shalt  }
0x4c: {  	_ =	shalt  }
0x4d: {  	_ =	shalt  }
0x4e: {  	_ =	shalt  }
0x4f: {  	_ =	shalt  }
0x50: {  	_ =	shalt  }
0x51: {  	_ =	shalt  }
0x52: {  	_ =	shalt  }
0x53: {  	_ =	shalt  }
0x54: {  	_ =	shalt  }
0x55: {  	_ =	shalt  }
0x56: {  	_ =	shalt  }
0x57: {  	_ =	shalt  }
0x58: {  	_ =	shalt  }
0x59: {  	_ =	shalt  }
0x5a: {  	_ =	shalt  }
0x5b: {  	_ =	shalt  }
0x5c: {  	_ =	shalt  }
0x5d: {  	_ =	shalt  }
0x5e: {  	_ =	shalt  }
0x5f: {  	_ =	shalt  }
0x60: {  	_ =	shalt  }
0x61: {  	_ =	shalt  }
0x62: {  	_ =	shalt  }
0x63: {  	_ =	shalt  }
0x64: {  	_ =	shalt  }
0x65: {  	_ =	shalt  }
0x66: {  	_ =	shalt  }
0x67: {  	_ =	shalt  }
0x68: {  	_ =	shalt  }
0x69: {  	_ =	shalt  }
0x6a: {  	_ =	shalt  }
0x6b: {  	_ =	shalt  }
0x6c: {  	_ =	shalt  }
0x6d: {  	_ =	shalt  }
0x6e: {  	_ =	shalt  }
0x6f: {  	_ =	shalt  }
0x70: {  	_ =	shalt  }
0x71: {  	_ =	shalt  }
0x72: {  	_ =	shalt  }
0x73: {  	_ =	shalt  }
0x74: {  	_ =	shalt  }
0x75: {  	_ =	shalt  }
0x76: {  	_ =	shalt  }
0x77: {  	_ =	shalt  }
0x78: {  	_ =	shalt  }
0x79: {  	_ =	shalt  }
0x7a: {  	_ =	shalt  }
0x7b: {  	_ =	shalt  }
0x7c: {  	_ =	shalt  }
0x7d: {  	_ =	shalt  }
0x7e: {  	_ =	shalt  }
0x7f: {  	_ =	shalt  }
0x80: {  	_ =	shalt  }
0x81: {  	_ =	shalt  }
0x82: {  	_ =	shalt  }
0x83: {  	_ =	shalt  }
0x84: {  	_ =	shalt  }
0x85: {  	_ =	shalt  }
0x86: {  	_ =	shalt  }
0x87: {  	_ =	shalt  }
.Lfunc_end0:
.L_simem_size_0:
called_computation.2_lowered:
.L_overlay_start_0:
0x88: {  	s2 =	sld [smem:$0x3FD9]  }
0x89: {  	s3 =	sld [smem:$0x3FFE];
	_ =	sdelay $0x1  }
0x8a: {  	s1 =	srdreg.scid  }
0x8b: {  	s0 =	sand.u32 $0x1, s1  }
0x8c: {  	s17 =	sshll.u32 s0, $0xA;
	s2 =	sadd.s32 s3, s2  }
0x8d: {  	s2 =	sadd.s32 s2, s17  }
0x8e: {  	[smem:$0x3FBE] =	sst s2  }
0x8f: {  	_ = 	snop  }
0x90: {  	s2 =	sld [smem:$0x3FD0];
	(tm) =	ssettm $0x1  }
0x91: {  	s18 =	sld [smem:$0x3FFB];
	_ =	sdelay $0x3  }
0x92: {  	_ =	strace s18  }
0x93: {  	s3 =	sld [smem:$0x3FFC];
	_ =	sdelay $0x3  }
0x94: {  	_ =	strace s3  }
0x95: {  	s3 =	sld [smem:$0x3FFD];
	_ =	sdelay $0x3  }
0x96: {  	_ =	strace s3  }
0x97: {  	_ =	strace $0x8FFFFFFF  }
0x98: {  	s19 =	sld [smem:$0x3FDB];
	_ =	sdelay $0x1  }
0x99: {  	s4 =	simm.s32 $_scs_section_size  }
0x9a: {  	s5 =	simm.s32 $_size__tile_overlayer_lowered;
	s6 =	simm.s32 $_tile_overlayer_lowered  }
0x9b: {  	s22 =	simm.s32 $0x1BFF;
	s21 =	sshll.u32 s6, $0x1;
	s3 =	sadd.s32 s4, s19  }
0x9c: {  	s7 =	simm.s32 $0x0;
	s20 =	sshll.u32 s5, $0x1;
	s5 =	sadd.s32 s21, s3  }
0x9d: {  	[timem:s7], [sflag:s22] =	dma.local [hbm:s5], s20  }
0x9e: {  	_ =	swait.ge [sflag:s22], s20  }
0x9f: {  	s4 =	ssub.s32 $0x0, s20;
	[sflag:s22] =	ssyncset.done $0x0  }
0xa0: {  	[sflag:s22] =	ssyncadd.s32 s4;
	_ =	sdelay $0x1  }
0xa1: {  	s23 =	simm.s32 $0x1B8B  }
0xa2: {  	_ =	swait.ge [sflag:s23], $0x1  }
0xa3: {  	[sflag:s23] =	ssyncset.done $0x0  }
0xa4: {  	s25 =	simm.s32 $0x1B8E;
	s24 =	sld [smem:$0x3FFE];
	[sflag:s23] =	ssyncadd.s32 $0xFFFFFFFF  }
0xa5: {  	s26 =	simm.s32 $execute0_lowered;
	[smem:$0x3FD2] =	sst s25  }
0xa6: {  	s5 =	sshll.u32 s26, $0x1;
	_ =	strace $0x8000004C;
	[dreg:$0x1] =	wrdreg $0xFFFFFFFF  }
0xa7: {  	s28 =	simm.s32 $_size_execute0_lowered;
	s3 =	sadd.s32 s3, s5;
	[dreg:$0x0] =	wrdreg $0x0  }
0xa8: {  	s5 =	sshll.u32 s28, $0x1;
	[dreg:$0x2] =	wrdreg s3  }
0xa9: {  	[dreg:$0x3] =	wrdreg s5  }
0xaa: {  	[dreg:$0x4] =	wrdreg $0xC0  }
0xab: {  	_ =	task [dreg:s7], $0x5FFFF  }
0xac: {  	[dreg:$0x1] =	wrdreg $0xFFFFFFFF  }
0xad: {  	[dreg:$0x0] =	wrdreg $0x60  }
0xae: {  	[dreg:$0x2] =	wrdreg s2  }
0xaf: {  	[dreg:$0x3] =	wrdreg s24  }
0xb0: {  	[dreg:$0x4] =	wrdreg $0xA8000  }
0xb1: {  	[dreg:$0x5] =	wrdreg $0x9  }
0xb2: {  	_ =	task.clear_ibuf [dreg:s7], $0x6FFFF;
	_ =	strace $0x9000004C  }
0xb3: {  	s29 =	simm.s32 $0x9;
	_ =	strace $0x8000004E  }
0xb4: {  	_ =	swait.ge [sflag:s29], $0x1  }
0xb5: {  	[sflag:s29] =	ssyncadd.s32 $0xFFFFFFFF  }
0xb6: {  	_ =	strace $0x9000004E  }
0xb7: {  	_ =	sfence  }
0xb8: {  	s30 =	sld [smem:$0x0];
	_ =	sdelay $0x2  }
0xb9: {  	s31 =	sshll.u32 s1, $0xD;
	s1 =	sshrl.u32 s1, $0x2  }
0xba: {  	s3 =	sand.u32 $0x4000, s31;
	s1 =	sadd.s32 s1, s30  }
0xbb: {  	s0 =	sor.u32 s3, s0;
	s1 =	sshll.u32 s1, $0x11  }
0xbc: {  	s0 =	sor.u32 s1, s0  }
0xbd: {  	s0 =	sadd.s32 $0x8F2B, s0  }
0xbe: {  	[sflag:s0] =	ssyncadd.remote.s32 $0x1  }
0xbf: {  	_ =	sfence.sel $0xFFFF  }
0xc0: {  	[dreg:$0x0] =	wrdreg $0xFFFFFFFF;
	(pc) =	sbr.abs _section_cstart, $3  }
0xc1: {  	[dreg:$0x1] =	wrdreg $0xFFFFFFFF  }
0xc2: {  	_ =	task.clear_ibuf [dreg:s7], $0x2FFFF;
	_ =	strace $0x9FFFFFFF  }
0xc3: {  	(tm) =	ssettm $0x7FFFFFFF  }
tec
execute0_lowered:
.L_overlay_start_1:
0x0: {  	(tag) =	ssettag $0x1  }
0x1: {  	s1 =	rddreg [dreg:$0x0]  }
0x2: {  	s6 =	rddreg [dreg:$0x1]  }
0x3: {  	s2 =	rddreg [dreg:$0x2]  }
0x4: {  	s3 =	srdreg.scid;
	s0 =	rddreg [dreg:$0x3]  }
0x5: {  	s4 =	simm.s32 $0x0;
	s16 =	simm.s32 $0x80;
	s17 =	simm.s32 $0x2800  }
0x6: {  	s18 =	simm.s32 $0x6800;
	s19 =	simm.s32 $0x1;
	s20 =	simm.s32 $0x2  }
0x7: {  	s21 =	simm.s32 $0x1380;
	s22 =	simm.s32 $0x2700;
	s23 =	simm.s32 $0x2780  }
0x8: {  	s7 =	sand.u32 $0x1, s3;
	s3 =	stileid.u32;
	[smem:$0x7FF] =	sst s4  }
0x9: {  	s10 =	sadd.s32 $0x4E00, s6;
	s11 =	sadd.s32 $0xEE00, s6;
	s8 =	smul.u32 $0x13C000, s7  }
0xa: {  	s5 =	sadd.s32 $0x68E00, s6;
	s9 =	smul.u32 $0x13C00, s3;
	_ =	strace $0x8000004D  }
0xb: {  	s24 =	sshll.u32 s7, $0x4;
	s7 =	ssub.s32 $0x2, s7;
	s12 =	smul.u32 $0x4F000, s3  }
0xc: {  	s26 =	sshll.u32 s3, $0x6;
	s13 =	sshrl.u32 s7, $0x1;
	s8 =	sadd.s32 s9, s8  }
0xd: {  	s9 =	sor.u32 s3, s24;
	s13 =	ssub.s32 s7, s13;
	s25 =	sshrl.u32 s12, $0x2  }
0xe: {  	s24 =	simm.s32 $0x0;
	s8 =	sshrl.u32 s8, $0x3;
	s14 =	smul.u32 $0x2800, s9  }
0xf: {  	s28 =	smul.u32 $0x500, s9;
	s30 =	sadd.s32 s25, s2;
	s12 =	smax.u32 s13, $0x1  }
0x10: {  	s15 =	sadd.s32 s8, s6;
	s6 =	sor.u32 $0x1C03, s26;
	s29 =	sshrl.u32 s14, $0x3  }
0x11: {  	s13 =	sshrl.u32 s30, $0x3;
	s7 =	sadd.s32 s10, s28;
	s31 =	sadd.s32 $0x280, s29  }
0x12: {  	s8 =	sadd.s32 s11, s28;
	s14 =	simm.s32 $0x3;
	s9 =	sadd.s32 s10, s31  }
0x13: {  	s10 =	sadd.s32 s11, s31;
	s11 =	sadd.s32 $0x6B600, s15;
	s15 =	simm.s32 $0x1400  }
.LBB2_1:
0x14: {  	[spmem:s13], [sflag:s6] =	dma.local [hbm:s5], $0x2780  }
0x15: {  	_ =	swait.ge [sflag:s14], $0x2780  }
0x16: {  	[sflag:s14] =	ssyncset.done $0x0  }
0x17: {  	[sflag:s14] =	ssyncadd.s32 $0xFFFFD880  }
0x18: {  	[bflag:$0x0] =	sbarrier.arrive $0xFFFF  }
0x19: {  	[tilespmem:s4], [sflag:$0x3] =	stream.linear.gather [hbm4b:s7+s4], $0x1400, $0x38;
	[tilespmem:$0x1E400] =	vst v63  }
0x1a: {  	_ =	swait.ge [sflag:s14], $0x1400  }
0x1b: {  	[sflag:s14] =	ssyncset.done $0x0  }
0x1c: {  	[sflag:s14] =	ssyncadd.s32 $0xFFFFEC00  }
0x1d: {  	[tilespmem:s15], [sflag:$0x3] =	stream.linear.gather [hbm4b:s8+s4], $0x1400, $0x38;
	[tilespmem:$0x1E400] =	vst v63  }
0x1e: {  	_ =	swait.ge [sflag:s14], $0x1400  }
0x1f: {  	[sflag:s14] =	ssyncset.done $0x0  }
0x20: {  	[sflag:s14] =	ssyncadd.s32 $0xFFFFEC00  }
0x21: {  	[tilespmem:s17], [sflag:$0x1] =	stream.indirect.gather [hbm4b:s1+s16], $0x80, s4, s16, $0xb8;
	[tilespmem:$0x1E400] =	vst v63  }
0x22: {  	s25 =	simm.s32 $0x80  }
0x23: {  	[tilespmem:s18], [sflag:$0x2] =	stream.indirect.gather [hbm4b:s1+s16], $0x80, s25, s16, $0xb8;
	[tilespmem:$0x1E400] =	vst v63  }
0x24: {  	_ =	swait.ge [sflag:s19], $0x4000  }
0x25: {  	[sflag:s19] =	ssyncset.done $0x0  }
0x26: {  	s29 =	simm.s32 $0x1400;
	[sflag:s19] =	ssyncadd.s32 $0xFFFFC000  }
0x27: {  	[spmem:s2] =	stream.indirect.scatter.add.f32 [tilespmem:s17], [sflag:$0x3], $0x80, s29, s16, $0xb8;
	[tilespmem:$0x1E400] =	vst v63  }
0x28: {  	_ =	swait.ge [sflag:s14], $0x4000  }
0x29: {  	[sflag:s14] =	ssyncset.done $0x0  }
0x2a: {  	s30 =	simm.s32 $0x100;
	[sflag:s14] =	ssyncadd.s32 $0xFFFFC000  }
0x2b: {  	[tilespmem:s17], [sflag:$0x1] =	stream.indirect.gather [hbm4b:s1+s16], $0x80, s30, s16, $0xb8;
	[tilespmem:$0x1E400] =	vst v63  }
0x2c: {  	_ =	swait.ge [sflag:s20], $0x4000  }
0x2d: {  	[sflag:s20] =	ssyncset.done $0x0  }
0x2e: {  	s31 =	simm.s32 $0x1480;
	[sflag:s20] =	ssyncadd.s32 $0xFFFFC000  }
0x2f: {  	[spmem:s2] =	stream.indirect.scatter.add.f32 [tilespmem:s18], [sflag:$0x3], $0x80, s31, s16, $0xb8;
	[tilespmem:$0x1E400] =	vst v63  }
0x30: {  	_ =	swait.ge [sflag:s14], $0x4000  }
0x31: {  	s26 =	simm.s32 $0x800;
	s25 =	simm.s32 $0x100;
	[sflag:s14] =	ssyncset.done $0x0  }
.LBB2_2:
0x32: {  	s28 =	sadd.s32 $0x80, s25  }
0x33: {  	[sflag:s14] =	ssyncadd.s32 $0xFFFFC000;
	s29 =	smov.u32 s26;
	s30 =	sadd.s32 $0x400, s26  }
0x34: {  	[tilespmem:s18], [sflag:$0x2] =	stream.indirect.gather [hbm4b:s1+s16], $0x80, s28, s16, $0xb8;
	[tilespmem:$0x1E400] =	vst v63  }
0x35: {  	p0 =	sne.s32 s26, $0x4800;
	_ =	swait.ge [sflag:s19], $0x4000  }
0x36: {  	[sflag:s19] =	ssyncset.done $0x0  }
0x37: {  	s26 =	sadd.s32 $0x1400, s25;
	[sflag:s19] =	ssyncadd.s32 $0xFFFFC000  }
0x38: {  	[spmem:s2] =	stream.indirect.scatter.add.f32 [tilespmem:s17], [sflag:$0x3], $0x80, s26, s16, $0xb8;
	[tilespmem:$0x1E400] =	vst v63  }
0x39: {  	_ =	swait.ge [sflag:s14], $0x4000  }
0x3a: {  	[sflag:s14] =	ssyncset.done $0x0  }
0x3b: {  	s26 =	sadd.s32 $0x100, s25;
	[sflag:s14] =	ssyncadd.s32 $0xFFFFC000  }
0x3c: {  	[tilespmem:s17], [sflag:$0x1] =	stream.indirect.gather [hbm4b:s1+s16], $0x80, s26, s16, $0xb8;
	[tilespmem:$0x1E400] =	vst v63  }
0x3d: {  	_ =	swait.ge [sflag:s20], $0x4000  }
.Ltmp0:
0x3e: {  	[sflag:s20] =	ssyncset.done $0x0;
	(pc) =	sbr.rel @p0 .LBB2_2-.Ltmp0, $4  }
0x3f: {  	s25 =	sadd.s32 $0x1480, s25;
	[sflag:s20] =	ssyncadd.s32 $0xFFFFC000  }
0x40: {  	[spmem:s2] =	stream.indirect.scatter.add.f32 [tilespmem:s18], [sflag:$0x3], $0x80, s25, s16, $0xb8;
	[tilespmem:$0x1E400] =	vst v63  }
0x41: {  	_ =	swait.ge [sflag:s14], $0x4000  }
0x42: {  	s26 =	smov.u32 s30;
	s25 =	sshra.s32 s29, $0x2;
	[sflag:s14] =	ssyncset.done $0x0  }
0x43: {  	s26 =	sadd.s32 $0x80, s25;
	[sflag:s14] =	ssyncadd.s32 $0xFFFFC000  }
0x44: {  	[tilespmem:s18], [sflag:$0x2] =	stream.indirect.gather [hbm4b:s1+s16], $0x80, s26, s16, $0xb8;
	[tilespmem:$0x1E400] =	vst v63  }
0x45: {  	_ =	swait.ge [sflag:s19], $0x4000  }
0x46: {  	[sflag:s19] =	ssyncset.done $0x0  }
0x47: {  	s29 =	sadd.s32 $0x1400, s25;
	[sflag:s19] =	ssyncadd.s32 $0xFFFFC000  }
0x48: {  	[spmem:s2] =	stream.indirect.scatter.add.f32 [tilespmem:s17], [sflag:$0x3], $0x80, s29, s16, $0xb8;
	[tilespmem:$0x1E400] =	vst v63  }
0x49: {  	_ =	swait.ge [sflag:s14], $0x4000  }
0x4a: {  	[sflag:s14] =	ssyncset.done $0x0  }
0x4b: {  	s30 =	sadd.s32 $0x100, s25;
	[sflag:s14] =	ssyncadd.s32 $0xFFFFC000  }
0x4c: {  	[tilespmem:s17], [sflag:$0x1] =	stream.indirect.gather [hbm4b:s1+s16], $0x80, s30, s16, $0xb8;
	[tilespmem:$0x1E400] =	vst v63  }
0x4d: {  	_ =	swait.ge [sflag:s20], $0x4000  }
0x4e: {  	[sflag:s20] =	ssyncset.done $0x0  }
0x4f: {  	s31 =	sadd.s32 $0x1480, s25;
	[sflag:s20] =	ssyncadd.s32 $0xFFFFC000  }
0x50: {  	[spmem:s2] =	stream.indirect.scatter.add.f32 [tilespmem:s18], [sflag:$0x3], $0x80, s31, s16, $0xb8;
	[tilespmem:$0x1E400] =	vst v63  }
0x51: {  	_ =	swait.ge [sflag:s14], $0x4000  }
0x52: {  	[sflag:s14] =	ssyncset.done $0x0  }
0x53: {  	[sflag:s14] =	ssyncadd.s32 $0xFFFFC000  }
0x54: {  	[tilespmem:s18], [sflag:$0x2] =	stream.indirect.gather [hbm4b:s1+s16], $0x80, s21, s16, $0xb8;
	[tilespmem:$0x1E400] =	vst v63  }
0x55: {  	_ =	swait.ge [sflag:s19], $0x4000  }
0x56: {  	[sflag:s19] =	ssyncset.done $0x0  }
0x57: {  	[sflag:s19] =	ssyncadd.s32 $0xFFFFC000  }
0x58: {  	[spmem:s2] =	stream.indirect.scatter.add.f32 [tilespmem:s17], [sflag:$0x3], $0x80, s22, s16, $0xb8;
	[tilespmem:$0x1E400] =	vst v63  }
0x59: {  	_ =	swait.ge [sflag:s14], $0x4000  }
0x5a: {  	[sflag:s14] =	ssyncset.done $0x0  }
0x5b: {  	[sflag:s14] =	ssyncadd.s32 $0xFFFFC000  }
0x5c: {  	_ =	swait.ge [sflag:s20], $0x4000  }
0x5d: {  	[sflag:s20] =	ssyncset.done $0x0  }
0x5e: {  	[sflag:s20] =	ssyncadd.s32 $0xFFFFC000  }
0x5f: {  	[spmem:s2] =	stream.indirect.scatter.add.f32 [tilespmem:s18], [sflag:$0x3], $0x80, s23, s16, $0xb8;
	[tilespmem:$0x1E400] =	vst v63  }
0x60: {  	_ =	swait.ge [sflag:s14], $0x4000  }
0x61: {  	[sflag:s14] =	ssyncset.done $0x0  }
0x62: {  	s26 =	simm.s32 $0x0;
	[sflag:s14] =	ssyncadd.s32 $0xFFFFC000  }
0x63: {  	[tilespmem:s26], [sflag:$0x3] =	stream.linear.gather [hbm4b:s9+s26], $0x1400, $0x38;
	[tilespmem:$0x1E400] =	vst v63  }
0x64: {  	_ =	swait.ge [sflag:s14], $0x1400  }
0x65: {  	[sflag:s14] =	ssyncset.done $0x0  }
0x66: {  	[sflag:s14] =	ssyncadd.s32 $0xFFFFEC00  }
0x67: {  	[tilespmem:s15], [sflag:$0x3] =	stream.linear.gather [hbm4b:s10+s26], $0x1400, $0x38;
	[tilespmem:$0x1E400] =	vst v63  }
0x68: {  	_ =	swait.ge [sflag:s14], $0x1400  }
0x69: {  	[sflag:s14] =	ssyncset.done $0x0  }
0x6a: {  	[sflag:s14] =	ssyncadd.s32 $0xFFFFEC00  }
0x6b: {  	[tilespmem:s17], [sflag:$0x1] =	stream.indirect.gather [hbm4b:s1+s16], $0x80, s26, s16, $0xb8;
	[tilespmem:$0x1E400] =	vst v63  }
0x6c: {  	s28 =	simm.s32 $0x80  }
0x6d: {  	[tilespmem:s18], [sflag:$0x2] =	stream.indirect.gather [hbm4b:s1+s16], $0x80, s28, s16, $0xb8;
	[tilespmem:$0x1E400] =	vst v63  }
0x6e: {  	_ =	swait.ge [sflag:s19], $0x4000  }
0x6f: {  	[sflag:s19] =	ssyncset.done $0x0  }
0x70: {  	s29 =	simm.s32 $0x1400;
	[sflag:s19] =	ssyncadd.s32 $0xFFFFC000  }
0x71: {  	[spmem:s2] =	stream.indirect.scatter.add.f32 [tilespmem:s17], [sflag:$0x3], $0x80, s29, s16, $0xb8;
	[tilespmem:$0x1E400] =	vst v63  }
0x72: {  	_ =	swait.ge [sflag:s14], $0x4000  }
0x73: {  	[sflag:s14] =	ssyncset.done $0x0  }
0x74: {  	s30 =	simm.s32 $0x100;
	[sflag:s14] =	ssyncadd.s32 $0xFFFFC000  }
0x75: {  	[tilespmem:s17], [sflag:$0x1] =	stream.indirect.gather [hbm4b:s1+s16], $0x80, s30, s16, $0xb8;
	[tilespmem:$0x1E400] =	vst v63  }
0x76: {  	_ =	swait.ge [sflag:s20], $0x4000  }
0x77: {  	[sflag:s20] =	ssyncset.done $0x0  }
0x78: {  	s31 =	simm.s32 $0x1480;
	[sflag:s20] =	ssyncadd.s32 $0xFFFFC000  }
0x79: {  	[spmem:s2] =	stream.indirect.scatter.add.f32 [tilespmem:s18], [sflag:$0x3], $0x80, s31, s16, $0xb8;
	[tilespmem:$0x1E400] =	vst v63  }
0x7a: {  	_ =	swait.ge [sflag:s14], $0x4000  }
0x7b: {  	s25 =	simm.s32 $0x100;
	s26 =	simm.s32 $0x800;
	[sflag:s14] =	ssyncset.done $0x0  }
.LBB2_4:
0x7c: {  	s28 =	sadd.s32 $0x80, s25  }
0x7d: {  	[sflag:s14] =	ssyncadd.s32 $0xFFFFC000;
	s29 =	smov.u32 s26;
	s30 =	sadd.s32 $0x400, s26  }
0x7e: {  	[tilespmem:s18], [sflag:$0x2] =	stream.indirect.gather [hbm4b:s1+s16], $0x80, s28, s16, $0xb8;
	[tilespmem:$0x1E400] =	vst v63  }
0x7f: {  	p0 =	sne.s32 s26, $0x4800;
	_ =	swait.ge [sflag:s19], $0x4000  }
0x80: {  	[sflag:s19] =	ssyncset.done $0x0  }
0x81: {  	s26 =	sadd.s32 $0x1400, s25;
	[sflag:s19] =	ssyncadd.s32 $0xFFFFC000  }
0x82: {  	[spmem:s2] =	stream.indirect.scatter.add.f32 [tilespmem:s17], [sflag:$0x3], $0x80, s26, s16, $0xb8;
	[tilespmem:$0x1E400] =	vst v63  }
0x83: {  	_ =	swait.ge [sflag:s14], $0x4000  }
0x84: {  	[sflag:s14] =	ssyncset.done $0x0  }
0x85: {  	s26 =	sadd.s32 $0x100, s25;
	[sflag:s14] =	ssyncadd.s32 $0xFFFFC000  }
0x86: {  	[tilespmem:s17], [sflag:$0x1] =	stream.indirect.gather [hbm4b:s1+s16], $0x80, s26, s16, $0xb8;
	[tilespmem:$0x1E400] =	vst v63  }
0x87: {  	_ =	swait.ge [sflag:s20], $0x4000  }
.Ltmp1:
0x88: {  	[sflag:s20] =	ssyncset.done $0x0;
	(pc) =	sbr.rel @p0 .LBB2_4-.Ltmp1, $4  }
0x89: {  	s25 =	sadd.s32 $0x1480, s25;
	[sflag:s20] =	ssyncadd.s32 $0xFFFFC000  }
0x8a: {  	[spmem:s2] =	stream.indirect.scatter.add.f32 [tilespmem:s18], [sflag:$0x3], $0x80, s25, s16, $0xb8;
	[tilespmem:$0x1E400] =	vst v63  }
0x8b: {  	_ =	swait.ge [sflag:s14], $0x4000  }
0x8c: {  	s26 =	smov.u32 s30;
	s25 =	sshra.s32 s29, $0x2;
	[sflag:s14] =	ssyncset.done $0x0  }
0x8d: {  	s26 =	sadd.s32 $0x80, s25;
	[sflag:s14] =	ssyncadd.s32 $0xFFFFC000  }
0x8e: {  	[tilespmem:s18], [sflag:$0x2] =	stream.indirect.gather [hbm4b:s1+s16], $0x80, s26, s16, $0xb8;
	[tilespmem:$0x1E400] =	vst v63  }
0x8f: {  	_ =	swait.ge [sflag:s19], $0x4000  }
0x90: {  	[sflag:s19] =	ssyncset.done $0x0  }
0x91: {  	s29 =	sadd.s32 $0x1400, s25;
	[sflag:s19] =	ssyncadd.s32 $0xFFFFC000  }
0x92: {  	[spmem:s2] =	stream.indirect.scatter.add.f32 [tilespmem:s17], [sflag:$0x3], $0x80, s29, s16, $0xb8;
	[tilespmem:$0x1E400] =	vst v63  }
0x93: {  	_ =	swait.ge [sflag:s14], $0x4000  }
0x94: {  	[sflag:s14] =	ssyncset.done $0x0  }
0x95: {  	s30 =	sadd.s32 $0x100, s25;
	[sflag:s14] =	ssyncadd.s32 $0xFFFFC000  }
0x96: {  	[tilespmem:s17], [sflag:$0x1] =	stream.indirect.gather [hbm4b:s1+s16], $0x80, s30, s16, $0xb8;
	[tilespmem:$0x1E400] =	vst v63  }
0x97: {  	_ =	swait.ge [sflag:s20], $0x4000  }
0x98: {  	[sflag:s20] =	ssyncset.done $0x0  }
0x99: {  	s31 =	sadd.s32 $0x1480, s25;
	[sflag:s20] =	ssyncadd.s32 $0xFFFFC000  }
0x9a: {  	[spmem:s2] =	stream.indirect.scatter.add.f32 [tilespmem:s18], [sflag:$0x3], $0x80, s31, s16, $0xb8;
	[tilespmem:$0x1E400] =	vst v63  }
0x9b: {  	_ =	swait.ge [sflag:s14], $0x4000  }
0x9c: {  	[sflag:s14] =	ssyncset.done $0x0  }
0x9d: {  	[sflag:s14] =	ssyncadd.s32 $0xFFFFC000  }
0x9e: {  	[tilespmem:s18], [sflag:$0x2] =	stream.indirect.gather [hbm4b:s1+s16], $0x80, s21, s16, $0xb8;
	[tilespmem:$0x1E400] =	vst v63  }
0x9f: {  	_ =	swait.ge [sflag:s19], $0x4000  }
0xa0: {  	[sflag:s19] =	ssyncset.done $0x0  }
0xa1: {  	[sflag:s19] =	ssyncadd.s32 $0xFFFFC000  }
0xa2: {  	[spmem:s2] =	stream.indirect.scatter.add.f32 [tilespmem:s17], [sflag:$0x3], $0x80, s22, s16, $0xb8;
	[tilespmem:$0x1E400] =	vst v63  }
0xa3: {  	_ =	swait.ge [sflag:s14], $0x4000  }
0xa4: {  	[sflag:s14] =	ssyncset.done $0x0  }
0xa5: {  	[sflag:s14] =	ssyncadd.s32 $0xFFFFC000  }
0xa6: {  	_ =	swait.ge [sflag:s20], $0x4000  }
0xa7: {  	[sflag:s20] =	ssyncset.done $0x0  }
0xa8: {  	[sflag:s20] =	ssyncadd.s32 $0xFFFFC000  }
0xa9: {  	[spmem:s2] =	stream.indirect.scatter.add.f32 [tilespmem:s18], [sflag:$0x3], $0x80, s23, s16, $0xb8;
	[tilespmem:$0x1E400] =	vst v63  }
0xaa: {  	_ =	swait.ge [sflag:s14], $0x4000  }
0xab: {  	s24 =	sadd.s32 $0x1, s24;
	[sflag:s14] =	ssyncset.done $0x0  }
0xac: {  	p0 =	sne.s32 s24, s12;
	[sflag:s14] =	ssyncadd.s32 $0xFFFFC000  }
.Ltmp2:
0xad: {  	[bflag:$0x0] =	sbarrier.arrive $0xFFFF;
	(pc) =	sbr.rel @p0 .LBB2_1-.Ltmp2, $4  }
0xae: {  	[hbm:s11], [sflag:s6] =	dma.local [spmem:s13], $0x2780  }
0xaf: {  	_ =	swait.ge [sflag:s14], $0x2780  }
0xb0: {  	[sflag:s14] =	ssyncset.done $0x0  }
0xb1: {  	[sflag:s14] =	ssyncadd.s32 $0xFFFFD880  }
0xb2: {  	_ =	sfence.sel $0x180000  }
0xb3: {  	[bflag:$0x0] =	sbarrier.arrive $0xFFFF  }
0xb4: {  	p0 =	sne.s32 s3, $0x0;
	_ =	strace $0x9000004D  }
0xb5: {  	s0 =	sadd.s32 @!p0 $0x100000, s0;
	[bflag:$0x2] =	sbarrier.arrive $0xFFFF  }
0xb6: {  	[sflag:s0] =	ssyncadd.tile.s32 @!p0 $0x1;
	_ =	shalt  }
.Lfunc_end2:
_tile_overlayer_lowered:
.L_overlay_start_2:
0xb7: {  	(tag) =	ssettag $0x2  }
0xb8: {  	s0 =	rddreg [dreg:$0x0];
	s2 =	stileid.u32  }
0xb9: {  	s1 =	rddreg [dreg:$0x1];
	p0 =	sne.s32 s2, $0x0  }
0xba: {  	s3 =	rddreg [dreg:$0x2];
	[bflag:$0x3] =	sbarrier.arrive $0xFFFF;
	s2 =	simm.s32 @!p0 $0x1C03  }
0xbb: {  	[timem:s3], [sflag:s2] =	dma.local @!p0 [hbm:s0], s1  }
0xbc: {  	s0 =	simm.s32 @!p0 $0x3  }
0xbd: {  	_ =	swait.ge @!p0 [sflag:s0], s1  }
0xbe: {  	s1 =	ssub.s32 @!p0 $0x0, s1;
	[sflag:s0] =	ssyncset.done @!p0 $0x0  }
0xbf: {  	[sflag:s0] =	ssyncadd.s32 @!p0 s1  }
0xc0: {  	[bflag:$0x3] =	sbarrier.arrive $0xFFFF  }
0xc1: {  	_ =	shalt  }

// kernel: kernel.20.cloned.1.call-start
scs
__scs_entry_jumppad:
0x0: {  	(pc) =	sbr.rel $0x88, $3  }
0x1: {  	(tag) =	ssettag $0x0;
	lr =	simm.s32 $0x1  }
0x2: {  	[smem:$0x3F97] =	sst lr;
	_ =	strace $0xD0000000  }
0x3: {  	_ = 	snop  }
0x4: {  	_ = 	snop  }
0x5: {  	_ = 	snop  }
0x6: {  	_ = 	snop  }
0x7: {  	_ = 	snop  }
__scs_overlays_trampoline_lowered:
0x8: {  	[smem:$0x3FA6] =	sst s0  }
0x9: {  	[smem:$0x3FA7] =	sst s1  }
0xa: {  	[smem:$0x3FA8] =	sst s2  }
0xb: {  	[smem:$0x3FA9] =	sst s3  }
0xc: {  	[smem:$0x3FAA] =	sst s4  }
0xd: {  	[smem:$0x3FAB] =	sst s5  }
0xe: {  	[smem:$0x3FAC] =	sst s6  }
0xf: {  	[smem:$0x3FAD] =	sst s7  }
0x10: {  	[smem:$0x3FAE] =	sst s8  }
0x11: {  	[smem:$0x3FAF] =	sst s9;
	s0 =	simm.s32 @!p0 $0x0  }
0x12: {  	s1 =	sld [smem:$0x3F95];
	s0 =	simm.s32 @p0 $0x1  }
0x13: {  	[smem:$0x3FB0] =	sst s0;
	s0 =	simm.s32 @!p1 $0x0  }
0x14: {  	s2 =	sld [smem:$0x3F94];
	s0 =	simm.s32 @p1 $0x1  }
0x15: {  	[smem:$0x3FB1] =	sst s0;
	s0 =	simm.s32 @!p2 $0x0  }
0x16: {  	s3 =	sld [smem:$0x3FDB];
	s0 =	simm.s32 @p2 $0x1  }
0x17: {  	s4 =	simm.s32 $0x1BF5;
	[smem:$0x3FB3] =	sst s0  }
0x18: {  	s0 =	sld [smem:$0x3F96];
	_ =	swait.ge [sflag:s4], $0x0  }
0x19: {  	s7 =	sld [smem:$0x3F97]  }
0x1a: {  	s8 =	sadd.s32 $0xFFFFE003, lr  }
0x1b: {  	s9 =	sadd.s32 $0xFFFFFEF7, lr;
	s5 =	simm.s32 $0xFFFFFFFF;
	p2 =	slt.u32 s8, $0xFFFFF086  }
0x1c: {  	p1 =	slt.u32 s9, $0xF7A;
	s5 =	simm.s32 @!p2 $0x0  }
0x1d: {  	s5 =	simm.s32 @p1 $0x1;
	p0 =	seq.s32 s7, s2  }
0x1e: {  	s7 =	smul.u32 @!p0 $0xF7A, s2;
	p2 =	seq.s32 @!p0 s5, $0x0  }
0x1f: {  	s9 =	smul.u32 $0xF7A, s1;
	s8 =	simm.s32 @!p0 $0x1BF5;
	p2 =	por !p2, p0  }
0x20: {  	[sflag:s8] =	ssyncset.s32 @!p0 $0xFFFFF086;
	s6 =	sadd.s32 @!p0 s3, s7;
	s7 =	simm.s32 @!p0 $0x108  }
0x21: {  	s3 =	sadd.s32 s3, s9;
	s6 =	sadd.s32 @!p0 $0x88, s6;
	s7 =	simm.s32 @p2 $0x1082  }
0x22: {  	[simem:s7], [sflag:s8] =	dma.local @!p0 [hbm:s6], $0xF7A  }
0x23: {  	s9 =	sor.u32 $0xD0000000, s2;
	s6 =	simm.s32 $0x108;
	_ =	swait.ge @!p0 [sflag:s8], $0x0  }
0x24: {  	s3 =	sadd.s32 $0x88, s3;
	s6 =	simm.s32 @!p1 $0x1082;
	[sflag:s4] =	ssyncset.s32 $0xFFFFF086  }
0x25: {  	[simem:s6], [sflag:s4] =	dma.local [hbm:s3], $0xF7A  }
0x26: {  	[smem:$0x3F97] =	sst s1;
	(tag) =	ssettag s2;
	_ =	strace s9  }
0x27: {  	s1 =	sld [smem:$0x3FA7]  }
0x28: {  	s2 =	sld [smem:$0x3FA8]  }
0x29: {  	s4 =	sld [smem:$0x3FAA]  }
0x2a: {  	p0 =	seq.s32 s5, $0x0;
	s5 =	sld [smem:$0x3FAB]  }
0x2b: {  	s6 =	sld [smem:$0x3FAC]  }
0x2c: {  	s7 =	sld [smem:$0x3FAD]  }
0x2d: {  	s3 =	simm.s32 $0x108;
	s8 =	sld [smem:$0x3FAE]  }
0x2e: {  	s3 =	simm.s32 @!p0 $0x1082;
	s9 =	sld [smem:$0x3FAF]  }
0x2f: {  	lr =	sadd.s32 s0, s3;
	s0 =	sld [smem:$0x3FA6]  }
0x30: {  	s3 =	sld [smem:$0x3FA9]  }
0x31: {  	[smem:$0x3FB2] =	sst s10  }
0x32: {  	s10 =	sld [smem:$0x3FB0];
	_ =	sdelay $0x3  }
0x33: {  	p0 =	seq.s32 s10, $0x1;
	s10 =	sld [smem:$0x3FB2];
	_ =	sdelay $0x3  }
0x34: {  	[smem:$0x3FB2] =	sst s10  }
0x35: {  	s10 =	sld [smem:$0x3FB1];
	_ =	sdelay $0x3  }
0x36: {  	p1 =	seq.s32 s10, $0x1;
	s10 =	sld [smem:$0x3FB2];
	_ =	sdelay $0x3  }
0x37: {  	[smem:$0x3FB2] =	sst s10  }
0x38: {  	s10 =	sld [smem:$0x3FB3]  }
0x39: {  	_ = 	snop;
	(pc) =	sbr.ind lr, $3  }
0x3a: {  	_ = 	snop  }
0x3b: {  	_ = 	snop  }
0x3c: {  	p2 =	seq.s32 s10, $0x1;
	s10 =	sld [smem:$0x3FB2]  }
0x3d: {  	_ =	shalt  }
0x3e: {  	_ =	shalt  }
0x3f: {  	_ =	shalt  }
0x40: {  	_ =	shalt  }
0x41: {  	_ =	shalt  }
0x42: {  	_ =	shalt  }
0x43: {  	_ =	shalt  }
0x44: {  	_ =	shalt  }
0x45: {  	_ =	shalt  }
0x46: {  	_ =	shalt  }
0x47: {  	_ =	shalt  }
0x48: {  	_ =	shalt  }
0x49: {  	_ =	shalt  }
0x4a: {  	_ =	shalt  }
0x4b: {  	_ =	shalt  }
0x4c: {  	_ =	shalt  }
0x4d: {  	_ =	shalt  }
0x4e: {  	_ =	shalt  }
0x4f: {  	_ =	shalt  }
0x50: {  	_ =	shalt  }
0x51: {  	_ =	shalt  }
0x52: {  	_ =	shalt  }
0x53: {  	_ =	shalt  }
0x54: {  	_ =	shalt  }
0x55: {  	_ =	shalt  }
0x56: {  	_ =	shalt  }
0x57: {  	_ =	shalt  }
0x58: {  	_ =	shalt  }
0x59: {  	_ =	shalt  }
0x5a: {  	_ =	shalt  }
0x5b: {  	_ =	shalt  }
0x5c: {  	_ =	shalt  }
0x5d: {  	_ =	shalt  }
0x5e: {  	_ =	shalt  }
0x5f: {  	_ =	shalt  }
0x60: {  	_ =	shalt  }
0x61: {  	_ =	shalt  }
0x62: {  	_ =	shalt  }
0x63: {  	_ =	shalt  }
0x64: {  	_ =	shalt  }
0x65: {  	_ =	shalt  }
0x66: {  	_ =	shalt  }
0x67: {  	_ =	shalt  }
0x68: {  	_ =	shalt  }
0x69: {  	_ =	shalt  }
0x6a: {  	_ =	shalt  }
0x6b: {  	_ =	shalt  }
0x6c: {  	_ =	shalt  }
0x6d: {  	_ =	shalt  }
0x6e: {  	_ =	shalt  }
0x6f: {  	_ =	shalt  }
0x70: {  	_ =	shalt  }
0x71: {  	_ =	shalt  }
0x72: {  	_ =	shalt  }
0x73: {  	_ =	shalt  }
0x74: {  	_ =	shalt  }
0x75: {  	_ =	shalt  }
0x76: {  	_ =	shalt  }
0x77: {  	_ =	shalt  }
0x78: {  	_ =	shalt  }
0x79: {  	_ =	shalt  }
0x7a: {  	_ =	shalt  }
0x7b: {  	_ =	shalt  }
0x7c: {  	_ =	shalt  }
0x7d: {  	_ =	shalt  }
0x7e: {  	_ =	shalt  }
0x7f: {  	_ =	shalt  }
0x80: {  	_ =	shalt  }
0x81: {  	_ =	shalt  }
0x82: {  	_ =	shalt  }
0x83: {  	_ =	shalt  }
0x84: {  	_ =	shalt  }
0x85: {  	_ =	shalt  }
0x86: {  	_ =	shalt  }
0x87: {  	_ =	shalt  }
.Lfunc_end0:
.L_simem_size_0:
called_computation.3_lowered:
.L_overlay_start_0:
0x88: {  	s2 =	sld [smem:$0x3FD9]  }
0x89: {  	s3 =	sld [smem:$0x3FFE];
	_ =	sdelay $0x1  }
0x8a: {  	s1 =	srdreg.scid  }
0x8b: {  	s0 =	sand.u32 $0x1, s1  }
0x8c: {  	s17 =	sshll.u32 s0, $0xA;
	s2 =	sadd.s32 s3, s2  }
0x8d: {  	s2 =	sadd.s32 s2, s17  }
0x8e: {  	[smem:$0x3FBE] =	sst s2  }
0x8f: {  	_ = 	snop  }
0x90: {  	s2 =	sld [smem:$0x3FD0];
	(tm) =	ssettm $0x1  }
0x91: {  	s18 =	sld [smem:$0x3FFB];
	_ =	sdelay $0x3  }
0x92: {  	_ =	strace s18  }
0x93: {  	s3 =	sld [smem:$0x3FFC];
	_ =	sdelay $0x3  }
0x94: {  	_ =	strace s3  }
0x95: {  	s3 =	sld [smem:$0x3FFD];
	_ =	sdelay $0x3  }
0x96: {  	_ =	strace s3  }
0x97: {  	_ =	strace $0x8FFFFFFF  }
0x98: {  	s19 =	sld [smem:$0x3FDB];
	_ =	sdelay $0x1  }
0x99: {  	s4 =	simm.s32 $_scs_section_size  }
0x9a: {  	s5 =	simm.s32 $_size__tile_overlayer_lowered;
	s6 =	simm.s32 $_tile_overlayer_lowered  }
0x9b: {  	s22 =	simm.s32 $0x1BFF;
	s21 =	sshll.u32 s6, $0x1;
	s3 =	sadd.s32 s4, s19  }
0x9c: {  	s7 =	simm.s32 $0x0;
	s20 =	sshll.u32 s5, $0x1;
	s5 =	sadd.s32 s21, s3  }
0x9d: {  	[timem:s7], [sflag:s22] =	dma.local [hbm:s5], s20  }
0x9e: {  	_ =	swait.ge [sflag:s22], s20  }
0x9f: {  	s4 =	ssub.s32 $0x0, s20;
	[sflag:s22] =	ssyncset.done $0x0  }
0xa0: {  	[sflag:s22] =	ssyncadd.s32 s4;
	_ =	sdelay $0x1  }
0xa1: {  	s23 =	simm.s32 $0x1B8B  }
0xa2: {  	_ =	swait.ge [sflag:s23], $0x1  }
0xa3: {  	[sflag:s23] =	ssyncset.done $0x0  }
0xa4: {  	s25 =	simm.s32 $0x1B8E;
	s24 =	sld [smem:$0x3FFE];
	[sflag:s23] =	ssyncadd.s32 $0xFFFFFFFF  }
0xa5: {  	s26 =	simm.s32 $execute0_lowered;
	[smem:$0x3FD2] =	sst s25  }
0xa6: {  	s5 =	sshll.u32 s26, $0x1;
	_ =	strace $0x8000004F;
	[dreg:$0x1] =	wrdreg $0xFFFFFFFF  }
0xa7: {  	s28 =	simm.s32 $_size_execute0_lowered;
	s3 =	sadd.s32 s3, s5;
	[dreg:$0x0] =	wrdreg $0x0  }
0xa8: {  	s5 =	sshll.u32 s28, $0x1;
	[dreg:$0x2] =	wrdreg s3  }
0xa9: {  	[dreg:$0x3] =	wrdreg s5  }
0xaa: {  	[dreg:$0x4] =	wrdreg $0xC0  }
0xab: {  	_ =	task [dreg:s7], $0x5FFFF  }
0xac: {  	[dreg:$0x1] =	wrdreg $0xFFFFFFFF  }
0xad: {  	[dreg:$0x0] =	wrdreg $0x60  }
0xae: {  	[dreg:$0x2] =	wrdreg s2  }
0xaf: {  	[dreg:$0x3] =	wrdreg s24  }
0xb0: {  	[dreg:$0x4] =	wrdreg $0xA8000  }
0xb1: {  	[dreg:$0x5] =	wrdreg $0x9  }
0xb2: {  	_ =	task.clear_ibuf [dreg:s7], $0x6FFFF;
	_ =	strace $0x9000004F  }
0xb3: {  	s29 =	simm.s32 $0x9;
	_ =	strace $0x80000051  }
0xb4: {  	_ =	swait.ge [sflag:s29], $0x1  }
0xb5: {  	[sflag:s29] =	ssyncadd.s32 $0xFFFFFFFF  }
0xb6: {  	_ =	strace $0x90000051  }
0xb7: {  	_ =	sfence  }
0xb8: {  	s30 =	sld [smem:$0x0];
	_ =	sdelay $0x2  }
0xb9: {  	s31 =	sshll.u32 s1, $0xD;
	s1 =	sshrl.u32 s1, $0x2  }
0xba: {  	s3 =	sand.u32 $0x4000, s31;
	s1 =	sadd.s32 s1, s30  }
0xbb: {  	s0 =	sor.u32 s3, s0;
	s1 =	sshll.u32 s1, $0x11  }
0xbc: {  	s0 =	sor.u32 s1, s0  }
0xbd: {  	s0 =	sadd.s32 $0x8F2B, s0  }
0xbe: {  	[sflag:s0] =	ssyncadd.remote.s32 $0x1  }
0xbf: {  	_ =	sfence.sel $0xFFFF  }
0xc0: {  	[dreg:$0x0] =	wrdreg $0xFFFFFFFF;
	(pc) =	sbr.abs _section_cstart, $3  }
0xc1: {  	[dreg:$0x1] =	wrdreg $0xFFFFFFFF  }
0xc2: {  	_ =	task.clear_ibuf [dreg:s7], $0x2FFFF;
	_ =	strace $0x9FFFFFFF  }
0xc3: {  	(tm) =	ssettm $0x7FFFFFFF  }
tec
execute0_lowered:
.L_overlay_start_1:
0x0: {  	(tag) =	ssettag $0x1  }
0x1: {  	s1 =	rddreg [dreg:$0x0]  }
0x2: {  	s6 =	rddreg [dreg:$0x1]  }
0x3: {  	s2 =	rddreg [dreg:$0x2]  }
0x4: {  	s3 =	srdreg.scid;
	s0 =	rddreg [dreg:$0x3]  }
0x5: {  	s4 =	simm.s32 $0x0;
	s16 =	simm.s32 $0x80;
	s17 =	simm.s32 $0x2800  }
0x6: {  	s18 =	simm.s32 $0x6800;
	s19 =	simm.s32 $0x1;
	s20 =	simm.s32 $0x2  }
0x7: {  	s21 =	simm.s32 $0x1380;
	s22 =	simm.s32 $0x2700;
	s23 =	simm.s32 $0x2780  }
0x8: {  	s7 =	sand.u32 $0x1, s3;
	s3 =	stileid.u32;
	[smem:$0x7FF] =	sst s4  }
0x9: {  	s10 =	sadd.s32 $0x4E00, s6;
	s11 =	sadd.s32 $0xEE00, s6;
	s8 =	smul.u32 $0x13C000, s7  }
0xa: {  	s5 =	sadd.s32 $0x68E00, s6;
	s9 =	smul.u32 $0x13C00, s3;
	_ =	strace $0x80000050  }
0xb: {  	s24 =	sshll.u32 s7, $0x4;
	s7 =	ssub.s32 $0x2, s7;
	s12 =	smul.u32 $0x4F000, s3  }
0xc: {  	s26 =	sshll.u32 s3, $0x6;
	s13 =	sshrl.u32 s7, $0x1;
	s8 =	sadd.s32 s9, s8  }
0xd: {  	s9 =	sor.u32 s3, s24;
	s13 =	ssub.s32 s7, s13;
	s25 =	sshrl.u32 s12, $0x2  }
0xe: {  	s24 =	simm.s32 $0x0;
	s8 =	sshrl.u32 s8, $0x3;
	s14 =	smul.u32 $0x2800, s9  }
0xf: {  	s28 =	smul.u32 $0x500, s9;
	s30 =	sadd.s32 s25, s2;
	s12 =	smax.u32 s13, $0x1  }
0x10: {  	s15 =	sadd.s32 s8, s6;
	s6 =	sor.u32 $0x1C03, s26;
	s29 =	sshrl.u32 s14, $0x3  }
0x11: {  	s13 =	sshrl.u32 s30, $0x3;
	s7 =	sadd.s32 s10, s28;
	s31 =	sadd.s32 $0x280, s29  }
0x12: {  	s8 =	sadd.s32 s11, s28;
	s14 =	simm.s32 $0x3;
	s9 =	sadd.s32 s10, s31  }
0x13: {  	s10 =	sadd.s32 s11, s31;
	s11 =	sadd.s32 $0x6B600, s15;
	s15 =	simm.s32 $0x1400  }
.LBB2_1:
0x14: {  	[spmem:s13], [sflag:s6] =	dma.local [hbm:s5], $0x2780  }
0x15: {  	_ =	swait.ge [sflag:s14], $0x2780  }
0x16: {  	[sflag:s14] =	ssyncset.done $0x0  }
0x17: {  	[sflag:s14] =	ssyncadd.s32 $0xFFFFD880  }
0x18: {  	[bflag:$0x0] =	sbarrier.arrive $0xFFFF  }
0x19: {  	[tilespmem:s4], [sflag:$0x3] =	stream.linear.gather [hbm4b:s7+s4], $0x1400, $0x38;
	[tilespmem:$0x1E400] =	vst v63  }
0x1a: {  	_ =	swait.ge [sflag:s14], $0x1400  }
0x1b: {  	[sflag:s14] =	ssyncset.done $0x0  }
0x1c: {  	[sflag:s14] =	ssyncadd.s32 $0xFFFFEC00  }
0x1d: {  	[tilespmem:s15], [sflag:$0x3] =	stream.linear.gather [hbm4b:s8+s4], $0x1400, $0x38;
	[tilespmem:$0x1E400] =	vst v63  }
0x1e: {  	_ =	swait.ge [sflag:s14], $0x1400  }
0x1f: {  	[sflag:s14] =	ssyncset.done $0x0  }
0x20: {  	[sflag:s14] =	ssyncadd.s32 $0xFFFFEC00  }
0x21: {  	[tilespmem:s17], [sflag:$0x1] =	stream.indirect.gather [hbm4b:s1+s16], $0x80, s4, s16, $0xb8;
	[tilespmem:$0x1E400] =	vst v63  }
0x22: {  	s25 =	simm.s32 $0x80  }
0x23: {  	[tilespmem:s18], [sflag:$0x2] =	stream.indirect.gather [hbm4b:s1+s16], $0x80, s25, s16, $0xb8;
	[tilespmem:$0x1E400] =	vst v63  }
0x24: {  	_ =	swait.ge [sflag:s19], $0x4000  }
0x25: {  	[sflag:s19] =	ssyncset.done $0x0  }
0x26: {  	s29 =	simm.s32 $0x1400;
	[sflag:s19] =	ssyncadd.s32 $0xFFFFC000  }
0x27: {  	[spmem:s2] =	stream.indirect.scatter.add.f32 [tilespmem:s17], [sflag:$0x3], $0x80, s29, s16, $0xb8;
	[tilespmem:$0x1E400] =	vst v63  }
0x28: {  	_ =	swait.ge [sflag:s14], $0x4000  }
0x29: {  	[sflag:s14] =	ssyncset.done $0x0  }
0x2a: {  	s30 =	simm.s32 $0x100;
	[sflag:s14] =	ssyncadd.s32 $0xFFFFC000  }
0x2b: {  	[tilespmem:s17], [sflag:$0x1] =	stream.indirect.gather [hbm4b:s1+s16], $0x80, s30, s16, $0xb8;
	[tilespmem:$0x1E400] =	vst v63  }
0x2c: {  	_ =	swait.ge [sflag:s20], $0x4000  }
0x2d: {  	[sflag:s20] =	ssyncset.done $0x0  }
0x2e: {  	s31 =	simm.s32 $0x1480;
	[sflag:s20] =	ssyncadd.s32 $0xFFFFC000  }
0x2f: {  	[spmem:s2] =	stream.indirect.scatter.add.f32 [tilespmem:s18], [sflag:$0x3], $0x80, s31, s16, $0xb8;
	[tilespmem:$0x1E400] =	vst v63  }
0x30: {  	_ =	swait.ge [sflag:s14], $0x4000  }
0x31: {  	s26 =	simm.s32 $0x800;
	s25 =	simm.s32 $0x100;
	[sflag:s14] =	ssyncset.done $0x0  }
.LBB2_2:
0x32: {  	s28 =	sadd.s32 $0x80, s25  }
0x33: {  	[sflag:s14] =	ssyncadd.s32 $0xFFFFC000;
	s29 =	smov.u32 s26;
	s30 =	sadd.s32 $0x400, s26  }
0x34: {  	[tilespmem:s18], [sflag:$0x2] =	stream.indirect.gather [hbm4b:s1+s16], $0x80, s28, s16, $0xb8;
	[tilespmem:$0x1E400] =	vst v63  }
0x35: {  	p0 =	sne.s32 s26, $0x4800;
	_ =	swait.ge [sflag:s19], $0x4000  }
0x36: {  	[sflag:s19] =	ssyncset.done $0x0  }
0x37: {  	s26 =	sadd.s32 $0x1400, s25;
	[sflag:s19] =	ssyncadd.s32 $0xFFFFC000  }
0x38: {  	[spmem:s2] =	stream.indirect.scatter.add.f32 [tilespmem:s17], [sflag:$0x3], $0x80, s26, s16, $0xb8;
	[tilespmem:$0x1E400] =	vst v63  }
0x39: {  	_ =	swait.ge [sflag:s14], $0x4000  }
0x3a: {  	[sflag:s14] =	ssyncset.done $0x0  }
0x3b: {  	s26 =	sadd.s32 $0x100, s25;
	[sflag:s14] =	ssyncadd.s32 $0xFFFFC000  }
0x3c: {  	[tilespmem:s17], [sflag:$0x1] =	stream.indirect.gather [hbm4b:s1+s16], $0x80, s26, s16, $0xb8;
	[tilespmem:$0x1E400] =	vst v63  }
0x3d: {  	_ =	swait.ge [sflag:s20], $0x4000  }
.Ltmp0:
0x3e: {  	[sflag:s20] =	ssyncset.done $0x0;
	(pc) =	sbr.rel @p0 .LBB2_2-.Ltmp0, $4  }
0x3f: {  	s25 =	sadd.s32 $0x1480, s25;
	[sflag:s20] =	ssyncadd.s32 $0xFFFFC000  }
0x40: {  	[spmem:s2] =	stream.indirect.scatter.add.f32 [tilespmem:s18], [sflag:$0x3], $0x80, s25, s16, $0xb8;
	[tilespmem:$0x1E400] =	vst v63  }
0x41: {  	_ =	swait.ge [sflag:s14], $0x4000  }
0x42: {  	s26 =	smov.u32 s30;
	s25 =	sshra.s32 s29, $0x2;
	[sflag:s14] =	ssyncset.done $0x0  }
0x43: {  	s26 =	sadd.s32 $0x80, s25;
	[sflag:s14] =	ssyncadd.s32 $0xFFFFC000  }
0x44: {  	[tilespmem:s18], [sflag:$0x2] =	stream.indirect.gather [hbm4b:s1+s16], $0x80, s26, s16, $0xb8;
	[tilespmem:$0x1E400] =	vst v63  }
0x45: {  	_ =	swait.ge [sflag:s19], $0x4000  }
0x46: {  	[sflag:s19] =	ssyncset.done $0x0  }
0x47: {  	s29 =	sadd.s32 $0x1400, s25;
	[sflag:s19] =	ssyncadd.s32 $0xFFFFC000  }
0x48: {  	[spmem:s2] =	stream.indirect.scatter.add.f32 [tilespmem:s17], [sflag:$0x3], $0x80, s29, s16, $0xb8;
	[tilespmem:$0x1E400] =	vst v63  }
0x49: {  	_ =	swait.ge [sflag:s14], $0x4000  }
0x4a: {  	[sflag:s14] =	ssyncset.done $0x0  }
0x4b: {  	s30 =	sadd.s32 $0x100, s25;
	[sflag:s14] =	ssyncadd.s32 $0xFFFFC000  }
0x4c: {  	[tilespmem:s17], [sflag:$0x1] =	stream.indirect.gather [hbm4b:s1+s16], $0x80, s30, s16, $0xb8;
	[tilespmem:$0x1E400] =	vst v63  }
0x4d: {  	_ =	swait.ge [sflag:s20], $0x4000  }
0x4e: {  	[sflag:s20] =	ssyncset.done $0x0  }
0x4f: {  	s31 =	sadd.s32 $0x1480, s25;
	[sflag:s20] =	ssyncadd.s32 $0xFFFFC000  }
0x50: {  	[spmem:s2] =	stream.indirect.scatter.add.f32 [tilespmem:s18], [sflag:$0x3], $0x80, s31, s16, $0xb8;
	[tilespmem:$0x1E400] =	vst v63  }
0x51: {  	_ =	swait.ge [sflag:s14], $0x4000  }
0x52: {  	[sflag:s14] =	ssyncset.done $0x0  }
0x53: {  	[sflag:s14] =	ssyncadd.s32 $0xFFFFC000  }
0x54: {  	[tilespmem:s18], [sflag:$0x2] =	stream.indirect.gather [hbm4b:s1+s16], $0x80, s21, s16, $0xb8;
	[tilespmem:$0x1E400] =	vst v63  }
0x55: {  	_ =	swait.ge [sflag:s19], $0x4000  }
0x56: {  	[sflag:s19] =	ssyncset.done $0x0  }
0x57: {  	[sflag:s19] =	ssyncadd.s32 $0xFFFFC000  }
0x58: {  	[spmem:s2] =	stream.indirect.scatter.add.f32 [tilespmem:s17], [sflag:$0x3], $0x80, s22, s16, $0xb8;
	[tilespmem:$0x1E400] =	vst v63  }
0x59: {  	_ =	swait.ge [sflag:s14], $0x4000  }
0x5a: {  	[sflag:s14] =	ssyncset.done $0x0  }
0x5b: {  	[sflag:s14] =	ssyncadd.s32 $0xFFFFC000  }
0x5c: {  	_ =	swait.ge [sflag:s20], $0x4000  }
0x5d: {  	[sflag:s20] =	ssyncset.done $0x0  }
0x5e: {  	[sflag:s20] =	ssyncadd.s32 $0xFFFFC000  }
0x5f: {  	[spmem:s2] =	stream.indirect.scatter.add.f32 [tilespmem:s18], [sflag:$0x3], $0x80, s23, s16, $0xb8;
	[tilespmem:$0x1E400] =	vst v63  }
0x60: {  	_ =	swait.ge [sflag:s14], $0x4000  }
0x61: {  	[sflag:s14] =	ssyncset.done $0x0  }
0x62: {  	s26 =	simm.s32 $0x0;
	[sflag:s14] =	ssyncadd.s32 $0xFFFFC000  }
0x63: {  	[tilespmem:s26], [sflag:$0x3] =	stream.linear.gather [hbm4b:s9+s26], $0x1400, $0x38;
	[tilespmem:$0x1E400] =	vst v63  }
0x64: {  	_ =	swait.ge [sflag:s14], $0x1400  }
0x65: {  	[sflag:s14] =	ssyncset.done $0x0  }
0x66: {  	[sflag:s14] =	ssyncadd.s32 $0xFFFFEC00  }
0x67: {  	[tilespmem:s15], [sflag:$0x3] =	stream.linear.gather [hbm4b:s10+s26], $0x1400, $0x38;
	[tilespmem:$0x1E400] =	vst v63  }
0x68: {  	_ =	swait.ge [sflag:s14], $0x1400  }
0x69: {  	[sflag:s14] =	ssyncset.done $0x0  }
0x6a: {  	[sflag:s14] =	ssyncadd.s32 $0xFFFFEC00  }
0x6b: {  	[tilespmem:s17], [sflag:$0x1] =	stream.indirect.gather [hbm4b:s1+s16], $0x80, s26, s16, $0xb8;
	[tilespmem:$0x1E400] =	vst v63  }
0x6c: {  	s28 =	simm.s32 $0x80  }
0x6d: {  	[tilespmem:s18], [sflag:$0x2] =	stream.indirect.gather [hbm4b:s1+s16], $0x80, s28, s16, $0xb8;
	[tilespmem:$0x1E400] =	vst v63  }
0x6e: {  	_ =	swait.ge [sflag:s19], $0x4000  }
0x6f: {  	[sflag:s19] =	ssyncset.done $0x0  }
0x70: {  	s29 =	simm.s32 $0x1400;
	[sflag:s19] =	ssyncadd.s32 $0xFFFFC000  }
0x71: {  	[spmem:s2] =	stream.indirect.scatter.add.f32 [tilespmem:s17], [sflag:$0x3], $0x80, s29, s16, $0xb8;
	[tilespmem:$0x1E400] =	vst v63  }
0x72: {  	_ =	swait.ge [sflag:s14], $0x4000  }
0x73: {  	[sflag:s14] =	ssyncset.done $0x0  }
0x74: {  	s30 =	simm.s32 $0x100;
	[sflag:s14] =	ssyncadd.s32 $0xFFFFC000  }
0x75: {  	[tilespmem:s17], [sflag:$0x1] =	stream.indirect.gather [hbm4b:s1+s16], $0x80, s30, s16, $0xb8;
	[tilespmem:$0x1E400] =	vst v63  }
0x76: {  	_ =	swait.ge [sflag:s20], $0x4000  }
0x77: {  	[sflag:s20] =	ssyncset.done $0x0  }
0x78: {  	s31 =	simm.s32 $0x1480;
	[sflag:s20] =	ssyncadd.s32 $0xFFFFC000  }
0x79: {  	[spmem:s2] =	stream.indirect.scatter.add.f32 [tilespmem:s18], [sflag:$0x3], $0x80, s31, s16, $0xb8;
	[tilespmem:$0x1E400] =	vst v63  }
0x7a: {  	_ =	swait.ge [sflag:s14], $0x4000  }
0x7b: {  	s25 =	simm.s32 $0x100;
	s26 =	simm.s32 $0x800;
	[sflag:s14] =	ssyncset.done $0x0  }
.LBB2_4:
0x7c: {  	s28 =	sadd.s32 $0x80, s25  }
0x7d: {  	[sflag:s14] =	ssyncadd.s32 $0xFFFFC000;
	s29 =	smov.u32 s26;
	s30 =	sadd.s32 $0x400, s26  }
0x7e: {  	[tilespmem:s18], [sflag:$0x2] =	stream.indirect.gather [hbm4b:s1+s16], $0x80, s28, s16, $0xb8;
	[tilespmem:$0x1E400] =	vst v63  }
0x7f: {  	p0 =	sne.s32 s26, $0x4800;
	_ =	swait.ge [sflag:s19], $0x4000  }
0x80: {  	[sflag:s19] =	ssyncset.done $0x0  }
0x81: {  	s26 =	sadd.s32 $0x1400, s25;
	[sflag:s19] =	ssyncadd.s32 $0xFFFFC000  }
0x82: {  	[spmem:s2] =	stream.indirect.scatter.add.f32 [tilespmem:s17], [sflag:$0x3], $0x80, s26, s16, $0xb8;
	[tilespmem:$0x1E400] =	vst v63  }
0x83: {  	_ =	swait.ge [sflag:s14], $0x4000  }
0x84: {  	[sflag:s14] =	ssyncset.done $0x0  }
0x85: {  	s26 =	sadd.s32 $0x100, s25;
	[sflag:s14] =	ssyncadd.s32 $0xFFFFC000  }
0x86: {  	[tilespmem:s17], [sflag:$0x1] =	stream.indirect.gather [hbm4b:s1+s16], $0x80, s26, s16, $0xb8;
	[tilespmem:$0x1E400] =	vst v63  }
0x87: {  	_ =	swait.ge [sflag:s20], $0x4000  }
.Ltmp1:
0x88: {  	[sflag:s20] =	ssyncset.done $0x0;
	(pc) =	sbr.rel @p0 .LBB2_4-.Ltmp1, $4  }
0x89: {  	s25 =	sadd.s32 $0x1480, s25;
	[sflag:s20] =	ssyncadd.s32 $0xFFFFC000  }
0x8a: {  	[spmem:s2] =	stream.indirect.scatter.add.f32 [tilespmem:s18], [sflag:$0x3], $0x80, s25, s16, $0xb8;
	[tilespmem:$0x1E400] =	vst v63  }
0x8b: {  	_ =	swait.ge [sflag:s14], $0x4000  }
0x8c: {  	s26 =	smov.u32 s30;
	s25 =	sshra.s32 s29, $0x2;
	[sflag:s14] =	ssyncset.done $0x0  }
0x8d: {  	s26 =	sadd.s32 $0x80, s25;
	[sflag:s14] =	ssyncadd.s32 $0xFFFFC000  }
0x8e: {  	[tilespmem:s18], [sflag:$0x2] =	stream.indirect.gather [hbm4b:s1+s16], $0x80, s26, s16, $0xb8;
	[tilespmem:$0x1E400] =	vst v63  }
0x8f: {  	_ =	swait.ge [sflag:s19], $0x4000  }
0x90: {  	[sflag:s19] =	ssyncset.done $0x0  }
0x91: {  	s29 =	sadd.s32 $0x1400, s25;
	[sflag:s19] =	ssyncadd.s32 $0xFFFFC000  }
0x92: {  	[spmem:s2] =	stream.indirect.scatter.add.f32 [tilespmem:s17], [sflag:$0x3], $0x80, s29, s16, $0xb8;
	[tilespmem:$0x1E400] =	vst v63  }
0x93: {  	_ =	swait.ge [sflag:s14], $0x4000  }
0x94: {  	[sflag:s14] =	ssyncset.done $0x0  }
0x95: {  	s30 =	sadd.s32 $0x100, s25;
	[sflag:s14] =	ssyncadd.s32 $0xFFFFC000  }
0x96: {  	[tilespmem:s17], [sflag:$0x1] =	stream.indirect.gather [hbm4b:s1+s16], $0x80, s30, s16, $0xb8;
	[tilespmem:$0x1E400] =	vst v63  }
0x97: {  	_ =	swait.ge [sflag:s20], $0x4000  }
0x98: {  	[sflag:s20] =	ssyncset.done $0x0  }
0x99: {  	s31 =	sadd.s32 $0x1480, s25;
	[sflag:s20] =	ssyncadd.s32 $0xFFFFC000  }
0x9a: {  	[spmem:s2] =	stream.indirect.scatter.add.f32 [tilespmem:s18], [sflag:$0x3], $0x80, s31, s16, $0xb8;
	[tilespmem:$0x1E400] =	vst v63  }
0x9b: {  	_ =	swait.ge [sflag:s14], $0x4000  }
0x9c: {  	[sflag:s14] =	ssyncset.done $0x0  }
0x9d: {  	[sflag:s14] =	ssyncadd.s32 $0xFFFFC000  }
0x9e: {  	[tilespmem:s18], [sflag:$0x2] =	stream.indirect.gather [hbm4b:s1+s16], $0x80, s21, s16, $0xb8;
	[tilespmem:$0x1E400] =	vst v63  }
0x9f: {  	_ =	swait.ge [sflag:s19], $0x4000  }
0xa0: {  	[sflag:s19] =	ssyncset.done $0x0  }
0xa1: {  	[sflag:s19] =	ssyncadd.s32 $0xFFFFC000  }
0xa2: {  	[spmem:s2] =	stream.indirect.scatter.add.f32 [tilespmem:s17], [sflag:$0x3], $0x80, s22, s16, $0xb8;
	[tilespmem:$0x1E400] =	vst v63  }
0xa3: {  	_ =	swait.ge [sflag:s14], $0x4000  }
0xa4: {  	[sflag:s14] =	ssyncset.done $0x0  }
0xa5: {  	[sflag:s14] =	ssyncadd.s32 $0xFFFFC000  }
0xa6: {  	_ =	swait.ge [sflag:s20], $0x4000  }
0xa7: {  	[sflag:s20] =	ssyncset.done $0x0  }
0xa8: {  	[sflag:s20] =	ssyncadd.s32 $0xFFFFC000  }
0xa9: {  	[spmem:s2] =	stream.indirect.scatter.add.f32 [tilespmem:s18], [sflag:$0x3], $0x80, s23, s16, $0xb8;
	[tilespmem:$0x1E400] =	vst v63  }
0xaa: {  	_ =	swait.ge [sflag:s14], $0x4000  }
0xab: {  	s24 =	sadd.s32 $0x1, s24;
	[sflag:s14] =	ssyncset.done $0x0  }
0xac: {  	p0 =	sne.s32 s24, s12;
	[sflag:s14] =	ssyncadd.s32 $0xFFFFC000  }
.Ltmp2:
0xad: {  	[bflag:$0x0] =	sbarrier.arrive $0xFFFF;
	(pc) =	sbr.rel @p0 .LBB2_1-.Ltmp2, $4  }
0xae: {  	[hbm:s11], [sflag:s6] =	dma.local [spmem:s13], $0x2780  }
0xaf: {  	_ =	swait.ge [sflag:s14], $0x2780  }
0xb0: {  	[sflag:s14] =	ssyncset.done $0x0  }
0xb1: {  	[sflag:s14] =	ssyncadd.s32 $0xFFFFD880  }
0xb2: {  	_ =	sfence.sel $0x180000  }
0xb3: {  	[bflag:$0x0] =	sbarrier.arrive $0xFFFF  }
0xb4: {  	p0 =	sne.s32 s3, $0x0;
	_ =	strace $0x90000050  }
0xb5: {  	s0 =	sadd.s32 @!p0 $0x100000, s0;
	[bflag:$0x2] =	sbarrier.arrive $0xFFFF  }
0xb6: {  	[sflag:s0] =	ssyncadd.tile.s32 @!p0 $0x1;
	_ =	shalt  }
.Lfunc_end2:
_tile_overlayer_lowered:
.L_overlay_start_2:
0xb7: {  	(tag) =	ssettag $0x2  }
0xb8: {  	s0 =	rddreg [dreg:$0x0];
	s2 =	stileid.u32  }
0xb9: {  	s1 =	rddreg [dreg:$0x1];
	p0 =	sne.s32 s2, $0x0  }
0xba: {  	s3 =	rddreg [dreg:$0x2];
	[bflag:$0x3] =	sbarrier.arrive $0xFFFF;
	s2 =	simm.s32 @!p0 $0x1C03  }
0xbb: {  	[timem:s3], [sflag:s2] =	dma.local @!p0 [hbm:s0], s1  }
0xbc: {  	s0 =	simm.s32 @!p0 $0x3  }
0xbd: {  	_ =	swait.ge @!p0 [sflag:s0], s1  }
0xbe: {  	s1 =	ssub.s32 @!p0 $0x0, s1;
	[sflag:s0] =	ssyncset.done @!p0 $0x0  }
0xbf: {  	[sflag:s0] =	ssyncadd.s32 @!p0 s1  }
0xc0: {  	[bflag:$0x3] =	sbarrier.arrive $0xFFFF  }
0xc1: {  	_ =	shalt  }

</sc_bundles>
